<compile_context>
chip_gen: v7x
topology: tpu7x:2x2x1
jax: 0.10.2.dev20260603
libtpu: 0.0.44.dev20260713+nightly
codegen_flags: <defaults>
</compile_context>

<pallas_src>
import functools

import jax
import jax.numpy as jnp
from jax import lax
from jax.experimental import pallas as pl
from jax.experimental.pallas import tpu as pltpu
from jax.experimental.pallas import tpu_sc as plsc

NC = 2
NS = 16
L = 16
NW = NC * NS
DC = 64


def _deg_call(N, E, B=1000):
    EPW = E // NW
    NIT = EPW // B
    RPT = N // NS

    mesh = plsc.VectorSubcoreMesh(core_axis_name="c", subcore_axis_name="s")

    @functools.partial(
        pl.kernel,
        out_type=jax.ShapeDtypeStruct((NC, N, L), jnp.float32),
        mesh=mesh,
        scratch_types=[
            pltpu.VMEM((B,), jnp.int32),
            pltpu.VMEM((B,), jnp.int32),
            pltpu.VMEM((B, L), jnp.float32),
            pltpu.SemaphoreType.DMA,
            pltpu.SemaphoreType.DMA,
            pltpu.SemaphoreType.DMA,
            pltpu.SemaphoreType.DMA,
            pltpu.VMEM_SHARED((N, L), jnp.float32),
        ],
        compiler_params=pltpu.CompilerParams(use_tc_tiling_on_sc=False),
    )
    def deg_k(dst_hbm, zeros_hbm, out_hbm,
              dst_v0, dst_v1, ones_v, isem0, isem1, ssem0, ssem1, acc):
        cid = lax.axis_index("c")
        sid = lax.axis_index("s")
        wid = cid * NS + sid
        dst_vs = (dst_v0, dst_v1)
        isems = (isem0, isem1)
        ssems = (ssem0, ssem1)

        def fill(j, carry):
            ones_v[j, :] = jnp.full((L,), 1.0, jnp.float32)
            return carry

        lax.fori_loop(0, B, fill, 0)
        pltpu.sync_copy(zeros_hbm, acc.at[pl.ds(sid * RPT, RPT)])
        plsc.subcore_barrier()

        for b in range(2):
            pltpu.async_copy(dst_hbm.at[pl.ds(wid * EPW + b * B, B)],
                             dst_vs[b], isems[b])

        def step(k, carry):
            g = k * 2
            for b in range(2):
                i = g + b
                q = 1 - b

                @pl.when(i < NIT)
                def _():
                    pltpu.make_async_copy(
                        dst_hbm.at[pl.ds(0, B)], dst_vs[b], isems[b]).wait()
                    pltpu.async_copy(ones_v, acc.at[dst_vs[b]], ssems[b],
                                     add=True)

                    @pl.when((i >= 1) & (i + 1 < NIT))
                    def _():
                        pltpu.make_async_copy(
                            ones_v, acc.at[dst_vs[q]], ssems[q]).wait()
                        pltpu.async_copy(
                            dst_hbm.at[pl.ds(wid * EPW + (i + 1) * B, B)],
                            dst_vs[q], isems[q])

            return carry

        lax.fori_loop(0, (NIT + 1) // 2, step, 0)
        for b in range(2):
            pltpu.make_async_copy(ones_v, acc.at[dst_vs[b]], ssems[b]).wait()
        plsc.subcore_barrier()
        pltpu.sync_copy(acc.at[pl.ds(sid * RPT, RPT)],
                        out_hbm.at[cid, pl.ds(sid * RPT, RPT)])

    return deg_k


def _prop_call(N, E, D, B=400, NB=3):
    EPW = E // NW
    NIT = EPW // B
    RPT = N // NS
    P = D // DC

    mesh = plsc.VectorSubcoreMesh(core_axis_name="c", subcore_axis_name="s")

    @functools.partial(
        pl.kernel,
        out_type=jax.ShapeDtypeStruct((NC, N, D), jnp.float32),
        mesh=mesh,
        scratch_types=[
            [pltpu.VMEM((B,), jnp.int32) for _ in range(NB)],
            [pltpu.VMEM((B,), jnp.int32) for _ in range(NB)],
            [pltpu.VMEM((B, DC), jnp.float32) for _ in range(NB)],
            [pltpu.SemaphoreType.DMA for _ in range(NB)],
            [pltpu.SemaphoreType.DMA for _ in range(NB)],
            pltpu.VMEM_SHARED((N, DC), jnp.float32),
        ],
        compiler_params=pltpu.CompilerParams(use_tc_tiling_on_sc=False),
    )
    def prop_k(hs_hbm, src_hbm, dst_hbm, zeros_hbm, out_hbm,
               src_vs, dst_vs, rows_vs, gsems, ssems, acc):
        cid = lax.axis_index("c")
        sid = lax.axis_index("s")
        wid = cid * NS + sid

        for f in range(P):
            hs_f = hs_hbm.at[f]

            @pl.when(cid == 0)
            def _():
                pltpu.sync_copy(hs_f.at[pl.ds(sid * RPT, RPT)],
                                acc.at[pl.ds(sid * RPT, RPT)])

            @pl.when(cid != 0)
            def _():
                pltpu.sync_copy(zeros_hbm, acc.at[pl.ds(sid * RPT, RPT)])

            plsc.subcore_barrier()

            def fetch(j, b):
                base = wid * EPW + j * B
                pltpu.sync_copy(src_hbm.at[pl.ds(base, B)], src_vs[b])
                pltpu.sync_copy(dst_hbm.at[pl.ds(base, B)], dst_vs[b])
                pltpu.async_copy(hs_f.at[src_vs[b]], rows_vs[b], gsems[b])

            def wait_gather(b):
                pltpu.make_async_copy(hs_f.at[src_vs[b]],
                                      rows_vs[b], gsems[b]).wait()

            def wait_scatter(b):
                pltpu.make_async_copy(rows_vs[b], acc.at[dst_vs[b]],
                                      ssems[b]).wait()

            for b in range(NB):
                fetch(b, b)

            def step(k, carry):
                g = k * NB
                for b in range(NB):
                    i = g + b
                    q = (b + 2) % NB

                    @pl.when(i < NIT)
                    def _():
                        wait_gather(b)
                        pltpu.async_copy(rows_vs[b], acc.at[dst_vs[b]],
                                         ssems[b], add=True)

                        @pl.when((i + 2 >= NB) & (i + 2 < NIT))
                        def _():
                            wait_scatter(q)
                            fetch(i + 2, q)

                return carry

            lax.fori_loop(0, (NIT + NB - 1) // NB, step, 0)
            for b in range(NB):
                wait_scatter(b)
            plsc.subcore_barrier()
            pltpu.sync_copy(
                acc.at[pl.ds(sid * RPT, RPT)],
                out_hbm.at[cid, pl.ds(sid * RPT, RPT), pl.ds(f * DC, DC)])
            plsc.subcore_barrier()

    return prop_k


def _dinv_from_deg(d_ref):
    s = d_ref[0] + d_ref[1] + 1.0
    return lax.rsqrt(s)[:, 0:1]


def _mm1_call(degp, X, Wpm, bpm):
    N, Din = X.shape
    P = Wpm.shape[0]
    R = 1000

    def body(d_ref, x_ref, w_ref, b_ref, o_ref):
        dv = _dinv_from_deg(d_ref)
        h = jnp.dot(x_ref[...], w_ref[0],
                    preferred_element_type=jnp.float32) + b_ref[0]
        o_ref[0] = dv * h

    return pl.pallas_call(
        body,
        grid=(N // R, P),
        in_specs=[
            pl.BlockSpec((NC, R, L), lambda i, f: (0, i, 0)),
            pl.BlockSpec((R, Din), lambda i, f: (i, 0)),
            pl.BlockSpec((1, Din, DC), lambda i, f: (f, 0, 0)),
            pl.BlockSpec((1, 1, DC), lambda i, f: (f, 0, 0)),
        ],
        out_specs=pl.BlockSpec((1, R, DC), lambda i, f: (f, i, 0)),
        out_shape=jax.ShapeDtypeStruct((P, N, DC), jnp.float32),
    )(degp, X, Wpm, bpm)


def _mm2_call(degp, parts, Wpm, bpm):
    _, N, Din = parts.shape
    P = Wpm.shape[0]
    R = 1000

    def body(d_ref, p_ref, w_ref, b_ref, o_ref):
        dv = _dinv_from_deg(d_ref)
        act = jnp.maximum(dv * (p_ref[0] + p_ref[1]), 0.0)
        h = jnp.dot(act, w_ref[0],
                    preferred_element_type=jnp.float32) + b_ref[0]
        o_ref[0] = dv * h

    return pl.pallas_call(
        body,
        grid=(N // R, P),
        in_specs=[
            pl.BlockSpec((NC, R, L), lambda i, f: (0, i, 0)),
            pl.BlockSpec((NC, R, Din), lambda i, f: (0, i, 0)),
            pl.BlockSpec((1, Din, DC), lambda i, f: (f, 0, 0)),
            pl.BlockSpec((1, 1, DC), lambda i, f: (f, 0, 0)),
        ],
        out_specs=pl.BlockSpec((1, R, DC), lambda i, f: (f, i, 0)),
        out_shape=jax.ShapeDtypeStruct((P, N, DC), jnp.float32),
    )(degp, parts, Wpm, bpm)


def _final_call(degp, parts):
    _, N, D = parts.shape
    R = 1000

    def body(d_ref, p_ref, o_ref):
        dv = _dinv_from_deg(d_ref)
        o_ref[...] = dv * (p_ref[0] + p_ref[1])

    return pl.pallas_call(
        body,
        grid=(N // R,),
        in_specs=[
            pl.BlockSpec((NC, R, L), lambda i: (0, i, 0)),
            pl.BlockSpec((NC, R, D), lambda i: (0, i, 0)),
        ],
        out_specs=pl.BlockSpec((R, D), lambda i: (i, 0)),
        out_shape=jax.ShapeDtypeStruct((N, D), jnp.float32),
    )(degp, parts)


def kernel(X, edge_index, W1, b1, W2, b2):
    N, D1 = X.shape
    D2 = W2.shape[1]
    E = edge_index.shape[1]
    src = edge_index[0]
    dst = edge_index[1]

    RPT = N // NS
    zeros_deg = jnp.zeros((RPT, L), jnp.float32)
    zeros_dc = jnp.zeros((RPT, DC), jnp.float32)

    P1 = D1 // DC
    P2 = D2 // DC
    W1pm = W1.reshape(D1, P1, DC).transpose(1, 0, 2)
    b1pm = b1.reshape(P1, 1, DC)
    W2pm = W2.reshape(D1, P2, DC).transpose(1, 0, 2)
    b2pm = b2.reshape(P2, 1, DC)

    degp = _deg_call(N, E)(dst, zeros_deg)
    hs1 = _mm1_call(degp, X, W1pm, b1pm)
    p1 = _prop_call(N, E, D1)(hs1, src, dst, zeros_dc)
    hs2 = _mm2_call(degp, p1, W2pm, b2pm)
    p2 = _prop_call(N, E, D2)(hs2, src, dst, zeros_dc)
    return _final_call(degp, p2)

# --- scband reference (transcript-rebuilt; emitter-appended) ---
"""Pipeline reference for scband-gcn-39470749450993 (READ-ONLY COPY).

The authoritative reference and input builder live on the scoring server;
editing this copy changes nothing except your own understanding.
"""

import jax, jax.numpy as jnp
import numpy as np

N_NODES = 10000
N_EDGES = 320000
D_IN = 128
D_HID = 128
D_OUT = 64


def setup_inputs(seed: int = 0) -> dict:
    key = jax.random.key(seed)
    k1, k2, k3, k4, k5, k6 = jax.random.split(key, 6)
    X = jax.random.normal(k1, (N_NODES, D_IN), dtype=jnp.float32)
    edge_index = jax.random.randint(k2, (2, N_EDGES), 0, N_NODES)
    W1 = jax.random.normal(k3, (D_IN, D_HID), dtype=jnp.float32) * (1.0 / np.sqrt(D_IN))
    b1 = jnp.zeros((D_HID,), dtype=jnp.float32)
    W2 = jax.random.normal(k4, (D_HID, D_OUT), dtype=jnp.float32) * (1.0 / np.sqrt(D_HID))
    b2 = jnp.zeros((D_OUT,), dtype=jnp.float32)
    return {"X": X, "edge_index": edge_index, "W1": W1, "b1": b1, "W2": W2, "b2": b2}


def _gcn_layer(X, edge_index, W, b, activate):
    # theta(X): linear transform first (as in dhg GCNConv)
    H = X @ W + b
    N = H.shape[0]
    src = edge_index[0]
    dst = edge_index[1]
    # add self loops (A_hat = A + I)
    loop = jnp.arange(N, dtype=src.dtype)
    src_a = jnp.concatenate([src, loop])
    dst_a = jnp.concatenate([dst, loop])
    # symmetric normalization D^-1/2 A_hat D^-1/2
    deg = jnp.zeros((N,), dtype=jnp.float32).at[dst_a].add(1.0)
    dinv = jax.lax.rsqrt(jnp.maximum(deg, 1e-12))
    norm = dinv[src_a] * dinv[dst_a]
    # gather messages from src, scale, scatter-add into dst
    msg = H[src_a] * norm[:, None]
    out = jnp.zeros_like(H).at[dst_a].add(msg)
    if activate:
        out = jax.nn.relu(out)
    return out


def reference(X, edge_index, W1, b1, W2, b2):
    h = _gcn_layer(X, edge_index, W1, b1, activate=True)
    out = _gcn_layer(h, edge_index, W2, b2, activate=False)
    return out

if __name__ == "__main__":
    import jax
    _d = setup_inputs()
    print(jax.jit(kernel)(*tuple(_d.values())))

</pallas_src>

<mosaic_0001>
#map = affine_map<(d0, d1) -> (0)>
#map1 = affine_map<(d0, d1) -> (0, 0)>
#map2 = affine_map<(d0, d1) -> (0, 0, 0)>
module attributes {stable_mosaic.version = 14 : i64} {
  func.func @deg_k(%arg0: i32, %arg1: i32, %arg2: memref<320000xi32, #tpu.memory_space<hbm>>, %arg3: memref<625x16xf32, #tpu.memory_space<hbm>>, %arg4: memref<2x10000x16xf32, #tpu.memory_space<hbm>>, %arg5: memref<1000xi32, #tpu.memory_space<vmem>>, %arg6: memref<1000xi32, #tpu.memory_space<vmem>>, %arg7: memref<1000x16xf32, #tpu.memory_space<vmem>>, %arg8: memref<!tpu.dma_semaphore, #tpu.memory_space<semaphore_mem>>, %arg9: memref<!tpu.dma_semaphore, #tpu.memory_space<semaphore_mem>>, %arg10: memref<!tpu.dma_semaphore, #tpu.memory_space<semaphore_mem>>, %arg11: memref<!tpu.dma_semaphore, #tpu.memory_space<semaphore_mem>>, %arg12: memref<10000x16xf32, #tpu.memory_space<vmem_shared>>) attributes {dimension_semantics = [#tpu.dimension_semantics<core_parallel>, #tpu.dimension_semantics<subcore_parallel>], iteration_bounds = array<i64: 2, 16>, scalar_prefetch = 0 : i64, scratch_operands = 8 : i64, tpu.core_type = #tpu.core_type<sc_vector_subcore>, window_params = [{transform_indices = #map}, {transform_indices = #map1}, {transform_indices = #map2}]} {
    %mul3A = arith.constant 16 : i32
    %mul3A_0 = arith.muli %arg0, %mul3A : i32
    %add3A = arith.addi %mul3A_0, %arg1 : i32
    %scan3A = arith.constant 0 : i32
    %scan3A_1 = arith.constant 0 : i32
    %scan3A_2 = arith.constant 1000 : i32
    %scan3A_3 = arith.addi %scan3A_1, %scan3A_2 : i32
    %scan3A_4 = arith.constant 1 : i32
    scf.for %scan3A_35 = %scan3A_1 to %scan3A_3 step %scan3A_4  : i32 {
      %broadcast_in_dim3A = arith.constant 1.000000e+00 : f32
      %broadcast_in_dim3A_36 = vector.broadcast %broadcast_in_dim3A : f32 to vector<16xf32>
      %swap3A = arith.index_cast %scan3A_35 : i32 to index
      %swap3A_37 = arith.constant 0 : index
      %swap3A_38 = tpu.vector_load %arg7[%swap3A, %swap3A_37] {strides = array<i32>} : memref<1000x16xf32, #tpu.memory_space<vmem>>, vector<1x16xf32>,
      %swap3A_39 = vector.shape_cast %swap3A_38 : vector<1x16xf32> to vector<16xf32>
      %swap3A_40 = vector.shape_cast %broadcast_in_dim3A_36 : vector<16xf32> to vector<1x16xf32>
      tpu.vector_store %arg7[%swap3A, %swap3A_37], %swap3A_40 {strides = array<i32>} : memref<1000x16xf32, #tpu.memory_space<vmem>>, vector<1x16xf32>,
    }
    %scan3A_5 = arith.constant 1000 : i32
    %mul3A_6 = arith.constant 625 : i32
    %mul3A_7 = arith.muli %arg1, %mul3A_6 : i32
    "tpu.region"() ({
      %run_scoped3A = tpu.sem_alloc : memref<!tpu.dma_semaphore, #tpu.memory_space<semaphore_mem>>
      %dma_start3A_35 = arith.constant 0 : i32
      %dma_start3A_36 = tpu.memref_slice %arg12[%mul3A_7, %dma_start3A_35] : memref<10000x16xf32, #tpu.memory_space<vmem_shared>> -> memref<625x16xf32, #tpu.memory_space<vmem_shared>>
      tpu.enqueue_dma source(%arg3 : memref<625x16xf32, #tpu.memory_space<hbm>>) target(%dma_start3A_36 : memref<625x16xf32, #tpu.memory_space<vmem_shared>>) target_semaphore(%run_scoped3A : memref<!tpu.dma_semaphore, #tpu.memory_space<semaphore_mem>>)
      %dma_wait3A_37 = arith.constant 0 : i32
      %dma_wait3A_38 = tpu.memref_slice %arg12[%mul3A_7, %dma_wait3A_37] : memref<10000x16xf32, #tpu.memory_space<vmem_shared>> -> memref<625x16xf32, #tpu.memory_space<vmem_shared>>
      tpu.wait_dma2 semaphore(%run_scoped3A : memref<!tpu.dma_semaphore, #tpu.memory_space<semaphore_mem>>) src(%arg3 : memref<625x16xf32, #tpu.memory_space<hbm>>) dst(%dma_wait3A_38 : memref<625x16xf32, #tpu.memory_space<vmem_shared>>)
      tpu.yield
    }) : () -> ()
    %barrier3A = arith.constant 0 : index
    tpu.barrier barrier_id(%barrier3A)
    %mul3A_8 = arith.constant 10000 : i32
    %mul3A_9 = arith.muli %add3A, %mul3A_8 : i32
    %add3A_10 = arith.constant 0 : i32
    %add3A_11 = arith.addi %mul3A_9, %add3A_10 : i32
    %dma_start3A = tpu.memref_slice %arg2[%add3A_11] : memref<320000xi32, #tpu.memory_space<hbm>> -> memref<1000xi32, #tpu.memory_space<hbm>>
    %dma_start3A_12 = tpu.memref_slice %arg2[%add3A_11] : memref<320000xi32, #tpu.memory_space<hbm>> -> memref<1000xi32, #tpu.memory_space<hbm>>
    tpu.enqueue_dma source(%dma_start3A_12 : memref<1000xi32, #tpu.memory_space<hbm>>) target(%arg5 : memref<1000xi32, #tpu.memory_space<vmem>>) target_semaphore(%arg8 : memref<!tpu.dma_semaphore, #tpu.memory_space<semaphore_mem>>)
    %mul3A_13 = arith.constant 10000 : i32
    %mul3A_14 = arith.muli %add3A, %mul3A_13 : i32
    %add3A_15 = arith.constant 1000 : i32
    %add3A_16 = arith.addi %mul3A_14, %add3A_15 : i32
    %dma_start3A_17 = tpu.memref_slice %arg2[%add3A_16] : memref<320000xi32, #tpu.memory_space<hbm>> -> memref<1000xi32, #tpu.memory_space<hbm>>
    %dma_start3A_18 = tpu.memref_slice %arg2[%add3A_16] : memref<320000xi32, #tpu.memory_space<hbm>> -> memref<1000xi32, #tpu.memory_space<hbm>>
    tpu.enqueue_dma source(%dma_start3A_18 : memref<1000xi32, #tpu.memory_space<hbm>>) target(%arg6 : memref<1000xi32, #tpu.memory_space<vmem>>) target_semaphore(%arg9 : memref<!tpu.dma_semaphore, #tpu.memory_space<semaphore_mem>>)
    %scan3A_19 = arith.constant 0 : i32
    %scan3A_20 = arith.constant 0 : i32
    %scan3A_21 = arith.constant 5 : i32
    %scan3A_22 = arith.addi %scan3A_20, %scan3A_21 : i32
    %scan3A_23 = arith.constant 1 : i32
    scf.for %scan3A_35 = %scan3A_20 to %scan3A_22 step %scan3A_23  : i32 {
      %mul3A_36 = arith.constant 2 : i32
      %mul3A_37 = arith.muli %scan3A_35, %mul3A_36 : i32
      %add3A_38 = arith.constant 0 : i32
      %add3A_39 = arith.addi %mul3A_37, %add3A_38 : i32
      %lt3A = arith.constant 10 : i32
      %lt3A_40 = arith.cmpi slt, %add3A_39, %lt3A : i32
      %convert_element_type3A = arith.extui %lt3A_40 : i1 to i32
      %cond3A = arith.constant 0 : i32
      %cond3A_41 = arith.cmpi ne, %convert_element_type3A, %cond3A : i32
      scf.if %cond3A_41 {
        %dma_wait3A_49 = arith.constant 0 : i32
        %dma_wait3A_50 = tpu.memref_slice %arg2[%dma_wait3A_49] : memref<320000xi32, #tpu.memory_space<hbm>> -> memref<1000xi32, #tpu.memory_space<hbm>>
        %dma_wait3A_51 = arith.constant 0 : i32
        %dma_wait3A_52 = tpu.memref_slice %arg2[%dma_wait3A_51] : memref<320000xi32, #tpu.memory_space<hbm>> -> memref<1000xi32, #tpu.memory_space<hbm>>
        tpu.wait_dma2 semaphore(%arg8 : memref<!tpu.dma_semaphore, #tpu.memory_space<semaphore_mem>>) src(%dma_wait3A_52 : memref<1000xi32, #tpu.memory_space<hbm>>) dst(%arg5 : memref<1000xi32, #tpu.memory_space<vmem>>)
        %dma_start3A_53 = arith.constant 0 : i32
        %dma_start3A_54 = arith.constant 0 : i32
        %dma_start3A_55 = tpu.memref_slice %arg12[%dma_start3A_53, %dma_start3A_54] : memref<10000x16xf32, #tpu.memory_space<vmem_shared>> -> memref<10000x16xf32, #tpu.memory_space<vmem_shared>>
        tpu.enqueue_indirect_dma source(%arg7 : memref<1000x16xf32, #tpu.memory_space<vmem>>) target(%dma_start3A_55 : memref<10000x16xf32, #tpu.memory_space<vmem_shared>>) offsets(%arg5 : memref<1000xi32, #tpu.memory_space<vmem>>) semaphore(%arg10 : memref<!tpu.dma_semaphore, #tpu.memory_space<semaphore_mem>>) {add = true}
        %ge3A = arith.constant 1 : i32
        %ge3A_56 = arith.cmpi sge, %add3A_39, %ge3A : i32
        %add3A_57 = arith.constant 1 : i32
        %add3A_58 = arith.addi %add3A_39, %add3A_57 : i32
        %lt3A_59 = arith.constant 10 : i32
        %lt3A_60 = arith.cmpi slt, %add3A_58, %lt3A_59 : i32
        %and3A = arith.andi %ge3A_56, %lt3A_60 : i1
        %convert_element_type3A_61 = arith.extui %and3A : i1 to i32
        %cond3A_62 = arith.constant 0 : i32
        %cond3A_63 = arith.cmpi ne, %convert_element_type3A_61, %cond3A_62 : i32
        scf.if %cond3A_63 {
          %dma_wait3A_64 = arith.constant 0 : i32
          %dma_wait3A_65 = arith.constant 0 : i32
          %dma_wait3A_66 = tpu.memref_slice %arg12[%dma_wait3A_64, %dma_wait3A_65] : memref<10000x16xf32, #tpu.memory_space<vmem_shared>> -> memref<10000x16xf32, #tpu.memory_space<vmem_shared>>
          tpu.wait_indirect_dma semaphore(%arg11 : memref<!tpu.dma_semaphore, #tpu.memory_space<semaphore_mem>>) src(%arg7 : memref<1000x16xf32, #tpu.memory_space<vmem>>) dst(%dma_wait3A_66 : memref<10000x16xf32, #tpu.memory_space<vmem_shared>>)
          %mul3A_67 = arith.constant 10000 : i32
          %mul3A_68 = arith.muli %add3A, %mul3A_67 : i32
          %add3A_69 = arith.constant 1 : i32
          %add3A_70 = arith.addi %add3A_39, %add3A_69 : i32
          %mul3A_71 = arith.constant 1000 : i32
          %mul3A_72 = arith.muli %add3A_70, %mul3A_71 : i32
          %add3A_73 = arith.addi %mul3A_68, %mul3A_72 : i32
          %dma_start3A_74 = tpu.memref_slice %arg2[%add3A_73] : memref<320000xi32, #tpu.memory_space<hbm>> -> memref<1000xi32, #tpu.memory_space<hbm>>
          %dma_start3A_75 = tpu.memref_slice %arg2[%add3A_73] : memref<320000xi32, #tpu.memory_space<hbm>> -> memref<1000xi32, #tpu.memory_space<hbm>>
          tpu.enqueue_dma source(%dma_start3A_75 : memref<1000xi32, #tpu.memory_space<hbm>>) target(%arg6 : memref<1000xi32, #tpu.memory_space<vmem>>) target_semaphore(%arg9 : memref<!tpu.dma_semaphore, #tpu.memory_space<semaphore_mem>>)
        } else {
        }
      } else {
      }
      %add3A_42 = arith.constant 1 : i32
      %add3A_43 = arith.addi %mul3A_37, %add3A_42 : i32
      %lt3A_44 = arith.constant 10 : i32
      %lt3A_45 = arith.cmpi slt, %add3A_43, %lt3A_44 : i32
      %convert_element_type3A_46 = arith.extui %lt3A_45 : i1 to i32
      %cond3A_47 = arith.constant 0 : i32
      %cond3A_48 = arith.cmpi ne, %convert_element_type3A_46, %cond3A_47 : i32
      scf.if %cond3A_48 {
        %dma_wait3A_49 = arith.constant 0 : i32
        %dma_wait3A_50 = tpu.memref_slice %arg2[%dma_wait3A_49] : memref<320000xi32, #tpu.memory_space<hbm>> -> memref<1000xi32, #tpu.memory_space<hbm>>
        %dma_wait3A_51 = arith.constant 0 : i32
        %dma_wait3A_52 = tpu.memref_slice %arg2[%dma_wait3A_51] : memref<320000xi32, #tpu.memory_space<hbm>> -> memref<1000xi32, #tpu.memory_space<hbm>>
        tpu.wait_dma2 semaphore(%arg9 : memref<!tpu.dma_semaphore, #tpu.memory_space<semaphore_mem>>) src(%dma_wait3A_52 : memref<1000xi32, #tpu.memory_space<hbm>>) dst(%arg6 : memref<1000xi32, #tpu.memory_space<vmem>>)
        %dma_start3A_53 = arith.constant 0 : i32
        %dma_start3A_54 = arith.constant 0 : i32
        %dma_start3A_55 = tpu.memref_slice %arg12[%dma_start3A_53, %dma_start3A_54] : memref<10000x16xf32, #tpu.memory_space<vmem_shared>> -> memref<10000x16xf32, #tpu.memory_space<vmem_shared>>
        tpu.enqueue_indirect_dma source(%arg7 : memref<1000x16xf32, #tpu.memory_space<vmem>>) target(%dma_start3A_55 : memref<10000x16xf32, #tpu.memory_space<vmem_shared>>) offsets(%arg6 : memref<1000xi32, #tpu.memory_space<vmem>>) semaphore(%arg11 : memref<!tpu.dma_semaphore, #tpu.memory_space<semaphore_mem>>) {add = true}
        %ge3A = arith.constant 1 : i32
        %ge3A_56 = arith.cmpi sge, %add3A_43, %ge3A : i32
        %add3A_57 = arith.constant 1 : i32
        %add3A_58 = arith.addi %add3A_43, %add3A_57 : i32
        %lt3A_59 = arith.constant 10 : i32
        %lt3A_60 = arith.cmpi slt, %add3A_58, %lt3A_59 : i32
        %and3A = arith.andi %ge3A_56, %lt3A_60 : i1
        %convert_element_type3A_61 = arith.extui %and3A : i1 to i32
        %cond3A_62 = arith.constant 0 : i32
        %cond3A_63 = arith.cmpi ne, %convert_element_type3A_61, %cond3A_62 : i32
        scf.if %cond3A_63 {
          %dma_wait3A_64 = arith.constant 0 : i32
          %dma_wait3A_65 = arith.constant 0 : i32
          %dma_wait3A_66 = tpu.memref_slice %arg12[%dma_wait3A_64, %dma_wait3A_65] : memref<10000x16xf32, #tpu.memory_space<vmem_shared>> -> memref<10000x16xf32, #tpu.memory_space<vmem_shared>>
          tpu.wait_indirect_dma semaphore(%arg10 : memref<!tpu.dma_semaphore, #tpu.memory_space<semaphore_mem>>) src(%arg7 : memref<1000x16xf32, #tpu.memory_space<vmem>>) dst(%dma_wait3A_66 : memref<10000x16xf32, #tpu.memory_space<vmem_shared>>)
          %mul3A_67 = arith.constant 10000 : i32
          %mul3A_68 = arith.muli %add3A, %mul3A_67 : i32
          %add3A_69 = arith.constant 1 : i32
          %add3A_70 = arith.addi %add3A_43, %add3A_69 : i32
          %mul3A_71 = arith.constant 1000 : i32
          %mul3A_72 = arith.muli %add3A_70, %mul3A_71 : i32
          %add3A_73 = arith.addi %mul3A_68, %mul3A_72 : i32
          %dma_start3A_74 = tpu.memref_slice %arg2[%add3A_73] : memref<320000xi32, #tpu.memory_space<hbm>> -> memref<1000xi32, #tpu.memory_space<hbm>>
          %dma_start3A_75 = tpu.memref_slice %arg2[%add3A_73] : memref<320000xi32, #tpu.memory_space<hbm>> -> memref<1000xi32, #tpu.memory_space<hbm>>
          tpu.enqueue_dma source(%dma_start3A_75 : memref<1000xi32, #tpu.memory_space<hbm>>) target(%arg5 : memref<1000xi32, #tpu.memory_space<vmem>>) target_semaphore(%arg8 : memref<!tpu.dma_semaphore, #tpu.memory_space<semaphore_mem>>)
        } else {
        }
      } else {
      }
    }
    %scan3A_24 = arith.constant 5 : i32
    %dma_wait3A = arith.constant 0 : i32
    %dma_wait3A_25 = arith.constant 0 : i32
    %dma_wait3A_26 = tpu.memref_slice %arg12[%dma_wait3A, %dma_wait3A_25] : memref<10000x16xf32, #tpu.memory_space<vmem_shared>> -> memref<10000x16xf32, #tpu.memory_space<vmem_shared>>
    tpu.wait_indirect_dma semaphore(%arg10 : memref<!tpu.dma_semaphore, #tpu.memory_space<semaphore_mem>>) src(%arg7 : memref<1000x16xf32, #tpu.memory_space<vmem>>) dst(%dma_wait3A_26 : memref<10000x16xf32, #tpu.memory_space<vmem_shared>>)
    %dma_wait3A_27 = arith.constant 0 : i32
    %dma_wait3A_28 = arith.constant 0 : i32
    %dma_wait3A_29 = tpu.memref_slice %arg12[%dma_wait3A_27, %dma_wait3A_28] : memref<10000x16xf32, #tpu.memory_space<vmem_shared>> -> memref<10000x16xf32, #tpu.memory_space<vmem_shared>>
    tpu.wait_indirect_dma semaphore(%arg11 : memref<!tpu.dma_semaphore, #tpu.memory_space<semaphore_mem>>) src(%arg7 : memref<1000x16xf32, #tpu.memory_space<vmem>>) dst(%dma_wait3A_29 : memref<10000x16xf32, #tpu.memory_space<vmem_shared>>)
    %barrier3A_30 = arith.constant 0 : index
    tpu.barrier barrier_id(%barrier3A_30)
    %mul3A_31 = arith.constant 625 : i32
    %mul3A_32 = arith.muli %arg1, %mul3A_31 : i32
    %mul3A_33 = arith.constant 625 : i32
    %mul3A_34 = arith.muli %arg1, %mul3A_33 : i32
    "tpu.region"() ({
      %run_scoped3A = tpu.sem_alloc : memref<!tpu.dma_semaphore, #tpu.memory_space<semaphore_mem>>
      %dma_start3A_35 = arith.constant 0 : i32
      %dma_start3A_36 = tpu.memref_slice %arg4[%arg0, %mul3A_34, %dma_start3A_35] : memref<2x10000x16xf32, #tpu.memory_space<hbm>> -> memref<1x625x16xf32, #tpu.memory_space<hbm>>
      %dma_start3A_37 = tpu.memref_squeeze %dma_start3A_36 : memref<1x625x16xf32, #tpu.memory_space<hbm>> -> memref<625x16xf32, #tpu.memory_space<hbm>>
      %dma_start3A_38 = arith.constant 0 : i32
      %dma_start3A_39 = tpu.memref_slice %arg12[%mul3A_32, %dma_start3A_38] : memref<10000x16xf32, #tpu.memory_space<vmem_shared>> -> memref<625x16xf32, #tpu.memory_space<vmem_shared>>
      tpu.enqueue_dma source(%dma_start3A_39 : memref<625x16xf32, #tpu.memory_space<vmem_shared>>) target(%dma_start3A_37 : memref<625x16xf32, #tpu.memory_space<hbm>>) target_semaphore(%run_scoped3A : memref<!tpu.dma_semaphore, #tpu.memory_space<semaphore_mem>>)
      %dma_wait3A_40 = arith.constant 0 : i32
      %dma_wait3A_41 = tpu.memref_slice %arg4[%arg0, %mul3A_34, %dma_wait3A_40] : memref<2x10000x16xf32, #tpu.memory_space<hbm>> -> memref<1x625x16xf32, #tpu.memory_space<hbm>>
      %dma_wait3A_42 = tpu.memref_squeeze %dma_wait3A_41 : memref<1x625x16xf32, #tpu.memory_space<hbm>> -> memref<625x16xf32, #tpu.memory_space<hbm>>
      %dma_wait3A_43 = arith.constant 0 : i32
      %dma_wait3A_44 = tpu.memref_slice %arg12[%mul3A_32, %dma_wait3A_43] : memref<10000x16xf32, #tpu.memory_space<vmem_shared>> -> memref<625x16xf32, #tpu.memory_space<vmem_shared>>
      tpu.wait_dma2 semaphore(%run_scoped3A : memref<!tpu.dma_semaphore, #tpu.memory_space<semaphore_mem>>) src(%dma_wait3A_44 : memref<625x16xf32, #tpu.memory_space<vmem_shared>>) dst(%dma_wait3A_42 : memref<625x16xf32, #tpu.memory_space<hbm>>)
      tpu.yield
    }) : () -> ()
    return
  }
}

#map = affine_map<(d0, d1) -> (0, 0, 0)>
#map1 = affine_map<(d0, d1) -> (0)>
#map2 = affine_map<(d0, d1) -> (0, 0)>
module attributes {stable_mosaic.version = 14 : i64} {
  func.func @prop_k(%arg0: i32, %arg1: i32, %arg2: memref<2x10000x64xf32, #tpu.memory_space<hbm>>, %arg3: memref<320000xi32, #tpu.memory_space<hbm>>, %arg4: memref<320000xi32, #tpu.memory_space<hbm>>, %arg5: memref<625x64xf32, #tpu.memory_space<hbm>>, %arg6: memref<2x10000x128xf32, #tpu.memory_space<hbm>>, %arg7: memref<400xi32, #tpu.memory_space<vmem>>, %arg8: memref<400xi32, #tpu.memory_space<vmem>>, %arg9: memref<400xi32, #tpu.memory_space<vmem>>, %arg10: memref<400xi32, #tpu.memory_space<vmem>>, %arg11: memref<400xi32, #tpu.memory_space<vmem>>, %arg12: memref<400xi32, #tpu.memory_space<vmem>>, %arg13: memref<400x64xf32, #tpu.memory_space<vmem>>, %arg14: memref<400x64xf32, #tpu.memory_space<vmem>>, %arg15: memref<400x64xf32, #tpu.memory_space<vmem>>, %arg16: memref<!tpu.dma_semaphore, #tpu.memory_space<semaphore_mem>>, %arg17: memref<!tpu.dma_semaphore, #tpu.memory_space<semaphore_mem>>, %arg18: memref<!tpu.dma_semaphore, #tpu.memory_space<semaphore_mem>>, %arg19: memref<!tpu.dma_semaphore, #tpu.memory_space<semaphore_mem>>, %arg20: memref<!tpu.dma_semaphore, #tpu.memory_space<semaphore_mem>>, %arg21: memref<!tpu.dma_semaphore, #tpu.memory_space<semaphore_mem>>, %arg22: memref<10000x64xf32, #tpu.memory_space<vmem_shared>>) attributes {dimension_semantics = [#tpu.dimension_semantics<core_parallel>, #tpu.dimension_semantics<subcore_parallel>], iteration_bounds = array<i64: 2, 16>, scalar_prefetch = 0 : i64, scratch_operands = 16 : i64, tpu.core_type = #tpu.core_type<sc_vector_subcore>, window_params = [{transform_indices = #map}, {transform_indices = #map1}, {transform_indices = #map1}, {transform_indices = #map2}, {transform_indices = #map}]} {
    %mul3A = arith.constant 16 : i32
    %mul3A_0 = arith.muli %arg0, %mul3A : i32
    %add3A = arith.addi %mul3A_0, %arg1 : i32
    %eq3A = arith.constant 0 : i32
    %eq3A_1 = arith.cmpi eq, %arg0, %eq3A : i32
    %convert_element_type3A = arith.extui %eq3A_1 : i1 to i32
    %cond3A = arith.constant 0 : i32
    %cond3A_2 = arith.constant 0 : i32
    %cond3A_3 = arith.cmpi ne, %convert_element_type3A, %cond3A_2 : i32
    scf.if %cond3A_3 {
      %mul3A_133 = arith.constant 625 : i32
      %mul3A_134 = arith.muli %arg1, %mul3A_133 : i32
      %mul3A_135 = arith.constant 625 : i32
      %mul3A_136 = arith.muli %arg1, %mul3A_135 : i32
      "tpu.region"() ({
        %run_scoped3A = tpu.sem_alloc : memref<!tpu.dma_semaphore, #tpu.memory_space<semaphore_mem>>
        %dma_start3A_137 = arith.constant 0 : i32
        %dma_start3A_138 = tpu.memref_slice %arg22[%mul3A_136, %dma_start3A_137] : memref<10000x64xf32, #tpu.memory_space<vmem_shared>> -> memref<625x64xf32, #tpu.memory_space<vmem_shared>>
        %dma_start3A_139 = arith.constant 0 : i32
        %dma_start3A_140 = arith.constant 0 : i32
        %dma_start3A_141 = tpu.memref_slice %arg2[%cond3A, %dma_start3A_139, %dma_start3A_140] : memref<2x10000x64xf32, #tpu.memory_space<hbm>> -> memref<1x10000x64xf32, #tpu.memory_space<hbm>>
        %dma_start3A_142 = tpu.memref_squeeze %dma_start3A_141 : memref<1x10000x64xf32, #tpu.memory_space<hbm>> -> memref<10000x64xf32, #tpu.memory_space<hbm>>
        %dma_start3A_143 = arith.constant 0 : i32
        %dma_start3A_144 = tpu.memref_slice %dma_start3A_142[%mul3A_134, %dma_start3A_143] : memref<10000x64xf32, #tpu.memory_space<hbm>> -> memref<625x64xf32, #tpu.memory_space<hbm>>
        tpu.enqueue_dma source(%dma_start3A_144 : memref<625x64xf32, #tpu.memory_space<hbm>>) target(%dma_start3A_138 : memref<625x64xf32, #tpu.memory_space<vmem_shared>>) target_semaphore(%run_scoped3A : memref<!tpu.dma_semaphore, #tpu.memory_space<semaphore_mem>>)
        %dma_wait3A_145 = arith.constant 0 : i32
        %dma_wait3A_146 = tpu.memref_slice %arg22[%mul3A_136, %dma_wait3A_145] : memref<10000x64xf32, #tpu.memory_space<vmem_shared>> -> memref<625x64xf32, #tpu.memory_space<vmem_shared>>
        %dma_wait3A_147 = arith.constant 0 : i32
        %dma_wait3A_148 = arith.constant 0 : i32
        %dma_wait3A_149 = tpu.memref_slice %arg2[%cond3A, %dma_wait3A_147, %dma_wait3A_148] : memref<2x10000x64xf32, #tpu.memory_space<hbm>> -> memref<1x10000x64xf32, #tpu.memory_space<hbm>>
        %dma_wait3A_150 = tpu.memref_squeeze %dma_wait3A_149 : memref<1x10000x64xf32, #tpu.memory_space<hbm>> -> memref<10000x64xf32, #tpu.memory_space<hbm>>
        %dma_wait3A_151 = arith.constant 0 : i32
        %dma_wait3A_152 = tpu.memref_slice %dma_wait3A_150[%mul3A_134, %dma_wait3A_151] : memref<10000x64xf32, #tpu.memory_space<hbm>> -> memref<625x64xf32, #tpu.memory_space<hbm>>
        tpu.wait_dma2 semaphore(%run_scoped3A : memref<!tpu.dma_semaphore, #tpu.memory_space<semaphore_mem>>) src(%dma_wait3A_152 : memref<625x64xf32, #tpu.memory_space<hbm>>) dst(%dma_wait3A_146 : memref<625x64xf32, #tpu.memory_space<vmem_shared>>)
        tpu.yield
      }) : () -> ()
    } else {
    }
    %ne3A = arith.constant 0 : i32
    %ne3A_4 = arith.cmpi ne, %arg0, %ne3A : i32
    %convert_element_type3A_5 = arith.extui %ne3A_4 : i1 to i32
    %cond3A_6 = arith.constant 0 : i32
    %cond3A_7 = arith.cmpi ne, %convert_element_type3A_5, %cond3A_6 : i32
    scf.if %cond3A_7 {
      %mul3A_133 = arith.constant 625 : i32
      %mul3A_134 = arith.muli %arg1, %mul3A_133 : i32
      "tpu.region"() ({
        %run_scoped3A = tpu.sem_alloc : memref<!tpu.dma_semaphore, #tpu.memory_space<semaphore_mem>>
        %dma_start3A_135 = arith.constant 0 : i32
        %dma_start3A_136 = tpu.memref_slice %arg22[%mul3A_134, %dma_start3A_135] : memref<10000x64xf32, #tpu.memory_space<vmem_shared>> -> memref<625x64xf32, #tpu.memory_space<vmem_shared>>
        tpu.enqueue_dma source(%arg5 : memref<625x64xf32, #tpu.memory_space<hbm>>) target(%dma_start3A_136 : memref<625x64xf32, #tpu.memory_space<vmem_shared>>) target_semaphore(%run_scoped3A : memref<!tpu.dma_semaphore, #tpu.memory_space<semaphore_mem>>)
        %dma_wait3A_137 = arith.constant 0 : i32
        %dma_wait3A_138 = tpu.memref_slice %arg22[%mul3A_134, %dma_wait3A_137] : memref<10000x64xf32, #tpu.memory_space<vmem_shared>> -> memref<625x64xf32, #tpu.memory_space<vmem_shared>>
        tpu.wait_dma2 semaphore(%run_scoped3A : memref<!tpu.dma_semaphore, #tpu.memory_space<semaphore_mem>>) src(%arg5 : memref<625x64xf32, #tpu.memory_space<hbm>>) dst(%dma_wait3A_138 : memref<625x64xf32, #tpu.memory_space<vmem_shared>>)
        tpu.yield
      }) : () -> ()
    } else {
    }
    %barrier3A = arith.constant 0 : index
    tpu.barrier barrier_id(%barrier3A)
    %mul3A_8 = arith.constant 10000 : i32
    %mul3A_9 = arith.muli %add3A, %mul3A_8 : i32
    %add3A_10 = arith.constant 0 : i32
    %add3A_11 = arith.addi %mul3A_9, %add3A_10 : i32
    "tpu.region"() ({
      %run_scoped3A = tpu.sem_alloc : memref<!tpu.dma_semaphore, #tpu.memory_space<semaphore_mem>>
      %dma_start3A_133 = tpu.memref_slice %arg3[%add3A_11] : memref<320000xi32, #tpu.memory_space<hbm>> -> memref<400xi32, #tpu.memory_space<hbm>>
      %dma_start3A_134 = tpu.memref_slice %arg3[%add3A_11] : memref<320000xi32, #tpu.memory_space<hbm>> -> memref<400xi32, #tpu.memory_space<hbm>>
      tpu.enqueue_dma source(%dma_start3A_134 : memref<400xi32, #tpu.memory_space<hbm>>) target(%arg7 : memref<400xi32, #tpu.memory_space<vmem>>) target_semaphore(%run_scoped3A : memref<!tpu.dma_semaphore, #tpu.memory_space<semaphore_mem>>)
      %dma_wait3A_135 = tpu.memref_slice %arg3[%add3A_11] : memref<320000xi32, #tpu.memory_space<hbm>> -> memref<400xi32, #tpu.memory_space<hbm>>
      %dma_wait3A_136 = tpu.memref_slice %arg3[%add3A_11] : memref<320000xi32, #tpu.memory_space<hbm>> -> memref<400xi32, #tpu.memory_space<hbm>>
      tpu.wait_dma2 semaphore(%run_scoped3A : memref<!tpu.dma_semaphore, #tpu.memory_space<semaphore_mem>>) src(%dma_wait3A_136 : memref<400xi32, #tpu.memory_space<hbm>>) dst(%arg7 : memref<400xi32, #tpu.memory_space<vmem>>)
      tpu.yield
    }) : () -> ()
    "tpu.region"() ({
      %run_scoped3A = tpu.sem_alloc : memref<!tpu.dma_semaphore, #tpu.memory_space<semaphore_mem>>
      %dma_start3A_133 = tpu.memref_slice %arg4[%add3A_11] : memref<320000xi32, #tpu.memory_space<hbm>> -> memref<400xi32, #tpu.memory_space<hbm>>
      %dma_start3A_134 = tpu.memref_slice %arg4[%add3A_11] : memref<320000xi32, #tpu.memory_space<hbm>> -> memref<400xi32, #tpu.memory_space<hbm>>
      tpu.enqueue_dma source(%dma_start3A_134 : memref<400xi32, #tpu.memory_space<hbm>>) target(%arg10 : memref<400xi32, #tpu.memory_space<vmem>>) target_semaphore(%run_scoped3A : memref<!tpu.dma_semaphore, #tpu.memory_space<semaphore_mem>>)
      %dma_wait3A_135 = tpu.memref_slice %arg4[%add3A_11] : memref<320000xi32, #tpu.memory_space<hbm>> -> memref<400xi32, #tpu.memory_space<hbm>>
      %dma_wait3A_136 = tpu.memref_slice %arg4[%add3A_11] : memref<320000xi32, #tpu.memory_space<hbm>> -> memref<400xi32, #tpu.memory_space<hbm>>
      tpu.wait_dma2 semaphore(%run_scoped3A : memref<!tpu.dma_semaphore, #tpu.memory_space<semaphore_mem>>) src(%dma_wait3A_136 : memref<400xi32, #tpu.memory_space<hbm>>) dst(%arg10 : memref<400xi32, #tpu.memory_space<vmem>>)
      tpu.yield
    }) : () -> ()
    %dma_start3A = arith.constant 0 : i32
    %dma_start3A_12 = arith.constant 0 : i32
    %dma_start3A_13 = arith.constant 0 : i32
    %dma_start3A_14 = tpu.memref_slice %arg2[%dma_start3A, %dma_start3A_12, %dma_start3A_13] : memref<2x10000x64xf32, #tpu.memory_space<hbm>> -> memref<1x10000x64xf32, #tpu.memory_space<hbm>>
    %dma_start3A_15 = tpu.memref_squeeze %dma_start3A_14 : memref<1x10000x64xf32, #tpu.memory_space<hbm>> -> memref<10000x64xf32, #tpu.memory_space<hbm>>
    %dma_start3A_16 = arith.constant 0 : i32
    %dma_start3A_17 = arith.constant 0 : i32
    %dma_start3A_18 = tpu.memref_slice %dma_start3A_15[%dma_start3A_16, %dma_start3A_17] : memref<10000x64xf32, #tpu.memory_space<hbm>> -> memref<10000x64xf32, #tpu.memory_space<hbm>>
    tpu.enqueue_indirect_dma source(%dma_start3A_18 : memref<10000x64xf32, #tpu.memory_space<hbm>>) target(%arg13 : memref<400x64xf32, #tpu.memory_space<vmem>>) offsets(%arg7 : memref<400xi32, #tpu.memory_space<vmem>>) semaphore(%arg16 : memref<!tpu.dma_semaphore, #tpu.memory_space<semaphore_mem>>)
    %mul3A_19 = arith.constant 10000 : i32
    %mul3A_20 = arith.muli %add3A, %mul3A_19 : i32
    %add3A_21 = arith.constant 400 : i32
    %add3A_22 = arith.addi %mul3A_20, %add3A_21 : i32
    "tpu.region"() ({
      %run_scoped3A = tpu.sem_alloc : memref<!tpu.dma_semaphore, #tpu.memory_space<semaphore_mem>>
      %dma_start3A_133 = tpu.memref_slice %arg3[%add3A_22] : memref<320000xi32, #tpu.memory_space<hbm>> -> memref<400xi32, #tpu.memory_space<hbm>>
      %dma_start3A_134 = tpu.memref_slice %arg3[%add3A_22] : memref<320000xi32, #tpu.memory_space<hbm>> -> memref<400xi32, #tpu.memory_space<hbm>>
      tpu.enqueue_dma source(%dma_start3A_134 : memref<400xi32, #tpu.memory_space<hbm>>) target(%arg8 : memref<400xi32, #tpu.memory_space<vmem>>) target_semaphore(%run_scoped3A : memref<!tpu.dma_semaphore, #tpu.memory_space<semaphore_mem>>)
      %dma_wait3A_135 = tpu.memref_slice %arg3[%add3A_22] : memref<320000xi32, #tpu.memory_space<hbm>> -> memref<400xi32, #tpu.memory_space<hbm>>
      %dma_wait3A_136 = tpu.memref_slice %arg3[%add3A_22] : memref<320000xi32, #tpu.memory_space<hbm>> -> memref<400xi32, #tpu.memory_space<hbm>>
      tpu.wait_dma2 semaphore(%run_scoped3A : memref<!tpu.dma_semaphore, #tpu.memory_space<semaphore_mem>>) src(%dma_wait3A_136 : memref<400xi32, #tpu.memory_space<hbm>>) dst(%arg8 : memref<400xi32, #tpu.memory_space<vmem>>)
      tpu.yield
    }) : () -> ()
    "tpu.region"() ({
      %run_scoped3A = tpu.sem_alloc : memref<!tpu.dma_semaphore, #tpu.memory_space<semaphore_mem>>
      %dma_start3A_133 = tpu.memref_slice %arg4[%add3A_22] : memref<320000xi32, #tpu.memory_space<hbm>> -> memref<400xi32, #tpu.memory_space<hbm>>
      %dma_start3A_134 = tpu.memref_slice %arg4[%add3A_22] : memref<320000xi32, #tpu.memory_space<hbm>> -> memref<400xi32, #tpu.memory_space<hbm>>
      tpu.enqueue_dma source(%dma_start3A_134 : memref<400xi32, #tpu.memory_space<hbm>>) target(%arg11 : memref<400xi32, #tpu.memory_space<vmem>>) target_semaphore(%run_scoped3A : memref<!tpu.dma_semaphore, #tpu.memory_space<semaphore_mem>>)
      %dma_wait3A_135 = tpu.memref_slice %arg4[%add3A_22] : memref<320000xi32, #tpu.memory_space<hbm>> -> memref<400xi32, #tpu.memory_space<hbm>>
      %dma_wait3A_136 = tpu.memref_slice %arg4[%add3A_22] : memref<320000xi32, #tpu.memory_space<hbm>> -> memref<400xi32, #tpu.memory_space<hbm>>
      tpu.wait_dma2 semaphore(%run_scoped3A : memref<!tpu.dma_semaphore, #tpu.memory_space<semaphore_mem>>) src(%dma_wait3A_136 : memref<400xi32, #tpu.memory_space<hbm>>) dst(%arg11 : memref<400xi32, #tpu.memory_space<vmem>>)
      tpu.yield
    }) : () -> ()
    %dma_start3A_23 = arith.constant 0 : i32
    %dma_start3A_24 = arith.constant 0 : i32
    %dma_start3A_25 = arith.constant 0 : i32
    %dma_start3A_26 = tpu.memref_slice %arg2[%dma_start3A_23, %dma_start3A_24, %dma_start3A_25] : memref<2x10000x64xf32, #tpu.memory_space<hbm>> -> memref<1x10000x64xf32, #tpu.memory_space<hbm>>
    %dma_start3A_27 = tpu.memref_squeeze %dma_start3A_26 : memref<1x10000x64xf32, #tpu.memory_space<hbm>> -> memref<10000x64xf32, #tpu.memory_space<hbm>>
    %dma_start3A_28 = arith.constant 0 : i32
    %dma_start3A_29 = arith.constant 0 : i32
    %dma_start3A_30 = tpu.memref_slice %dma_start3A_27[%dma_start3A_28, %dma_start3A_29] : memref<10000x64xf32, #tpu.memory_space<hbm>> -> memref<10000x64xf32, #tpu.memory_space<hbm>>
    tpu.enqueue_indirect_dma source(%dma_start3A_30 : memref<10000x64xf32, #tpu.memory_space<hbm>>) target(%arg14 : memref<400x64xf32, #tpu.memory_space<vmem>>) offsets(%arg8 : memref<400xi32, #tpu.memory_space<vmem>>) semaphore(%arg17 : memref<!tpu.dma_semaphore, #tpu.memory_space<semaphore_mem>>)
    %mul3A_31 = arith.constant 10000 : i32
    %mul3A_32 = arith.muli %add3A, %mul3A_31 : i32
    %add3A_33 = arith.constant 800 : i32
    %add3A_34 = arith.addi %mul3A_32, %add3A_33 : i32
    "tpu.region"() ({
      %run_scoped3A = tpu.sem_alloc : memref<!tpu.dma_semaphore, #tpu.memory_space<semaphore_mem>>
      %dma_start3A_133 = tpu.memref_slice %arg3[%add3A_34] : memref<320000xi32, #tpu.memory_space<hbm>> -> memref<400xi32, #tpu.memory_space<hbm>>
      %dma_start3A_134 = tpu.memref_slice %arg3[%add3A_34] : memref<320000xi32, #tpu.memory_space<hbm>> -> memref<400xi32, #tpu.memory_space<hbm>>
      tpu.enqueue_dma source(%dma_start3A_134 : memref<400xi32, #tpu.memory_space<hbm>>) target(%arg9 : memref<400xi32, #tpu.memory_space<vmem>>) target_semaphore(%run_scoped3A : memref<!tpu.dma_semaphore, #tpu.memory_space<semaphore_mem>>)
      %dma_wait3A_135 = tpu.memref_slice %arg3[%add3A_34] : memref<320000xi32, #tpu.memory_space<hbm>> -> memref<400xi32, #tpu.memory_space<hbm>>
      %dma_wait3A_136 = tpu.memref_slice %arg3[%add3A_34] : memref<320000xi32, #tpu.memory_space<hbm>> -> memref<400xi32, #tpu.memory_space<hbm>>
      tpu.wait_dma2 semaphore(%run_scoped3A : memref<!tpu.dma_semaphore, #tpu.memory_space<semaphore_mem>>) src(%dma_wait3A_136 : memref<400xi32, #tpu.memory_space<hbm>>) dst(%arg9 : memref<400xi32, #tpu.memory_space<vmem>>)
      tpu.yield
    }) : () -> ()
    "tpu.region"() ({
      %run_scoped3A = tpu.sem_alloc : memref<!tpu.dma_semaphore, #tpu.memory_space<semaphore_mem>>
      %dma_start3A_133 = tpu.memref_slice %arg4[%add3A_34] : memref<320000xi32, #tpu.memory_space<hbm>> -> memref<400xi32, #tpu.memory_space<hbm>>
      %dma_start3A_134 = tpu.memref_slice %arg4[%add3A_34] : memref<320000xi32, #tpu.memory_space<hbm>> -> memref<400xi32, #tpu.memory_space<hbm>>
      tpu.enqueue_dma source(%dma_start3A_134 : memref<400xi32, #tpu.memory_space<hbm>>) target(%arg12 : memref<400xi32, #tpu.memory_space<vmem>>) target_semaphore(%run_scoped3A : memref<!tpu.dma_semaphore, #tpu.memory_space<semaphore_mem>>)
      %dma_wait3A_135 = tpu.memref_slice %arg4[%add3A_34] : memref<320000xi32, #tpu.memory_space<hbm>> -> memref<400xi32, #tpu.memory_space<hbm>>
      %dma_wait3A_136 = tpu.memref_slice %arg4[%add3A_34] : memref<320000xi32, #tpu.memory_space<hbm>> -> memref<400xi32, #tpu.memory_space<hbm>>
      tpu.wait_dma2 semaphore(%run_scoped3A : memref<!tpu.dma_semaphore, #tpu.memory_space<semaphore_mem>>) src(%dma_wait3A_136 : memref<400xi32, #tpu.memory_space<hbm>>) dst(%arg12 : memref<400xi32, #tpu.memory_space<vmem>>)
      tpu.yield
    }) : () -> ()
    %dma_start3A_35 = arith.constant 0 : i32
    %dma_start3A_36 = arith.constant 0 : i32
    %dma_start3A_37 = arith.constant 0 : i32
    %dma_start3A_38 = tpu.memref_slice %arg2[%dma_start3A_35, %dma_start3A_36, %dma_start3A_37] : memref<2x10000x64xf32, #tpu.memory_space<hbm>> -> memref<1x10000x64xf32, #tpu.memory_space<hbm>>
    %dma_start3A_39 = tpu.memref_squeeze %dma_start3A_38 : memref<1x10000x64xf32, #tpu.memory_space<hbm>> -> memref<10000x64xf32, #tpu.memory_space<hbm>>
    %dma_start3A_40 = arith.constant 0 : i32
    %dma_start3A_41 = arith.constant 0 : i32
    %dma_start3A_42 = tpu.memref_slice %dma_start3A_39[%dma_start3A_40, %dma_start3A_41] : memref<10000x64xf32, #tpu.memory_space<hbm>> -> memref<10000x64xf32, #tpu.memory_space<hbm>>
    tpu.enqueue_indirect_dma source(%dma_start3A_42 : memref<10000x64xf32, #tpu.memory_space<hbm>>) target(%arg15 : memref<400x64xf32, #tpu.memory_space<vmem>>) offsets(%arg9 : memref<400xi32, #tpu.memory_space<vmem>>) semaphore(%arg18 : memref<!tpu.dma_semaphore, #tpu.memory_space<semaphore_mem>>)
    %scan3A = arith.constant 0 : i32
    %scan3A_43 = arith.constant 0 : i32
    %scan3A_44 = arith.constant 0 : i32
    %scan3A_45 = arith.constant 9 : i32
    %scan3A_46 = arith.addi %scan3A_44, %scan3A_45 : i32
    %scan3A_47 = arith.constant 1 : i32
    scf.for %scan3A_133 = %scan3A_44 to %scan3A_46 step %scan3A_47  : i32 {
      %mul3A_134 = arith.constant 3 : i32
      %mul3A_135 = arith.muli %scan3A_133, %mul3A_134 : i32
      %add3A_136 = arith.constant 0 : i32
      %add3A_137 = arith.addi %mul3A_135, %add3A_136 : i32
      %lt3A = arith.constant 25 : i32
      %lt3A_138 = arith.cmpi slt, %add3A_137, %lt3A : i32
      %convert_element_type3A_139 = arith.extui %lt3A_138 : i1 to i32
      %cond3A_140 = arith.constant 0 : i32
      %cond3A_141 = arith.cmpi ne, %convert_element_type3A_139, %cond3A_140 : i32
      scf.if %cond3A_141 {
        %dma_wait3A_156 = arith.constant 0 : i32
        %dma_wait3A_157 = arith.constant 0 : i32
        %dma_wait3A_158 = tpu.memref_slice %arg2[%scan3A_43, %dma_wait3A_156, %dma_wait3A_157] : memref<2x10000x64xf32, #tpu.memory_space<hbm>> -> memref<1x10000x64xf32, #tpu.memory_space<hbm>>
        %dma_wait3A_159 = tpu.memref_squeeze %dma_wait3A_158 : memref<1x10000x64xf32, #tpu.memory_space<hbm>> -> memref<10000x64xf32, #tpu.memory_space<hbm>>
        %dma_wait3A_160 = arith.constant 0 : i32
        %dma_wait3A_161 = arith.constant 0 : i32
        %dma_wait3A_162 = tpu.memref_slice %dma_wait3A_159[%dma_wait3A_160, %dma_wait3A_161] : memref<10000x64xf32, #tpu.memory_space<hbm>> -> memref<10000x64xf32, #tpu.memory_space<hbm>>
        tpu.wait_indirect_dma semaphore(%arg16 : memref<!tpu.dma_semaphore, #tpu.memory_space<semaphore_mem>>) src(%dma_wait3A_162 : memref<10000x64xf32, #tpu.memory_space<hbm>>) dst(%arg13 : memref<400x64xf32, #tpu.memory_space<vmem>>)
        %dma_start3A_163 = arith.constant 0 : i32
        %dma_start3A_164 = arith.constant 0 : i32
        %dma_start3A_165 = tpu.memref_slice %arg22[%dma_start3A_163, %dma_start3A_164] : memref<10000x64xf32, #tpu.memory_space<vmem_shared>> -> memref<10000x64xf32, #tpu.memory_space<vmem_shared>>
        tpu.enqueue_indirect_dma source(%arg13 : memref<400x64xf32, #tpu.memory_space<vmem>>) target(%dma_start3A_165 : memref<10000x64xf32, #tpu.memory_space<vmem_shared>>) offsets(%arg10 : memref<400xi32, #tpu.memory_space<vmem>>) semaphore(%arg19 : memref<!tpu.dma_semaphore, #tpu.memory_space<semaphore_mem>>) {add = true}
        %add3A_166 = arith.constant 2 : i32
        %add3A_167 = arith.addi %add3A_137, %add3A_166 : i32
        %ge3A = arith.constant 3 : i32
        %ge3A_168 = arith.cmpi sge, %add3A_167, %ge3A : i32
        %add3A_169 = arith.constant 2 : i32
        %add3A_170 = arith.addi %add3A_137, %add3A_169 : i32
        %lt3A_171 = arith.constant 25 : i32
        %lt3A_172 = arith.cmpi slt, %add3A_170, %lt3A_171 : i32
        %and3A = arith.andi %ge3A_168, %lt3A_172 : i1
        %convert_element_type3A_173 = arith.extui %and3A : i1 to i32
        %cond3A_174 = arith.constant 0 : i32
        %cond3A_175 = arith.cmpi ne, %convert_element_type3A_173, %cond3A_174 : i32
        scf.if %cond3A_175 {
          %dma_wait3A_176 = arith.constant 0 : i32
          %dma_wait3A_177 = arith.constant 0 : i32
          %dma_wait3A_178 = tpu.memref_slice %arg22[%dma_wait3A_176, %dma_wait3A_177] : memref<10000x64xf32, #tpu.memory_space<vmem_shared>> -> memref<10000x64xf32, #tpu.memory_space<vmem_shared>>
          tpu.wait_indirect_dma semaphore(%arg21 : memref<!tpu.dma_semaphore, #tpu.memory_space<semaphore_mem>>) src(%arg15 : memref<400x64xf32, #tpu.memory_space<vmem>>) dst(%dma_wait3A_178 : memref<10000x64xf32, #tpu.memory_space<vmem_shared>>)
          %add3A_179 = arith.constant 2 : i32
          %add3A_180 = arith.addi %add3A_137, %add3A_179 : i32
          %mul3A_181 = arith.constant 10000 : i32
          %mul3A_182 = arith.muli %add3A, %mul3A_181 : i32
          %mul3A_183 = arith.constant 400 : i32
          %mul3A_184 = arith.muli %add3A_180, %mul3A_183 : i32
          %add3A_185 = arith.addi %mul3A_182, %mul3A_184 : i32
          "tpu.region"() ({
            %run_scoped3A = tpu.sem_alloc : memref<!tpu.dma_semaphore, #tpu.memory_space<semaphore_mem>>
            %dma_start3A_193 = tpu.memref_slice %arg3[%add3A_185] : memref<320000xi32, #tpu.memory_space<hbm>> -> memref<400xi32, #tpu.memory_space<hbm>>
            %dma_start3A_194 = tpu.memref_slice %arg3[%add3A_185] : memref<320000xi32, #tpu.memory_space<hbm>> -> memref<400xi32, #tpu.memory_space<hbm>>
            tpu.enqueue_dma source(%dma_start3A_194 : memref<400xi32, #tpu.memory_space<hbm>>) target(%arg9 : memref<400xi32, #tpu.memory_space<vmem>>) target_semaphore(%run_scoped3A : memref<!tpu.dma_semaphore, #tpu.memory_space<semaphore_mem>>)
            %dma_wait3A_195 = tpu.memref_slice %arg3[%add3A_185] : memref<320000xi32, #tpu.memory_space<hbm>> -> memref<400xi32, #tpu.memory_space<hbm>>
            %dma_wait3A_196 = tpu.memref_slice %arg3[%add3A_185] : memref<320000xi32, #tpu.memory_space<hbm>> -> memref<400xi32, #tpu.memory_space<hbm>>
            tpu.wait_dma2 semaphore(%run_scoped3A : memref<!tpu.dma_semaphore, #tpu.memory_space<semaphore_mem>>) src(%dma_wait3A_196 : memref<400xi32, #tpu.memory_space<hbm>>) dst(%arg9 : memref<400xi32, #tpu.memory_space<vmem>>)
            tpu.yield
          }) : () -> ()
          "tpu.region"() ({
            %run_scoped3A = tpu.sem_alloc : memref<!tpu.dma_semaphore, #tpu.memory_space<semaphore_mem>>
            %dma_start3A_193 = tpu.memref_slice %arg4[%add3A_185] : memref<320000xi32, #tpu.memory_space<hbm>> -> memref<400xi32, #tpu.memory_space<hbm>>
            %dma_start3A_194 = tpu.memref_slice %arg4[%add3A_185] : memref<320000xi32, #tpu.memory_space<hbm>> -> memref<400xi32, #tpu.memory_space<hbm>>
            tpu.enqueue_dma source(%dma_start3A_194 : memref<400xi32, #tpu.memory_space<hbm>>) target(%arg12 : memref<400xi32, #tpu.memory_space<vmem>>) target_semaphore(%run_scoped3A : memref<!tpu.dma_semaphore, #tpu.memory_space<semaphore_mem>>)
            %dma_wait3A_195 = tpu.memref_slice %arg4[%add3A_185] : memref<320000xi32, #tpu.memory_space<hbm>> -> memref<400xi32, #tpu.memory_space<hbm>>
            %dma_wait3A_196 = tpu.memref_slice %arg4[%add3A_185] : memref<320000xi32, #tpu.memory_space<hbm>> -> memref<400xi32, #tpu.memory_space<hbm>>
            tpu.wait_dma2 semaphore(%run_scoped3A : memref<!tpu.dma_semaphore, #tpu.memory_space<semaphore_mem>>) src(%dma_wait3A_196 : memref<400xi32, #tpu.memory_space<hbm>>) dst(%arg12 : memref<400xi32, #tpu.memory_space<vmem>>)
            tpu.yield
          }) : () -> ()
          %dma_start3A_186 = arith.constant 0 : i32
          %dma_start3A_187 = arith.constant 0 : i32
          %dma_start3A_188 = tpu.memref_slice %arg2[%scan3A_43, %dma_start3A_186, %dma_start3A_187] : memref<2x10000x64xf32, #tpu.memory_space<hbm>> -> memref<1x10000x64xf32, #tpu.memory_space<hbm>>
          %dma_start3A_189 = tpu.memref_squeeze %dma_start3A_188 : memref<1x10000x64xf32, #tpu.memory_space<hbm>> -> memref<10000x64xf32, #tpu.memory_space<hbm>>
          %dma_start3A_190 = arith.constant 0 : i32
          %dma_start3A_191 = arith.constant 0 : i32
          %dma_start3A_192 = tpu.memref_slice %dma_start3A_189[%dma_start3A_190, %dma_start3A_191] : memref<10000x64xf32, #tpu.memory_space<hbm>> -> memref<10000x64xf32, #tpu.memory_space<hbm>>
          tpu.enqueue_indirect_dma source(%dma_start3A_192 : memref<10000x64xf32, #tpu.memory_space<hbm>>) target(%arg15 : memref<400x64xf32, #tpu.memory_space<vmem>>) offsets(%arg9 : memref<400xi32, #tpu.memory_space<vmem>>) semaphore(%arg18 : memref<!tpu.dma_semaphore, #tpu.memory_space<semaphore_mem>>)
        } else {
        }
      } else {
      }
      %add3A_142 = arith.constant 1 : i32
      %add3A_143 = arith.addi %mul3A_135, %add3A_142 : i32
      %lt3A_144 = arith.constant 25 : i32
      %lt3A_145 = arith.cmpi slt, %add3A_143, %lt3A_144 : i32
      %convert_element_type3A_146 = arith.extui %lt3A_145 : i1 to i32
      %cond3A_147 = arith.constant 0 : i32
      %cond3A_148 = arith.cmpi ne, %convert_element_type3A_146, %cond3A_147 : i32
      scf.if %cond3A_148 {
        %dma_wait3A_156 = arith.constant 0 : i32
        %dma_wait3A_157 = arith.constant 0 : i32
        %dma_wait3A_158 = tpu.memref_slice %arg2[%scan3A_43, %dma_wait3A_156, %dma_wait3A_157] : memref<2x10000x64xf32, #tpu.memory_space<hbm>> -> memref<1x10000x64xf32, #tpu.memory_space<hbm>>
        %dma_wait3A_159 = tpu.memref_squeeze %dma_wait3A_158 : memref<1x10000x64xf32, #tpu.memory_space<hbm>> -> memref<10000x64xf32, #tpu.memory_space<hbm>>
        %dma_wait3A_160 = arith.constant 0 : i32
        %dma_wait3A_161 = arith.constant 0 : i32
        %dma_wait3A_162 = tpu.memref_slice %dma_wait3A_159[%dma_wait3A_160, %dma_wait3A_161] : memref<10000x64xf32, #tpu.memory_space<hbm>> -> memref<10000x64xf32, #tpu.memory_space<hbm>>
        tpu.wait_indirect_dma semaphore(%arg17 : memref<!tpu.dma_semaphore, #tpu.memory_space<semaphore_mem>>) src(%dma_wait3A_162 : memref<10000x64xf32, #tpu.memory_space<hbm>>) dst(%arg14 : memref<400x64xf32, #tpu.memory_space<vmem>>)
        %dma_start3A_163 = arith.constant 0 : i32
        %dma_start3A_164 = arith.constant 0 : i32
        %dma_start3A_165 = tpu.memref_slice %arg22[%dma_start3A_163, %dma_start3A_164] : memref<10000x64xf32, #tpu.memory_space<vmem_shared>> -> memref<10000x64xf32, #tpu.memory_space<vmem_shared>>
        tpu.enqueue_indirect_dma source(%arg14 : memref<400x64xf32, #tpu.memory_space<vmem>>) target(%dma_start3A_165 : memref<10000x64xf32, #tpu.memory_space<vmem_shared>>) offsets(%arg11 : memref<400xi32, #tpu.memory_space<vmem>>) semaphore(%arg20 : memref<!tpu.dma_semaphore, #tpu.memory_space<semaphore_mem>>) {add = true}
        %add3A_166 = arith.constant 2 : i32
        %add3A_167 = arith.addi %add3A_143, %add3A_166 : i32
        %ge3A = arith.constant 3 : i32
        %ge3A_168 = arith.cmpi sge, %add3A_167, %ge3A : i32
        %add3A_169 = arith.constant 2 : i32
        %add3A_170 = arith.addi %add3A_143, %add3A_169 : i32
        %lt3A_171 = arith.constant 25 : i32
        %lt3A_172 = arith.cmpi slt, %add3A_170, %lt3A_171 : i32
        %and3A = arith.andi %ge3A_168, %lt3A_172 : i1
        %convert_element_type3A_173 = arith.extui %and3A : i1 to i32
        %cond3A_174 = arith.constant 0 : i32
        %cond3A_175 = arith.cmpi ne, %convert_element_type3A_173, %cond3A_174 : i32
        scf.if %cond3A_175 {
          %dma_wait3A_176 = arith.constant 0 : i32
          %dma_wait3A_177 = arith.constant 0 : i32
          %dma_wait3A_178 = tpu.memref_slice %arg22[%dma_wait3A_176, %dma_wait3A_177] : memref<10000x64xf32, #tpu.memory_space<vmem_shared>> -> memref<10000x64xf32, #tpu.memory_space<vmem_shared>>
          tpu.wait_indirect_dma semaphore(%arg19 : memref<!tpu.dma_semaphore, #tpu.memory_space<semaphore_mem>>) src(%arg13 : memref<400x64xf32, #tpu.memory_space<vmem>>) dst(%dma_wait3A_178 : memref<10000x64xf32, #tpu.memory_space<vmem_shared>>)
          %add3A_179 = arith.constant 2 : i32
          %add3A_180 = arith.addi %add3A_143, %add3A_179 : i32
          %mul3A_181 = arith.constant 10000 : i32
          %mul3A_182 = arith.muli %add3A, %mul3A_181 : i32
          %mul3A_183 = arith.constant 400 : i32
          %mul3A_184 = arith.muli %add3A_180, %mul3A_183 : i32
          %add3A_185 = arith.addi %mul3A_182, %mul3A_184 : i32
          "tpu.region"() ({
            %run_scoped3A = tpu.sem_alloc : memref<!tpu.dma_semaphore, #tpu.memory_space<semaphore_mem>>
            %dma_start3A_193 = tpu.memref_slice %arg3[%add3A_185] : memref<320000xi32, #tpu.memory_space<hbm>> -> memref<400xi32, #tpu.memory_space<hbm>>
            %dma_start3A_194 = tpu.memref_slice %arg3[%add3A_185] : memref<320000xi32, #tpu.memory_space<hbm>> -> memref<400xi32, #tpu.memory_space<hbm>>
            tpu.enqueue_dma source(%dma_start3A_194 : memref<400xi32, #tpu.memory_space<hbm>>) target(%arg7 : memref<400xi32, #tpu.memory_space<vmem>>) target_semaphore(%run_scoped3A : memref<!tpu.dma_semaphore, #tpu.memory_space<semaphore_mem>>)
            %dma_wait3A_195 = tpu.memref_slice %arg3[%add3A_185] : memref<320000xi32, #tpu.memory_space<hbm>> -> memref<400xi32, #tpu.memory_space<hbm>>
            %dma_wait3A_196 = tpu.memref_slice %arg3[%add3A_185] : memref<320000xi32, #tpu.memory_space<hbm>> -> memref<400xi32, #tpu.memory_space<hbm>>
            tpu.wait_dma2 semaphore(%run_scoped3A : memref<!tpu.dma_semaphore, #tpu.memory_space<semaphore_mem>>) src(%dma_wait3A_196 : memref<400xi32, #tpu.memory_space<hbm>>) dst(%arg7 : memref<400xi32, #tpu.memory_space<vmem>>)
            tpu.yield
          }) : () -> ()
          "tpu.region"() ({
            %run_scoped3A = tpu.sem_alloc : memref<!tpu.dma_semaphore, #tpu.memory_space<semaphore_mem>>
            %dma_start3A_193 = tpu.memref_slice %arg4[%add3A_185] : memref<320000xi32, #tpu.memory_space<hbm>> -> memref<400xi32, #tpu.memory_space<hbm>>
            %dma_start3A_194 = tpu.memref_slice %arg4[%add3A_185] : memref<320000xi32, #tpu.memory_space<hbm>> -> memref<400xi32, #tpu.memory_space<hbm>>
            tpu.enqueue_dma source(%dma_start3A_194 : memref<400xi32, #tpu.memory_space<hbm>>) target(%arg10 : memref<400xi32, #tpu.memory_space<vmem>>) target_semaphore(%run_scoped3A : memref<!tpu.dma_semaphore, #tpu.memory_space<semaphore_mem>>)
            %dma_wait3A_195 = tpu.memref_slice %arg4[%add3A_185] : memref<320000xi32, #tpu.memory_space<hbm>> -> memref<400xi32, #tpu.memory_space<hbm>>
            %dma_wait3A_196 = tpu.memref_slice %arg4[%add3A_185] : memref<320000xi32, #tpu.memory_space<hbm>> -> memref<400xi32, #tpu.memory_space<hbm>>
            tpu.wait_dma2 semaphore(%run_scoped3A : memref<!tpu.dma_semaphore, #tpu.memory_space<semaphore_mem>>) src(%dma_wait3A_196 : memref<400xi32, #tpu.memory_space<hbm>>) dst(%arg10 : memref<400xi32, #tpu.memory_space<vmem>>)
            tpu.yield
          }) : () -> ()
          %dma_start3A_186 = arith.constant 0 : i32
          %dma_start3A_187 = arith.constant 0 : i32
          %dma_start3A_188 = tpu.memref_slice %arg2[%scan3A_43, %dma_start3A_186, %dma_start3A_187] : memref<2x10000x64xf32, #tpu.memory_space<hbm>> -> memref<1x10000x64xf32, #tpu.memory_space<hbm>>
          %dma_start3A_189 = tpu.memref_squeeze %dma_start3A_188 : memref<1x10000x64xf32, #tpu.memory_space<hbm>> -> memref<10000x64xf32, #tpu.memory_space<hbm>>
          %dma_start3A_190 = arith.constant 0 : i32
          %dma_start3A_191 = arith.constant 0 : i32
          %dma_start3A_192 = tpu.memref_slice %dma_start3A_189[%dma_start3A_190, %dma_start3A_191] : memref<10000x64xf32, #tpu.memory_space<hbm>> -> memref<10000x64xf32, #tpu.memory_space<hbm>>
          tpu.enqueue_indirect_dma source(%dma_start3A_192 : memref<10000x64xf32, #tpu.memory_space<hbm>>) target(%arg13 : memref<400x64xf32, #tpu.memory_space<vmem>>) offsets(%arg7 : memref<400xi32, #tpu.memory_space<vmem>>) semaphore(%arg16 : memref<!tpu.dma_semaphore, #tpu.memory_space<semaphore_mem>>)
        } else {
        }
      } else {
      }
      %add3A_149 = arith.constant 2 : i32
      %add3A_150 = arith.addi %mul3A_135, %add3A_149 : i32
      %lt3A_151 = arith.constant 25 : i32
      %lt3A_152 = arith.cmpi slt, %add3A_150, %lt3A_151 : i32
      %convert_element_type3A_153 = arith.extui %lt3A_152 : i1 to i32
      %cond3A_154 = arith.constant 0 : i32
      %cond3A_155 = arith.cmpi ne, %convert_element_type3A_153, %cond3A_154 : i32
      scf.if %cond3A_155 {
        %dma_wait3A_156 = arith.constant 0 : i32
        %dma_wait3A_157 = arith.constant 0 : i32
        %dma_wait3A_158 = tpu.memref_slice %arg2[%scan3A_43, %dma_wait3A_156, %dma_wait3A_157] : memref<2x10000x64xf32, #tpu.memory_space<hbm>> -> memref<1x10000x64xf32, #tpu.memory_space<hbm>>
        %dma_wait3A_159 = tpu.memref_squeeze %dma_wait3A_158 : memref<1x10000x64xf32, #tpu.memory_space<hbm>> -> memref<10000x64xf32, #tpu.memory_space<hbm>>
        %dma_wait3A_160 = arith.constant 0 : i32
        %dma_wait3A_161 = arith.constant 0 : i32
        %dma_wait3A_162 = tpu.memref_slice %dma_wait3A_159[%dma_wait3A_160, %dma_wait3A_161] : memref<10000x64xf32, #tpu.memory_space<hbm>> -> memref<10000x64xf32, #tpu.memory_space<hbm>>
        tpu.wait_indirect_dma semaphore(%arg18 : memref<!tpu.dma_semaphore, #tpu.memory_space<semaphore_mem>>) src(%dma_wait3A_162 : memref<10000x64xf32, #tpu.memory_space<hbm>>) dst(%arg15 : memref<400x64xf32, #tpu.memory_space<vmem>>)
        %dma_start3A_163 = arith.constant 0 : i32
        %dma_start3A_164 = arith.constant 0 : i32
        %dma_start3A_165 = tpu.memref_slice %arg22[%dma_start3A_163, %dma_start3A_164] : memref<10000x64xf32, #tpu.memory_space<vmem_shared>> -> memref<10000x64xf32, #tpu.memory_space<vmem_shared>>
        tpu.enqueue_indirect_dma source(%arg15 : memref<400x64xf32, #tpu.memory_space<vmem>>) target(%dma_start3A_165 : memref<10000x64xf32, #tpu.memory_space<vmem_shared>>) offsets(%arg12 : memref<400xi32, #tpu.memory_space<vmem>>) semaphore(%arg21 : memref<!tpu.dma_semaphore, #tpu.memory_space<semaphore_mem>>) {add = true}
        %add3A_166 = arith.constant 2 : i32
        %add3A_167 = arith.addi %add3A_150, %add3A_166 : i32
        %ge3A = arith.constant 3 : i32
        %ge3A_168 = arith.cmpi sge, %add3A_167, %ge3A : i32
        %add3A_169 = arith.constant 2 : i32
        %add3A_170 = arith.addi %add3A_150, %add3A_169 : i32
        %lt3A_171 = arith.constant 25 : i32
        %lt3A_172 = arith.cmpi slt, %add3A_170, %lt3A_171 : i32
        %and3A = arith.andi %ge3A_168, %lt3A_172 : i1
        %convert_element_type3A_173 = arith.extui %and3A : i1 to i32
        %cond3A_174 = arith.constant 0 : i32
        %cond3A_175 = arith.cmpi ne, %convert_element_type3A_173, %cond3A_174 : i32
        scf.if %cond3A_175 {
          %dma_wait3A_176 = arith.constant 0 : i32
          %dma_wait3A_177 = arith.constant 0 : i32
          %dma_wait3A_178 = tpu.memref_slice %arg22[%dma_wait3A_176, %dma_wait3A_177] : memref<10000x64xf32, #tpu.memory_space<vmem_shared>> -> memref<10000x64xf32, #tpu.memory_space<vmem_shared>>
          tpu.wait_indirect_dma semaphore(%arg20 : memref<!tpu.dma_semaphore, #tpu.memory_space<semaphore_mem>>) src(%arg14 : memref<400x64xf32, #tpu.memory_space<vmem>>) dst(%dma_wait3A_178 : memref<10000x64xf32, #tpu.memory_space<vmem_shared>>)
          %add3A_179 = arith.constant 2 : i32
          %add3A_180 = arith.addi %add3A_150, %add3A_179 : i32
          %mul3A_181 = arith.constant 10000 : i32
          %mul3A_182 = arith.muli %add3A, %mul3A_181 : i32
          %mul3A_183 = arith.constant 400 : i32
          %mul3A_184 = arith.muli %add3A_180, %mul3A_183 : i32
          %add3A_185 = arith.addi %mul3A_182, %mul3A_184 : i32
          "tpu.region"() ({
            %run_scoped3A = tpu.sem_alloc : memref<!tpu.dma_semaphore, #tpu.memory_space<semaphore_mem>>
            %dma_start3A_193 = tpu.memref_slice %arg3[%add3A_185] : memref<320000xi32, #tpu.memory_space<hbm>> -> memref<400xi32, #tpu.memory_space<hbm>>
            %dma_start3A_194 = tpu.memref_slice %arg3[%add3A_185] : memref<320000xi32, #tpu.memory_space<hbm>> -> memref<400xi32, #tpu.memory_space<hbm>>
            tpu.enqueue_dma source(%dma_start3A_194 : memref<400xi32, #tpu.memory_space<hbm>>) target(%arg8 : memref<400xi32, #tpu.memory_space<vmem>>) target_semaphore(%run_scoped3A : memref<!tpu.dma_semaphore, #tpu.memory_space<semaphore_mem>>)
            %dma_wait3A_195 = tpu.memref_slice %arg3[%add3A_185] : memref<320000xi32, #tpu.memory_space<hbm>> -> memref<400xi32, #tpu.memory_space<hbm>>
            %dma_wait3A_196 = tpu.memref_slice %arg3[%add3A_185] : memref<320000xi32, #tpu.memory_space<hbm>> -> memref<400xi32, #tpu.memory_space<hbm>>
            tpu.wait_dma2 semaphore(%run_scoped3A : memref<!tpu.dma_semaphore, #tpu.memory_space<semaphore_mem>>) src(%dma_wait3A_196 : memref<400xi32, #tpu.memory_space<hbm>>) dst(%arg8 : memref<400xi32, #tpu.memory_space<vmem>>)
            tpu.yield
          }) : () -> ()
          "tpu.region"() ({
            %run_scoped3A = tpu.sem_alloc : memref<!tpu.dma_semaphore, #tpu.memory_space<semaphore_mem>>
            %dma_start3A_193 = tpu.memref_slice %arg4[%add3A_185] : memref<320000xi32, #tpu.memory_space<hbm>> -> memref<400xi32, #tpu.memory_space<hbm>>
            %dma_start3A_194 = tpu.memref_slice %arg4[%add3A_185] : memref<320000xi32, #tpu.memory_space<hbm>> -> memref<400xi32, #tpu.memory_space<hbm>>
            tpu.enqueue_dma source(%dma_start3A_194 : memref<400xi32, #tpu.memory_space<hbm>>) target(%arg11 : memref<400xi32, #tpu.memory_space<vmem>>) target_semaphore(%run_scoped3A : memref<!tpu.dma_semaphore, #tpu.memory_space<semaphore_mem>>)
            %dma_wait3A_195 = tpu.memref_slice %arg4[%add3A_185] : memref<320000xi32, #tpu.memory_space<hbm>> -> memref<400xi32, #tpu.memory_space<hbm>>
            %dma_wait3A_196 = tpu.memref_slice %arg4[%add3A_185] : memref<320000xi32, #tpu.memory_space<hbm>> -> memref<400xi32, #tpu.memory_space<hbm>>
            tpu.wait_dma2 semaphore(%run_scoped3A : memref<!tpu.dma_semaphore, #tpu.memory_space<semaphore_mem>>) src(%dma_wait3A_196 : memref<400xi32, #tpu.memory_space<hbm>>) dst(%arg11 : memref<400xi32, #tpu.memory_space<vmem>>)
            tpu.yield
          }) : () -> ()
          %dma_start3A_186 = arith.constant 0 : i32
          %dma_start3A_187 = arith.constant 0 : i32
          %dma_start3A_188 = tpu.memref_slice %arg2[%scan3A_43, %dma_start3A_186, %dma_start3A_187] : memref<2x10000x64xf32, #tpu.memory_space<hbm>> -> memref<1x10000x64xf32, #tpu.memory_space<hbm>>
          %dma_start3A_189 = tpu.memref_squeeze %dma_start3A_188 : memref<1x10000x64xf32, #tpu.memory_space<hbm>> -> memref<10000x64xf32, #tpu.memory_space<hbm>>
          %dma_start3A_190 = arith.constant 0 : i32
          %dma_start3A_191 = arith.constant 0 : i32
          %dma_start3A_192 = tpu.memref_slice %dma_start3A_189[%dma_start3A_190, %dma_start3A_191] : memref<10000x64xf32, #tpu.memory_space<hbm>> -> memref<10000x64xf32, #tpu.memory_space<hbm>>
          tpu.enqueue_indirect_dma source(%dma_start3A_192 : memref<10000x64xf32, #tpu.memory_space<hbm>>) target(%arg14 : memref<400x64xf32, #tpu.memory_space<vmem>>) offsets(%arg8 : memref<400xi32, #tpu.memory_space<vmem>>) semaphore(%arg17 : memref<!tpu.dma_semaphore, #tpu.memory_space<semaphore_mem>>)
        } else {
        }
      } else {
      }
    }
    %scan3A_48 = arith.constant 9 : i32
    %dma_wait3A = arith.constant 0 : i32
    %dma_wait3A_49 = arith.constant 0 : i32
    %dma_wait3A_50 = tpu.memref_slice %arg22[%dma_wait3A, %dma_wait3A_49] : memref<10000x64xf32, #tpu.memory_space<vmem_shared>> -> memref<10000x64xf32, #tpu.memory_space<vmem_shared>>
    tpu.wait_indirect_dma semaphore(%arg19 : memref<!tpu.dma_semaphore, #tpu.memory_space<semaphore_mem>>) src(%arg13 : memref<400x64xf32, #tpu.memory_space<vmem>>) dst(%dma_wait3A_50 : memref<10000x64xf32, #tpu.memory_space<vmem_shared>>)
    %dma_wait3A_51 = arith.constant 0 : i32
    %dma_wait3A_52 = arith.constant 0 : i32
    %dma_wait3A_53 = tpu.memref_slice %arg22[%dma_wait3A_51, %dma_wait3A_52] : memref<10000x64xf32, #tpu.memory_space<vmem_shared>> -> memref<10000x64xf32, #tpu.memory_space<vmem_shared>>
    tpu.wait_indirect_dma semaphore(%arg20 : memref<!tpu.dma_semaphore, #tpu.memory_space<semaphore_mem>>) src(%arg14 : memref<400x64xf32, #tpu.memory_space<vmem>>) dst(%dma_wait3A_53 : memref<10000x64xf32, #tpu.memory_space<vmem_shared>>)
    %dma_wait3A_54 = arith.constant 0 : i32
    %dma_wait3A_55 = arith.constant 0 : i32
    %dma_wait3A_56 = tpu.memref_slice %arg22[%dma_wait3A_54, %dma_wait3A_55] : memref<10000x64xf32, #tpu.memory_space<vmem_shared>> -> memref<10000x64xf32, #tpu.memory_space<vmem_shared>>
    tpu.wait_indirect_dma semaphore(%arg21 : memref<!tpu.dma_semaphore, #tpu.memory_space<semaphore_mem>>) src(%arg15 : memref<400x64xf32, #tpu.memory_space<vmem>>) dst(%dma_wait3A_56 : memref<10000x64xf32, #tpu.memory_space<vmem_shared>>)
    %barrier3A_57 = arith.constant 0 : index
    tpu.barrier barrier_id(%barrier3A_57)
    %mul3A_58 = arith.constant 625 : i32
    %mul3A_59 = arith.muli %arg1, %mul3A_58 : i32
    %mul3A_60 = arith.constant 625 : i32
    %mul3A_61 = arith.muli %arg1, %mul3A_60 : i32
    "tpu.region"() ({
      %run_scoped3A = tpu.sem_alloc : memref<!tpu.dma_semaphore, #tpu.memory_space<semaphore_mem>>
      %dma_start3A_133 = arith.constant 0 : i32
      %dma_start3A_134 = tpu.memref_slice %arg6[%arg0, %mul3A_61, %dma_start3A_133] : memref<2x10000x128xf32, #tpu.memory_space<hbm>> -> memref<1x625x64xf32, #tpu.memory_space<hbm>>
      %dma_start3A_135 = tpu.memref_squeeze %dma_start3A_134 : memref<1x625x64xf32, #tpu.memory_space<hbm>> -> memref<625x64xf32, #tpu.memory_space<hbm>>
      %dma_start3A_136 = arith.constant 0 : i32
      %dma_start3A_137 = tpu.memref_slice %arg22[%mul3A_59, %dma_start3A_136] : memref<10000x64xf32, #tpu.memory_space<vmem_shared>> -> memref<625x64xf32, #tpu.memory_space<vmem_shared>>
      tpu.enqueue_dma source(%dma_start3A_137 : memref<625x64xf32, #tpu.memory_space<vmem_shared>>) target(%dma_start3A_135 : memref<625x64xf32, #tpu.memory_space<hbm>>) target_semaphore(%run_scoped3A : memref<!tpu.dma_semaphore, #tpu.memory_space<semaphore_mem>>)
      %dma_wait3A_138 = arith.constant 0 : i32
      %dma_wait3A_139 = tpu.memref_slice %arg6[%arg0, %mul3A_61, %dma_wait3A_138] : memref<2x10000x128xf32, #tpu.memory_space<hbm>> -> memref<1x625x64xf32, #tpu.memory_space<hbm>>
      %dma_wait3A_140 = tpu.memref_squeeze %dma_wait3A_139 : memref<1x625x64xf32, #tpu.memory_space<hbm>> -> memref<625x64xf32, #tpu.memory_space<hbm>>
      %dma_wait3A_141 = arith.constant 0 : i32
      %dma_wait3A_142 = tpu.memref_slice %arg22[%mul3A_59, %dma_wait3A_141] : memref<10000x64xf32, #tpu.memory_space<vmem_shared>> -> memref<625x64xf32, #tpu.memory_space<vmem_shared>>
      tpu.wait_dma2 semaphore(%run_scoped3A : memref<!tpu.dma_semaphore, #tpu.memory_space<semaphore_mem>>) src(%dma_wait3A_142 : memref<625x64xf32, #tpu.memory_space<vmem_shared>>) dst(%dma_wait3A_140 : memref<625x64xf32, #tpu.memory_space<hbm>>)
      tpu.yield
    }) : () -> ()
    %barrier3A_62 = arith.constant 0 : index
    tpu.barrier barrier_id(%barrier3A_62)
    %eq3A_63 = arith.constant 0 : i32
    %eq3A_64 = arith.cmpi eq, %arg0, %eq3A_63 : i32
    %convert_element_type3A_65 = arith.extui %eq3A_64 : i1 to i32
    %cond3A_66 = arith.constant 1 : i32
    %cond3A_67 = arith.constant 0 : i32
    %cond3A_68 = arith.cmpi ne, %convert_element_type3A_65, %cond3A_67 : i32
    scf.if %cond3A_68 {
      %mul3A_133 = arith.constant 625 : i32
      %mul3A_134 = arith.muli %arg1, %mul3A_133 : i32
      %mul3A_135 = arith.constant 625 : i32
      %mul3A_136 = arith.muli %arg1, %mul3A_135 : i32
      "tpu.region"() ({
        %run_scoped3A = tpu.sem_alloc : memref<!tpu.dma_semaphore, #tpu.memory_space<semaphore_mem>>
        %dma_start3A_137 = arith.constant 0 : i32
        %dma_start3A_138 = tpu.memref_slice %arg22[%mul3A_136, %dma_start3A_137] : memref<10000x64xf32, #tpu.memory_space<vmem_shared>> -> memref<625x64xf32, #tpu.memory_space<vmem_shared>>
        %dma_start3A_139 = arith.constant 0 : i32
        %dma_start3A_140 = arith.constant 0 : i32
        %dma_start3A_141 = tpu.memref_slice %arg2[%cond3A_66, %dma_start3A_139, %dma_start3A_140] : memref<2x10000x64xf32, #tpu.memory_space<hbm>> -> memref<1x10000x64xf32, #tpu.memory_space<hbm>>
        %dma_start3A_142 = tpu.memref_squeeze %dma_start3A_141 : memref<1x10000x64xf32, #tpu.memory_space<hbm>> -> memref<10000x64xf32, #tpu.memory_space<hbm>>
        %dma_start3A_143 = arith.constant 0 : i32
        %dma_start3A_144 = tpu.memref_slice %dma_start3A_142[%mul3A_134, %dma_start3A_143] : memref<10000x64xf32, #tpu.memory_space<hbm>> -> memref<625x64xf32, #tpu.memory_space<hbm>>
        tpu.enqueue_dma source(%dma_start3A_144 : memref<625x64xf32, #tpu.memory_space<hbm>>) target(%dma_start3A_138 : memref<625x64xf32, #tpu.memory_space<vmem_shared>>) target_semaphore(%run_scoped3A : memref<!tpu.dma_semaphore, #tpu.memory_space<semaphore_mem>>)
        %dma_wait3A_145 = arith.constant 0 : i32
        %dma_wait3A_146 = tpu.memref_slice %arg22[%mul3A_136, %dma_wait3A_145] : memref<10000x64xf32, #tpu.memory_space<vmem_shared>> -> memref<625x64xf32, #tpu.memory_space<vmem_shared>>
        %dma_wait3A_147 = arith.constant 0 : i32
        %dma_wait3A_148 = arith.constant 0 : i32
        %dma_wait3A_149 = tpu.memref_slice %arg2[%cond3A_66, %dma_wait3A_147, %dma_wait3A_148] : memref<2x10000x64xf32, #tpu.memory_space<hbm>> -> memref<1x10000x64xf32, #tpu.memory_space<hbm>>
        %dma_wait3A_150 = tpu.memref_squeeze %dma_wait3A_149 : memref<1x10000x64xf32, #tpu.memory_space<hbm>> -> memref<10000x64xf32, #tpu.memory_space<hbm>>
        %dma_wait3A_151 = arith.constant 0 : i32
        %dma_wait3A_152 = tpu.memref_slice %dma_wait3A_150[%mul3A_134, %dma_wait3A_151] : memref<10000x64xf32, #tpu.memory_space<hbm>> -> memref<625x64xf32, #tpu.memory_space<hbm>>
        tpu.wait_dma2 semaphore(%run_scoped3A : memref<!tpu.dma_semaphore, #tpu.memory_space<semaphore_mem>>) src(%dma_wait3A_152 : memref<625x64xf32, #tpu.memory_space<hbm>>) dst(%dma_wait3A_146 : memref<625x64xf32, #tpu.memory_space<vmem_shared>>)
        tpu.yield
      }) : () -> ()
    } else {
    }
    %ne3A_69 = arith.constant 0 : i32
    %ne3A_70 = arith.cmpi ne, %arg0, %ne3A_69 : i32
    %convert_element_type3A_71 = arith.extui %ne3A_70 : i1 to i32
    %cond3A_72 = arith.constant 0 : i32
    %cond3A_73 = arith.cmpi ne, %convert_element_type3A_71, %cond3A_72 : i32
    scf.if %cond3A_73 {
      %mul3A_133 = arith.constant 625 : i32
      %mul3A_134 = arith.muli %arg1, %mul3A_133 : i32
      "tpu.region"() ({
        %run_scoped3A = tpu.sem_alloc : memref<!tpu.dma_semaphore, #tpu.memory_space<semaphore_mem>>
        %dma_start3A_135 = arith.constant 0 : i32
        %dma_start3A_136 = tpu.memref_slice %arg22[%mul3A_134, %dma_start3A_135] : memref<10000x64xf32, #tpu.memory_space<vmem_shared>> -> memref<625x64xf32, #tpu.memory_space<vmem_shared>>
        tpu.enqueue_dma source(%arg5 : memref<625x64xf32, #tpu.memory_space<hbm>>) target(%dma_start3A_136 : memref<625x64xf32, #tpu.memory_space<vmem_shared>>) target_semaphore(%run_scoped3A : memref<!tpu.dma_semaphore, #tpu.memory_space<semaphore_mem>>)
        %dma_wait3A_137 = arith.constant 0 : i32
        %dma_wait3A_138 = tpu.memref_slice %arg22[%mul3A_134, %dma_wait3A_137] : memref<10000x64xf32, #tpu.memory_space<vmem_shared>> -> memref<625x64xf32, #tpu.memory_space<vmem_shared>>
        tpu.wait_dma2 semaphore(%run_scoped3A : memref<!tpu.dma_semaphore, #tpu.memory_space<semaphore_mem>>) src(%arg5 : memref<625x64xf32, #tpu.memory_space<hbm>>) dst(%dma_wait3A_138 : memref<625x64xf32, #tpu.memory_space<vmem_shared>>)
        tpu.yield
      }) : () -> ()
    } else {
    }
    %barrier3A_74 = arith.constant 0 : index
    tpu.barrier barrier_id(%barrier3A_74)
    %mul3A_75 = arith.constant 10000 : i32
    %mul3A_76 = arith.muli %add3A, %mul3A_75 : i32
    %add3A_77 = arith.constant 0 : i32
    %add3A_78 = arith.addi %mul3A_76, %add3A_77 : i32
    "tpu.region"() ({
      %run_scoped3A = tpu.sem_alloc : memref<!tpu.dma_semaphore, #tpu.memory_space<semaphore_mem>>
      %dma_start3A_133 = tpu.memref_slice %arg3[%add3A_78] : memref<320000xi32, #tpu.memory_space<hbm>> -> memref<400xi32, #tpu.memory_space<hbm>>
      %dma_start3A_134 = tpu.memref_slice %arg3[%add3A_78] : memref<320000xi32, #tpu.memory_space<hbm>> -> memref<400xi32, #tpu.memory_space<hbm>>
      tpu.enqueue_dma source(%dma_start3A_134 : memref<400xi32, #tpu.memory_space<hbm>>) target(%arg7 : memref<400xi32, #tpu.memory_space<vmem>>) target_semaphore(%run_scoped3A : memref<!tpu.dma_semaphore, #tpu.memory_space<semaphore_mem>>)
      %dma_wait3A_135 = tpu.memref_slice %arg3[%add3A_78] : memref<320000xi32, #tpu.memory_space<hbm>> -> memref<400xi32, #tpu.memory_space<hbm>>
      %dma_wait3A_136 = tpu.memref_slice %arg3[%add3A_78] : memref<320000xi32, #tpu.memory_space<hbm>> -> memref<400xi32, #tpu.memory_space<hbm>>
      tpu.wait_dma2 semaphore(%run_scoped3A : memref<!tpu.dma_semaphore, #tpu.memory_space<semaphore_mem>>) src(%dma_wait3A_136 : memref<400xi32, #tpu.memory_space<hbm>>) dst(%arg7 : memref<400xi32, #tpu.memory_space<vmem>>)
      tpu.yield
    }) : () -> ()
    "tpu.region"() ({
      %run_scoped3A = tpu.sem_alloc : memref<!tpu.dma_semaphore, #tpu.memory_space<semaphore_mem>>
      %dma_start3A_133 = tpu.memref_slice %arg4[%add3A_78] : memref<320000xi32, #tpu.memory_space<hbm>> -> memref<400xi32, #tpu.memory_space<hbm>>
      %dma_start3A_134 = tpu.memref_slice %arg4[%add3A_78] : memref<320000xi32, #tpu.memory_space<hbm>> -> memref<400xi32, #tpu.memory_space<hbm>>
      tpu.enqueue_dma source(%dma_start3A_134 : memref<400xi32, #tpu.memory_space<hbm>>) target(%arg10 : memref<400xi32, #tpu.memory_space<vmem>>) target_semaphore(%run_scoped3A : memref<!tpu.dma_semaphore, #tpu.memory_space<semaphore_mem>>)
      %dma_wait3A_135 = tpu.memref_slice %arg4[%add3A_78] : memref<320000xi32, #tpu.memory_space<hbm>> -> memref<400xi32, #tpu.memory_space<hbm>>
      %dma_wait3A_136 = tpu.memref_slice %arg4[%add3A_78] : memref<320000xi32, #tpu.memory_space<hbm>> -> memref<400xi32, #tpu.memory_space<hbm>>
      tpu.wait_dma2 semaphore(%run_scoped3A : memref<!tpu.dma_semaphore, #tpu.memory_space<semaphore_mem>>) src(%dma_wait3A_136 : memref<400xi32, #tpu.memory_space<hbm>>) dst(%arg10 : memref<400xi32, #tpu.memory_space<vmem>>)
      tpu.yield
    }) : () -> ()
    %dma_start3A_79 = arith.constant 1 : i32
    %dma_start3A_80 = arith.constant 0 : i32
    %dma_start3A_81 = arith.constant 0 : i32
    %dma_start3A_82 = tpu.memref_slice %arg2[%dma_start3A_79, %dma_start3A_80, %dma_start3A_81] : memref<2x10000x64xf32, #tpu.memory_space<hbm>> -> memref<1x10000x64xf32, #tpu.memory_space<hbm>>
    %dma_start3A_83 = tpu.memref_squeeze %dma_start3A_82 : memref<1x10000x64xf32, #tpu.memory_space<hbm>> -> memref<10000x64xf32, #tpu.memory_space<hbm>>
    %dma_start3A_84 = arith.constant 0 : i32
    %dma_start3A_85 = arith.constant 0 : i32
    %dma_start3A_86 = tpu.memref_slice %dma_start3A_83[%dma_start3A_84, %dma_start3A_85] : memref<10000x64xf32, #tpu.memory_space<hbm>> -> memref<10000x64xf32, #tpu.memory_space<hbm>>
    tpu.enqueue_indirect_dma source(%dma_start3A_86 : memref<10000x64xf32, #tpu.memory_space<hbm>>) target(%arg13 : memref<400x64xf32, #tpu.memory_space<vmem>>) offsets(%arg7 : memref<400xi32, #tpu.memory_space<vmem>>) semaphore(%arg16 : memref<!tpu.dma_semaphore, #tpu.memory_space<semaphore_mem>>)
    %mul3A_87 = arith.constant 10000 : i32
    %mul3A_88 = arith.muli %add3A, %mul3A_87 : i32
    %add3A_89 = arith.constant 400 : i32
    %add3A_90 = arith.addi %mul3A_88, %add3A_89 : i32
    "tpu.region"() ({
      %run_scoped3A = tpu.sem_alloc : memref<!tpu.dma_semaphore, #tpu.memory_space<semaphore_mem>>
      %dma_start3A_133 = tpu.memref_slice %arg3[%add3A_90] : memref<320000xi32, #tpu.memory_space<hbm>> -> memref<400xi32, #tpu.memory_space<hbm>>
      %dma_start3A_134 = tpu.memref_slice %arg3[%add3A_90] : memref<320000xi32, #tpu.memory_space<hbm>> -> memref<400xi32, #tpu.memory_space<hbm>>
      tpu.enqueue_dma source(%dma_start3A_134 : memref<400xi32, #tpu.memory_space<hbm>>) target(%arg8 : memref<400xi32, #tpu.memory_space<vmem>>) target_semaphore(%run_scoped3A : memref<!tpu.dma_semaphore, #tpu.memory_space<semaphore_mem>>)
      %dma_wait3A_135 = tpu.memref_slice %arg3[%add3A_90] : memref<320000xi32, #tpu.memory_space<hbm>> -> memref<400xi32, #tpu.memory_space<hbm>>
      %dma_wait3A_136 = tpu.memref_slice %arg3[%add3A_90] : memref<320000xi32, #tpu.memory_space<hbm>> -> memref<400xi32, #tpu.memory_space<hbm>>
      tpu.wait_dma2 semaphore(%run_scoped3A : memref<!tpu.dma_semaphore, #tpu.memory_space<semaphore_mem>>) src(%dma_wait3A_136 : memref<400xi32, #tpu.memory_space<hbm>>) dst(%arg8 : memref<400xi32, #tpu.memory_space<vmem>>)
      tpu.yield
    }) : () -> ()
    "tpu.region"() ({
      %run_scoped3A = tpu.sem_alloc : memref<!tpu.dma_semaphore, #tpu.memory_space<semaphore_mem>>
      %dma_start3A_133 = tpu.memref_slice %arg4[%add3A_90] : memref<320000xi32, #tpu.memory_space<hbm>> -> memref<400xi32, #tpu.memory_space<hbm>>
      %dma_start3A_134 = tpu.memref_slice %arg4[%add3A_90] : memref<320000xi32, #tpu.memory_space<hbm>> -> memref<400xi32, #tpu.memory_space<hbm>>
      tpu.enqueue_dma source(%dma_start3A_134 : memref<400xi32, #tpu.memory_space<hbm>>) target(%arg11 : memref<400xi32, #tpu.memory_space<vmem>>) target_semaphore(%run_scoped3A : memref<!tpu.dma_semaphore, #tpu.memory_space<semaphore_mem>>)
      %dma_wait3A_135 = tpu.memref_slice %arg4[%add3A_90] : memref<320000xi32, #tpu.memory_space<hbm>> -> memref<400xi32, #tpu.memory_space<hbm>>
      %dma_wait3A_136 = tpu.memref_slice %arg4[%add3A_90] : memref<320000xi32, #tpu.memory_space<hbm>> -> memref<400xi32, #tpu.memory_space<hbm>>
      tpu.wait_dma2 semaphore(%run_scoped3A : memref<!tpu.dma_semaphore, #tpu.memory_space<semaphore_mem>>) src(%dma_wait3A_136 : memref<400xi32, #tpu.memory_space<hbm>>) dst(%arg11 : memref<400xi32, #tpu.memory_space<vmem>>)
      tpu.yield
    }) : () -> ()
    %dma_start3A_91 = arith.constant 1 : i32
    %dma_start3A_92 = arith.constant 0 : i32
    %dma_start3A_93 = arith.constant 0 : i32
    %dma_start3A_94 = tpu.memref_slice %arg2[%dma_start3A_91, %dma_start3A_92, %dma_start3A_93] : memref<2x10000x64xf32, #tpu.memory_space<hbm>> -> memref<1x10000x64xf32, #tpu.memory_space<hbm>>
    %dma_start3A_95 = tpu.memref_squeeze %dma_start3A_94 : memref<1x10000x64xf32, #tpu.memory_space<hbm>> -> memref<10000x64xf32, #tpu.memory_space<hbm>>
    %dma_start3A_96 = arith.constant 0 : i32
    %dma_start3A_97 = arith.constant 0 : i32
    %dma_start3A_98 = tpu.memref_slice %dma_start3A_95[%dma_start3A_96, %dma_start3A_97] : memref<10000x64xf32, #tpu.memory_space<hbm>> -> memref<10000x64xf32, #tpu.memory_space<hbm>>
    tpu.enqueue_indirect_dma source(%dma_start3A_98 : memref<10000x64xf32, #tpu.memory_space<hbm>>) target(%arg14 : memref<400x64xf32, #tpu.memory_space<vmem>>) offsets(%arg8 : memref<400xi32, #tpu.memory_space<vmem>>) semaphore(%arg17 : memref<!tpu.dma_semaphore, #tpu.memory_space<semaphore_mem>>)
    %mul3A_99 = arith.constant 10000 : i32
    %mul3A_100 = arith.muli %add3A, %mul3A_99 : i32
    %add3A_101 = arith.constant 800 : i32
    %add3A_102 = arith.addi %mul3A_100, %add3A_101 : i32
    "tpu.region"() ({
      %run_scoped3A = tpu.sem_alloc : memref<!tpu.dma_semaphore, #tpu.memory_space<semaphore_mem>>
      %dma_start3A_133 = tpu.memref_slice %arg3[%add3A_102] : memref<320000xi32, #tpu.memory_space<hbm>> -> memref<400xi32, #tpu.memory_space<hbm>>
      %dma_start3A_134 = tpu.memref_slice %arg3[%add3A_102] : memref<320000xi32, #tpu.memory_space<hbm>> -> memref<400xi32, #tpu.memory_space<hbm>>
      tpu.enqueue_dma source(%dma_start3A_134 : memref<400xi32, #tpu.memory_space<hbm>>) target(%arg9 : memref<400xi32, #tpu.memory_space<vmem>>) target_semaphore(%run_scoped3A : memref<!tpu.dma_semaphore, #tpu.memory_space<semaphore_mem>>)
      %dma_wait3A_135 = tpu.memref_slice %arg3[%add3A_102] : memref<320000xi32, #tpu.memory_space<hbm>> -> memref<400xi32, #tpu.memory_space<hbm>>
      %dma_wait3A_136 = tpu.memref_slice %arg3[%add3A_102] : memref<320000xi32, #tpu.memory_space<hbm>> -> memref<400xi32, #tpu.memory_space<hbm>>
      tpu.wait_dma2 semaphore(%run_scoped3A : memref<!tpu.dma_semaphore, #tpu.memory_space<semaphore_mem>>) src(%dma_wait3A_136 : memref<400xi32, #tpu.memory_space<hbm>>) dst(%arg9 : memref<400xi32, #tpu.memory_space<vmem>>)
      tpu.yield
    }) : () -> ()
    "tpu.region"() ({
      %run_scoped3A = tpu.sem_alloc : memref<!tpu.dma_semaphore, #tpu.memory_space<semaphore_mem>>
      %dma_start3A_133 = tpu.memref_slice %arg4[%add3A_102] : memref<320000xi32, #tpu.memory_space<hbm>> -> memref<400xi32, #tpu.memory_space<hbm>>
      %dma_start3A_134 = tpu.memref_slice %arg4[%add3A_102] : memref<320000xi32, #tpu.memory_space<hbm>> -> memref<400xi32, #tpu.memory_space<hbm>>
      tpu.enqueue_dma source(%dma_start3A_134 : memref<400xi32, #tpu.memory_space<hbm>>) target(%arg12 : memref<400xi32, #tpu.memory_space<vmem>>) target_semaphore(%run_scoped3A : memref<!tpu.dma_semaphore, #tpu.memory_space<semaphore_mem>>)
      %dma_wait3A_135 = tpu.memref_slice %arg4[%add3A_102] : memref<320000xi32, #tpu.memory_space<hbm>> -> memref<400xi32, #tpu.memory_space<hbm>>
      %dma_wait3A_136 = tpu.memref_slice %arg4[%add3A_102] : memref<320000xi32, #tpu.memory_space<hbm>> -> memref<400xi32, #tpu.memory_space<hbm>>
      tpu.wait_dma2 semaphore(%run_scoped3A : memref<!tpu.dma_semaphore, #tpu.memory_space<semaphore_mem>>) src(%dma_wait3A_136 : memref<400xi32, #tpu.memory_space<hbm>>) dst(%arg12 : memref<400xi32, #tpu.memory_space<vmem>>)
      tpu.yield
    }) : () -> ()
    %dma_start3A_103 = arith.constant 1 : i32
    %dma_start3A_104 = arith.constant 0 : i32
    %dma_start3A_105 = arith.constant 0 : i32
    %dma_start3A_106 = tpu.memref_slice %arg2[%dma_start3A_103, %dma_start3A_104, %dma_start3A_105] : memref<2x10000x64xf32, #tpu.memory_space<hbm>> -> memref<1x10000x64xf32, #tpu.memory_space<hbm>>
    %dma_start3A_107 = tpu.memref_squeeze %dma_start3A_106 : memref<1x10000x64xf32, #tpu.memory_space<hbm>> -> memref<10000x64xf32, #tpu.memory_space<hbm>>
    %dma_start3A_108 = arith.constant 0 : i32
    %dma_start3A_109 = arith.constant 0 : i32
    %dma_start3A_110 = tpu.memref_slice %dma_start3A_107[%dma_start3A_108, %dma_start3A_109] : memref<10000x64xf32, #tpu.memory_space<hbm>> -> memref<10000x64xf32, #tpu.memory_space<hbm>>
    tpu.enqueue_indirect_dma source(%dma_start3A_110 : memref<10000x64xf32, #tpu.memory_space<hbm>>) target(%arg15 : memref<400x64xf32, #tpu.memory_space<vmem>>) offsets(%arg9 : memref<400xi32, #tpu.memory_space<vmem>>) semaphore(%arg18 : memref<!tpu.dma_semaphore, #tpu.memory_space<semaphore_mem>>)
    %scan3A_111 = arith.constant 0 : i32
    %scan3A_112 = arith.constant 1 : i32
    %scan3A_113 = arith.constant 0 : i32
    %scan3A_114 = arith.constant 9 : i32
    %scan3A_115 = arith.addi %scan3A_113, %scan3A_114 : i32
    %scan3A_116 = arith.constant 1 : i32
    scf.for %scan3A_133 = %scan3A_113 to %scan3A_115 step %scan3A_116  : i32 {
      %mul3A_134 = arith.constant 3 : i32
      %mul3A_135 = arith.muli %scan3A_133, %mul3A_134 : i32
      %add3A_136 = arith.constant 0 : i32
      %add3A_137 = arith.addi %mul3A_135, %add3A_136 : i32
      %lt3A = arith.constant 25 : i32
      %lt3A_138 = arith.cmpi slt, %add3A_137, %lt3A : i32
      %convert_element_type3A_139 = arith.extui %lt3A_138 : i1 to i32
      %cond3A_140 = arith.constant 0 : i32
      %cond3A_141 = arith.cmpi ne, %convert_element_type3A_139, %cond3A_140 : i32
      scf.if %cond3A_141 {
        %dma_wait3A_156 = arith.constant 0 : i32
        %dma_wait3A_157 = arith.constant 0 : i32
        %dma_wait3A_158 = tpu.memref_slice %arg2[%scan3A_112, %dma_wait3A_156, %dma_wait3A_157] : memref<2x10000x64xf32, #tpu.memory_space<hbm>> -> memref<1x10000x64xf32, #tpu.memory_space<hbm>>
        %dma_wait3A_159 = tpu.memref_squeeze %dma_wait3A_158 : memref<1x10000x64xf32, #tpu.memory_space<hbm>> -> memref<10000x64xf32, #tpu.memory_space<hbm>>
        %dma_wait3A_160 = arith.constant 0 : i32
        %dma_wait3A_161 = arith.constant 0 : i32
        %dma_wait3A_162 = tpu.memref_slice %dma_wait3A_159[%dma_wait3A_160, %dma_wait3A_161] : memref<10000x64xf32, #tpu.memory_space<hbm>> -> memref<10000x64xf32, #tpu.memory_space<hbm>>
        tpu.wait_indirect_dma semaphore(%arg16 : memref<!tpu.dma_semaphore, #tpu.memory_space<semaphore_mem>>) src(%dma_wait3A_162 : memref<10000x64xf32, #tpu.memory_space<hbm>>) dst(%arg13 : memref<400x64xf32, #tpu.memory_space<vmem>>)
        %dma_start3A_163 = arith.constant 0 : i32
        %dma_start3A_164 = arith.constant 0 : i32
        %dma_start3A_165 = tpu.memref_slice %arg22[%dma_start3A_163, %dma_start3A_164] : memref<10000x64xf32, #tpu.memory_space<vmem_shared>> -> memref<10000x64xf32, #tpu.memory_space<vmem_shared>>
        tpu.enqueue_indirect_dma source(%arg13 : memref<400x64xf32, #tpu.memory_space<vmem>>) target(%dma_start3A_165 : memref<10000x64xf32, #tpu.memory_space<vmem_shared>>) offsets(%arg10 : memref<400xi32, #tpu.memory_space<vmem>>) semaphore(%arg19 : memref<!tpu.dma_semaphore, #tpu.memory_space<semaphore_mem>>) {add = true}
        %add3A_166 = arith.constant 2 : i32
        %add3A_167 = arith.addi %add3A_137, %add3A_166 : i32
        %ge3A = arith.constant 3 : i32
        %ge3A_168 = arith.cmpi sge, %add3A_167, %ge3A : i32
        %add3A_169 = arith.constant 2 : i32
        %add3A_170 = arith.addi %add3A_137, %add3A_169 : i32
        %lt3A_171 = arith.constant 25 : i32
        %lt3A_172 = arith.cmpi slt, %add3A_170, %lt3A_171 : i32
        %and3A = arith.andi %ge3A_168, %lt3A_172 : i1
        %convert_element_type3A_173 = arith.extui %and3A : i1 to i32
        %cond3A_174 = arith.constant 0 : i32
        %cond3A_175 = arith.cmpi ne, %convert_element_type3A_173, %cond3A_174 : i32
        scf.if %cond3A_175 {
          %dma_wait3A_176 = arith.constant 0 : i32
          %dma_wait3A_177 = arith.constant 0 : i32
          %dma_wait3A_178 = tpu.memref_slice %arg22[%dma_wait3A_176, %dma_wait3A_177] : memref<10000x64xf32, #tpu.memory_space<vmem_shared>> -> memref<10000x64xf32, #tpu.memory_space<vmem_shared>>
          tpu.wait_indirect_dma semaphore(%arg21 : memref<!tpu.dma_semaphore, #tpu.memory_space<semaphore_mem>>) src(%arg15 : memref<400x64xf32, #tpu.memory_space<vmem>>) dst(%dma_wait3A_178 : memref<10000x64xf32, #tpu.memory_space<vmem_shared>>)
          %add3A_179 = arith.constant 2 : i32
          %add3A_180 = arith.addi %add3A_137, %add3A_179 : i32
          %mul3A_181 = arith.constant 10000 : i32
          %mul3A_182 = arith.muli %add3A, %mul3A_181 : i32
          %mul3A_183 = arith.constant 400 : i32
          %mul3A_184 = arith.muli %add3A_180, %mul3A_183 : i32
          %add3A_185 = arith.addi %mul3A_182, %mul3A_184 : i32
          "tpu.region"() ({
            %run_scoped3A = tpu.sem_alloc : memref<!tpu.dma_semaphore, #tpu.memory_space<semaphore_mem>>
            %dma_start3A_193 = tpu.memref_slice %arg3[%add3A_185] : memref<320000xi32, #tpu.memory_space<hbm>> -> memref<400xi32, #tpu.memory_space<hbm>>
            %dma_start3A_194 = tpu.memref_slice %arg3[%add3A_185] : memref<320000xi32, #tpu.memory_space<hbm>> -> memref<400xi32, #tpu.memory_space<hbm>>
            tpu.enqueue_dma source(%dma_start3A_194 : memref<400xi32, #tpu.memory_space<hbm>>) target(%arg9 : memref<400xi32, #tpu.memory_space<vmem>>) target_semaphore(%run_scoped3A : memref<!tpu.dma_semaphore, #tpu.memory_space<semaphore_mem>>)
            %dma_wait3A_195 = tpu.memref_slice %arg3[%add3A_185] : memref<320000xi32, #tpu.memory_space<hbm>> -> memref<400xi32, #tpu.memory_space<hbm>>
            %dma_wait3A_196 = tpu.memref_slice %arg3[%add3A_185] : memref<320000xi32, #tpu.memory_space<hbm>> -> memref<400xi32, #tpu.memory_space<hbm>>
            tpu.wait_dma2 semaphore(%run_scoped3A : memref<!tpu.dma_semaphore, #tpu.memory_space<semaphore_mem>>) src(%dma_wait3A_196 : memref<400xi32, #tpu.memory_space<hbm>>) dst(%arg9 : memref<400xi32, #tpu.memory_space<vmem>>)
            tpu.yield
          }) : () -> ()
          "tpu.region"() ({
            %run_scoped3A = tpu.sem_alloc : memref<!tpu.dma_semaphore, #tpu.memory_space<semaphore_mem>>
            %dma_start3A_193 = tpu.memref_slice %arg4[%add3A_185] : memref<320000xi32, #tpu.memory_space<hbm>> -> memref<400xi32, #tpu.memory_space<hbm>>
            %dma_start3A_194 = tpu.memref_slice %arg4[%add3A_185] : memref<320000xi32, #tpu.memory_space<hbm>> -> memref<400xi32, #tpu.memory_space<hbm>>
            tpu.enqueue_dma source(%dma_start3A_194 : memref<400xi32, #tpu.memory_space<hbm>>) target(%arg12 : memref<400xi32, #tpu.memory_space<vmem>>) target_semaphore(%run_scoped3A : memref<!tpu.dma_semaphore, #tpu.memory_space<semaphore_mem>>)
            %dma_wait3A_195 = tpu.memref_slice %arg4[%add3A_185] : memref<320000xi32, #tpu.memory_space<hbm>> -> memref<400xi32, #tpu.memory_space<hbm>>
            %dma_wait3A_196 = tpu.memref_slice %arg4[%add3A_185] : memref<320000xi32, #tpu.memory_space<hbm>> -> memref<400xi32, #tpu.memory_space<hbm>>
            tpu.wait_dma2 semaphore(%run_scoped3A : memref<!tpu.dma_semaphore, #tpu.memory_space<semaphore_mem>>) src(%dma_wait3A_196 : memref<400xi32, #tpu.memory_space<hbm>>) dst(%arg12 : memref<400xi32, #tpu.memory_space<vmem>>)
            tpu.yield
          }) : () -> ()
          %dma_start3A_186 = arith.constant 0 : i32
          %dma_start3A_187 = arith.constant 0 : i32
          %dma_start3A_188 = tpu.memref_slice %arg2[%scan3A_112, %dma_start3A_186, %dma_start3A_187] : memref<2x10000x64xf32, #tpu.memory_space<hbm>> -> memref<1x10000x64xf32, #tpu.memory_space<hbm>>
          %dma_start3A_189 = tpu.memref_squeeze %dma_start3A_188 : memref<1x10000x64xf32, #tpu.memory_space<hbm>> -> memref<10000x64xf32, #tpu.memory_space<hbm>>
          %dma_start3A_190 = arith.constant 0 : i32
          %dma_start3A_191 = arith.constant 0 : i32
          %dma_start3A_192 = tpu.memref_slice %dma_start3A_189[%dma_start3A_190, %dma_start3A_191] : memref<10000x64xf32, #tpu.memory_space<hbm>> -> memref<10000x64xf32, #tpu.memory_space<hbm>>
          tpu.enqueue_indirect_dma source(%dma_start3A_192 : memref<10000x64xf32, #tpu.memory_space<hbm>>) target(%arg15 : memref<400x64xf32, #tpu.memory_space<vmem>>) offsets(%arg9 : memref<400xi32, #tpu.memory_space<vmem>>) semaphore(%arg18 : memref<!tpu.dma_semaphore, #tpu.memory_space<semaphore_mem>>)
        } else {
        }
      } else {
      }
      %add3A_142 = arith.constant 1 : i32
      %add3A_143 = arith.addi %mul3A_135, %add3A_142 : i32
      %lt3A_144 = arith.constant 25 : i32
      %lt3A_145 = arith.cmpi slt, %add3A_143, %lt3A_144 : i32
      %convert_element_type3A_146 = arith.extui %lt3A_145 : i1 to i32
      %cond3A_147 = arith.constant 0 : i32
      %cond3A_148 = arith.cmpi ne, %convert_element_type3A_146, %cond3A_147 : i32
      scf.if %cond3A_148 {
        %dma_wait3A_156 = arith.constant 0 : i32
        %dma_wait3A_157 = arith.constant 0 : i32
        %dma_wait3A_158 = tpu.memref_slice %arg2[%scan3A_112, %dma_wait3A_156, %dma_wait3A_157] : memref<2x10000x64xf32, #tpu.memory_space<hbm>> -> memref<1x10000x64xf32, #tpu.memory_space<hbm>>
        %dma_wait3A_159 = tpu.memref_squeeze %dma_wait3A_158 : memref<1x10000x64xf32, #tpu.memory_space<hbm>> -> memref<10000x64xf32, #tpu.memory_space<hbm>>
        %dma_wait3A_160 = arith.constant 0 : i32
        %dma_wait3A_161 = arith.constant 0 : i32
        %dma_wait3A_162 = tpu.memref_slice %dma_wait3A_159[%dma_wait3A_160, %dma_wait3A_161] : memref<10000x64xf32, #tpu.memory_space<hbm>> -> memref<10000x64xf32, #tpu.memory_space<hbm>>
        tpu.wait_indirect_dma semaphore(%arg17 : memref<!tpu.dma_semaphore, #tpu.memory_space<semaphore_mem>>) src(%dma_wait3A_162 : memref<10000x64xf32, #tpu.memory_space<hbm>>) dst(%arg14 : memref<400x64xf32, #tpu.memory_space<vmem>>)
        %dma_start3A_163 = arith.constant 0 : i32
        %dma_start3A_164 = arith.constant 0 : i32
        %dma_start3A_165 = tpu.memref_slice %arg22[%dma_start3A_163, %dma_start3A_164] : memref<10000x64xf32, #tpu.memory_space<vmem_shared>> -> memref<10000x64xf32, #tpu.memory_space<vmem_shared>>
        tpu.enqueue_indirect_dma source(%arg14 : memref<400x64xf32, #tpu.memory_space<vmem>>) target(%dma_start3A_165 : memref<10000x64xf32, #tpu.memory_space<vmem_shared>>) offsets(%arg11 : memref<400xi32, #tpu.memory_space<vmem>>) semaphore(%arg20 : memref<!tpu.dma_semaphore, #tpu.memory_space<semaphore_mem>>) {add = true}
        %add3A_166 = arith.constant 2 : i32
        %add3A_167 = arith.addi %add3A_143, %add3A_166 : i32
        %ge3A = arith.constant 3 : i32
        %ge3A_168 = arith.cmpi sge, %add3A_167, %ge3A : i32
        %add3A_169 = arith.constant 2 : i32
        %add3A_170 = arith.addi %add3A_143, %add3A_169 : i32
        %lt3A_171 = arith.constant 25 : i32
        %lt3A_172 = arith.cmpi slt, %add3A_170, %lt3A_171 : i32
        %and3A = arith.andi %ge3A_168, %lt3A_172 : i1
        %convert_element_type3A_173 = arith.extui %and3A : i1 to i32
        %cond3A_174 = arith.constant 0 : i32
        %cond3A_175 = arith.cmpi ne, %convert_element_type3A_173, %cond3A_174 : i32
        scf.if %cond3A_175 {
          %dma_wait3A_176 = arith.constant 0 : i32
          %dma_wait3A_177 = arith.constant 0 : i32
          %dma_wait3A_178 = tpu.memref_slice %arg22[%dma_wait3A_176, %dma_wait3A_177] : memref<10000x64xf32, #tpu.memory_space<vmem_shared>> -> memref<10000x64xf32, #tpu.memory_space<vmem_shared>>
          tpu.wait_indirect_dma semaphore(%arg19 : memref<!tpu.dma_semaphore, #tpu.memory_space<semaphore_mem>>) src(%arg13 : memref<400x64xf32, #tpu.memory_space<vmem>>) dst(%dma_wait3A_178 : memref<10000x64xf32, #tpu.memory_space<vmem_shared>>)
          %add3A_179 = arith.constant 2 : i32
          %add3A_180 = arith.addi %add3A_143, %add3A_179 : i32
          %mul3A_181 = arith.constant 10000 : i32
          %mul3A_182 = arith.muli %add3A, %mul3A_181 : i32
          %mul3A_183 = arith.constant 400 : i32
          %mul3A_184 = arith.muli %add3A_180, %mul3A_183 : i32
          %add3A_185 = arith.addi %mul3A_182, %mul3A_184 : i32
          "tpu.region"() ({
            %run_scoped3A = tpu.sem_alloc : memref<!tpu.dma_semaphore, #tpu.memory_space<semaphore_mem>>
            %dma_start3A_193 = tpu.memref_slice %arg3[%add3A_185] : memref<320000xi32, #tpu.memory_space<hbm>> -> memref<400xi32, #tpu.memory_space<hbm>>
            %dma_start3A_194 = tpu.memref_slice %arg3[%add3A_185] : memref<320000xi32, #tpu.memory_space<hbm>> -> memref<400xi32, #tpu.memory_space<hbm>>
            tpu.enqueue_dma source(%dma_start3A_194 : memref<400xi32, #tpu.memory_space<hbm>>) target(%arg7 : memref<400xi32, #tpu.memory_space<vmem>>) target_semaphore(%run_scoped3A : memref<!tpu.dma_semaphore, #tpu.memory_space<semaphore_mem>>)
            %dma_wait3A_195 = tpu.memref_slice %arg3[%add3A_185] : memref<320000xi32, #tpu.memory_space<hbm>> -> memref<400xi32, #tpu.memory_space<hbm>>
            %dma_wait3A_196 = tpu.memref_slice %arg3[%add3A_185] : memref<320000xi32, #tpu.memory_space<hbm>> -> memref<400xi32, #tpu.memory_space<hbm>>
            tpu.wait_dma2 semaphore(%run_scoped3A : memref<!tpu.dma_semaphore, #tpu.memory_space<semaphore_mem>>) src(%dma_wait3A_196 : memref<400xi32, #tpu.memory_space<hbm>>) dst(%arg7 : memref<400xi32, #tpu.memory_space<vmem>>)
            tpu.yield
          }) : () -> ()
          "tpu.region"() ({
            %run_scoped3A = tpu.sem_alloc : memref<!tpu.dma_semaphore, #tpu.memory_space<semaphore_mem>>
            %dma_start3A_193 = tpu.memref_slice %arg4[%add3A_185] : memref<320000xi32, #tpu.memory_space<hbm>> -> memref<400xi32, #tpu.memory_space<hbm>>
            %dma_start3A_194 = tpu.memref_slice %arg4[%add3A_185] : memref<320000xi32, #tpu.memory_space<hbm>> -> memref<400xi32, #tpu.memory_space<hbm>>
            tpu.enqueue_dma source(%dma_start3A_194 : memref<400xi32, #tpu.memory_space<hbm>>) target(%arg10 : memref<400xi32, #tpu.memory_space<vmem>>) target_semaphore(%run_scoped3A : memref<!tpu.dma_semaphore, #tpu.memory_space<semaphore_mem>>)
            %dma_wait3A_195 = tpu.memref_slice %arg4[%add3A_185] : memref<320000xi32, #tpu.memory_space<hbm>> -> memref<400xi32, #tpu.memory_space<hbm>>
            %dma_wait3A_196 = tpu.memref_slice %arg4[%add3A_185] : memref<320000xi32, #tpu.memory_space<hbm>> -> memref<400xi32, #tpu.memory_space<hbm>>
            tpu.wait_dma2 semaphore(%run_scoped3A : memref<!tpu.dma_semaphore, #tpu.memory_space<semaphore_mem>>) src(%dma_wait3A_196 : memref<400xi32, #tpu.memory_space<hbm>>) dst(%arg10 : memref<400xi32, #tpu.memory_space<vmem>>)
            tpu.yield
          }) : () -> ()
          %dma_start3A_186 = arith.constant 0 : i32
          %dma_start3A_187 = arith.constant 0 : i32
          %dma_start3A_188 = tpu.memref_slice %arg2[%scan3A_112, %dma_start3A_186, %dma_start3A_187] : memref<2x10000x64xf32, #tpu.memory_space<hbm>> -> memref<1x10000x64xf32, #tpu.memory_space<hbm>>
          %dma_start3A_189 = tpu.memref_squeeze %dma_start3A_188 : memref<1x10000x64xf32, #tpu.memory_space<hbm>> -> memref<10000x64xf32, #tpu.memory_space<hbm>>
          %dma_start3A_190 = arith.constant 0 : i32
          %dma_start3A_191 = arith.constant 0 : i32
          %dma_start3A_192 = tpu.memref_slice %dma_start3A_189[%dma_start3A_190, %dma_start3A_191] : memref<10000x64xf32, #tpu.memory_space<hbm>> -> memref<10000x64xf32, #tpu.memory_space<hbm>>
          tpu.enqueue_indirect_dma source(%dma_start3A_192 : memref<10000x64xf32, #tpu.memory_space<hbm>>) target(%arg13 : memref<400x64xf32, #tpu.memory_space<vmem>>) offsets(%arg7 : memref<400xi32, #tpu.memory_space<vmem>>) semaphore(%arg16 : memref<!tpu.dma_semaphore, #tpu.memory_space<semaphore_mem>>)
        } else {
        }
      } else {
      }
      %add3A_149 = arith.constant 2 : i32
      %add3A_150 = arith.addi %mul3A_135, %add3A_149 : i32
      %lt3A_151 = arith.constant 25 : i32
      %lt3A_152 = arith.cmpi slt, %add3A_150, %lt3A_151 : i32
      %convert_element_type3A_153 = arith.extui %lt3A_152 : i1 to i32
      %cond3A_154 = arith.constant 0 : i32
      %cond3A_155 = arith.cmpi ne, %convert_element_type3A_153, %cond3A_154 : i32
      scf.if %cond3A_155 {
        %dma_wait3A_156 = arith.constant 0 : i32
        %dma_wait3A_157 = arith.constant 0 : i32
        %dma_wait3A_158 = tpu.memref_slice %arg2[%scan3A_112, %dma_wait3A_156, %dma_wait3A_157] : memref<2x10000x64xf32, #tpu.memory_space<hbm>> -> memref<1x10000x64xf32, #tpu.memory_space<hbm>>
        %dma_wait3A_159 = tpu.memref_squeeze %dma_wait3A_158 : memref<1x10000x64xf32, #tpu.memory_space<hbm>> -> memref<10000x64xf32, #tpu.memory_space<hbm>>
        %dma_wait3A_160 = arith.constant 0 : i32
        %dma_wait3A_161 = arith.constant 0 : i32
        %dma_wait3A_162 = tpu.memref_slice %dma_wait3A_159[%dma_wait3A_160, %dma_wait3A_161] : memref<10000x64xf32, #tpu.memory_space<hbm>> -> memref<10000x64xf32, #tpu.memory_space<hbm>>
        tpu.wait_indirect_dma semaphore(%arg18 : memref<!tpu.dma_semaphore, #tpu.memory_space<semaphore_mem>>) src(%dma_wait3A_162 : memref<10000x64xf32, #tpu.memory_space<hbm>>) dst(%arg15 : memref<400x64xf32, #tpu.memory_space<vmem>>)
        %dma_start3A_163 = arith.constant 0 : i32
        %dma_start3A_164 = arith.constant 0 : i32
        %dma_start3A_165 = tpu.memref_slice %arg22[%dma_start3A_163, %dma_start3A_164] : memref<10000x64xf32, #tpu.memory_space<vmem_shared>> -> memref<10000x64xf32, #tpu.memory_space<vmem_shared>>
        tpu.enqueue_indirect_dma source(%arg15 : memref<400x64xf32, #tpu.memory_space<vmem>>) target(%dma_start3A_165 : memref<10000x64xf32, #tpu.memory_space<vmem_shared>>) offsets(%arg12 : memref<400xi32, #tpu.memory_space<vmem>>) semaphore(%arg21 : memref<!tpu.dma_semaphore, #tpu.memory_space<semaphore_mem>>) {add = true}
        %add3A_166 = arith.constant 2 : i32
        %add3A_167 = arith.addi %add3A_150, %add3A_166 : i32
        %ge3A = arith.constant 3 : i32
        %ge3A_168 = arith.cmpi sge, %add3A_167, %ge3A : i32
        %add3A_169 = arith.constant 2 : i32
        %add3A_170 = arith.addi %add3A_150, %add3A_169 : i32
        %lt3A_171 = arith.constant 25 : i32
        %lt3A_172 = arith.cmpi slt, %add3A_170, %lt3A_171 : i32
        %and3A = arith.andi %ge3A_168, %lt3A_172 : i1
        %convert_element_type3A_173 = arith.extui %and3A : i1 to i32
        %cond3A_174 = arith.constant 0 : i32
        %cond3A_175 = arith.cmpi ne, %convert_element_type3A_173, %cond3A_174 : i32
        scf.if %cond3A_175 {
          %dma_wait3A_176 = arith.constant 0 : i32
          %dma_wait3A_177 = arith.constant 0 : i32
          %dma_wait3A_178 = tpu.memref_slice %arg22[%dma_wait3A_176, %dma_wait3A_177] : memref<10000x64xf32, #tpu.memory_space<vmem_shared>> -> memref<10000x64xf32, #tpu.memory_space<vmem_shared>>
          tpu.wait_indirect_dma semaphore(%arg20 : memref<!tpu.dma_semaphore, #tpu.memory_space<semaphore_mem>>) src(%arg14 : memref<400x64xf32, #tpu.memory_space<vmem>>) dst(%dma_wait3A_178 : memref<10000x64xf32, #tpu.memory_space<vmem_shared>>)
          %add3A_179 = arith.constant 2 : i32
          %add3A_180 = arith.addi %add3A_150, %add3A_179 : i32
          %mul3A_181 = arith.constant 10000 : i32
          %mul3A_182 = arith.muli %add3A, %mul3A_181 : i32
          %mul3A_183 = arith.constant 400 : i32
          %mul3A_184 = arith.muli %add3A_180, %mul3A_183 : i32
          %add3A_185 = arith.addi %mul3A_182, %mul3A_184 : i32
          "tpu.region"() ({
            %run_scoped3A = tpu.sem_alloc : memref<!tpu.dma_semaphore, #tpu.memory_space<semaphore_mem>>
            %dma_start3A_193 = tpu.memref_slice %arg3[%add3A_185] : memref<320000xi32, #tpu.memory_space<hbm>> -> memref<400xi32, #tpu.memory_space<hbm>>
            %dma_start3A_194 = tpu.memref_slice %arg3[%add3A_185] : memref<320000xi32, #tpu.memory_space<hbm>> -> memref<400xi32, #tpu.memory_space<hbm>>
            tpu.enqueue_dma source(%dma_start3A_194 : memref<400xi32, #tpu.memory_space<hbm>>) target(%arg8 : memref<400xi32, #tpu.memory_space<vmem>>) target_semaphore(%run_scoped3A : memref<!tpu.dma_semaphore, #tpu.memory_space<semaphore_mem>>)
            %dma_wait3A_195 = tpu.memref_slice %arg3[%add3A_185] : memref<320000xi32, #tpu.memory_space<hbm>> -> memref<400xi32, #tpu.memory_space<hbm>>
            %dma_wait3A_196 = tpu.memref_slice %arg3[%add3A_185] : memref<320000xi32, #tpu.memory_space<hbm>> -> memref<400xi32, #tpu.memory_space<hbm>>
            tpu.wait_dma2 semaphore(%run_scoped3A : memref<!tpu.dma_semaphore, #tpu.memory_space<semaphore_mem>>) src(%dma_wait3A_196 : memref<400xi32, #tpu.memory_space<hbm>>) dst(%arg8 : memref<400xi32, #tpu.memory_space<vmem>>)
            tpu.yield
          }) : () -> ()
          "tpu.region"() ({
            %run_scoped3A = tpu.sem_alloc : memref<!tpu.dma_semaphore, #tpu.memory_space<semaphore_mem>>
            %dma_start3A_193 = tpu.memref_slice %arg4[%add3A_185] : memref<320000xi32, #tpu.memory_space<hbm>> -> memref<400xi32, #tpu.memory_space<hbm>>
            %dma_start3A_194 = tpu.memref_slice %arg4[%add3A_185] : memref<320000xi32, #tpu.memory_space<hbm>> -> memref<400xi32, #tpu.memory_space<hbm>>
            tpu.enqueue_dma source(%dma_start3A_194 : memref<400xi32, #tpu.memory_space<hbm>>) target(%arg11 : memref<400xi32, #tpu.memory_space<vmem>>) target_semaphore(%run_scoped3A : memref<!tpu.dma_semaphore, #tpu.memory_space<semaphore_mem>>)
            %dma_wait3A_195 = tpu.memref_slice %arg4[%add3A_185] : memref<320000xi32, #tpu.memory_space<hbm>> -> memref<400xi32, #tpu.memory_space<hbm>>
            %dma_wait3A_196 = tpu.memref_slice %arg4[%add3A_185] : memref<320000xi32, #tpu.memory_space<hbm>> -> memref<400xi32, #tpu.memory_space<hbm>>
            tpu.wait_dma2 semaphore(%run_scoped3A : memref<!tpu.dma_semaphore, #tpu.memory_space<semaphore_mem>>) src(%dma_wait3A_196 : memref<400xi32, #tpu.memory_space<hbm>>) dst(%arg11 : memref<400xi32, #tpu.memory_space<vmem>>)
            tpu.yield
          }) : () -> ()
          %dma_start3A_186 = arith.constant 0 : i32
          %dma_start3A_187 = arith.constant 0 : i32
          %dma_start3A_188 = tpu.memref_slice %arg2[%scan3A_112, %dma_start3A_186, %dma_start3A_187] : memref<2x10000x64xf32, #tpu.memory_space<hbm>> -> memref<1x10000x64xf32, #tpu.memory_space<hbm>>
          %dma_start3A_189 = tpu.memref_squeeze %dma_start3A_188 : memref<1x10000x64xf32, #tpu.memory_space<hbm>> -> memref<10000x64xf32, #tpu.memory_space<hbm>>
          %dma_start3A_190 = arith.constant 0 : i32
          %dma_start3A_191 = arith.constant 0 : i32
          %dma_start3A_192 = tpu.memref_slice %dma_start3A_189[%dma_start3A_190, %dma_start3A_191] : memref<10000x64xf32, #tpu.memory_space<hbm>> -> memref<10000x64xf32, #tpu.memory_space<hbm>>
          tpu.enqueue_indirect_dma source(%dma_start3A_192 : memref<10000x64xf32, #tpu.memory_space<hbm>>) target(%arg14 : memref<400x64xf32, #tpu.memory_space<vmem>>) offsets(%arg8 : memref<400xi32, #tpu.memory_space<vmem>>) semaphore(%arg17 : memref<!tpu.dma_semaphore, #tpu.memory_space<semaphore_mem>>)
        } else {
        }
      } else {
      }
    }
    %scan3A_117 = arith.constant 9 : i32
    %dma_wait3A_118 = arith.constant 0 : i32
    %dma_wait3A_119 = arith.constant 0 : i32
    %dma_wait3A_120 = tpu.memref_slice %arg22[%dma_wait3A_118, %dma_wait3A_119] : memref<10000x64xf32, #tpu.memory_space<vmem_shared>> -> memref<10000x64xf32, #tpu.memory_space<vmem_shared>>
    tpu.wait_indirect_dma semaphore(%arg19 : memref<!tpu.dma_semaphore, #tpu.memory_space<semaphore_mem>>) src(%arg13 : memref<400x64xf32, #tpu.memory_space<vmem>>) dst(%dma_wait3A_120 : memref<10000x64xf32, #tpu.memory_space<vmem_shared>>)
    %dma_wait3A_121 = arith.constant 0 : i32
    %dma_wait3A_122 = arith.constant 0 : i32
    %dma_wait3A_123 = tpu.memref_slice %arg22[%dma_wait3A_121, %dma_wait3A_122] : memref<10000x64xf32, #tpu.memory_space<vmem_shared>> -> memref<10000x64xf32, #tpu.memory_space<vmem_shared>>
    tpu.wait_indirect_dma semaphore(%arg20 : memref<!tpu.dma_semaphore, #tpu.memory_space<semaphore_mem>>) src(%arg14 : memref<400x64xf32, #tpu.memory_space<vmem>>) dst(%dma_wait3A_123 : memref<10000x64xf32, #tpu.memory_space<vmem_shared>>)
    %dma_wait3A_124 = arith.constant 0 : i32
    %dma_wait3A_125 = arith.constant 0 : i32
    %dma_wait3A_126 = tpu.memref_slice %arg22[%dma_wait3A_124, %dma_wait3A_125] : memref<10000x64xf32, #tpu.memory_space<vmem_shared>> -> memref<10000x64xf32, #tpu.memory_space<vmem_shared>>
    tpu.wait_indirect_dma semaphore(%arg21 : memref<!tpu.dma_semaphore, #tpu.memory_space<semaphore_mem>>) src(%arg15 : memref<400x64xf32, #tpu.memory_space<vmem>>) dst(%dma_wait3A_126 : memref<10000x64xf32, #tpu.memory_space<vmem_shared>>)
    %barrier3A_127 = arith.constant 0 : index
    tpu.barrier barrier_id(%barrier3A_127)
    %mul3A_128 = arith.constant 625 : i32
    %mul3A_129 = arith.muli %arg1, %mul3A_128 : i32
    %mul3A_130 = arith.constant 625 : i32
    %mul3A_131 = arith.muli %arg1, %mul3A_130 : i32
    "tpu.region"() ({
      %run_scoped3A = tpu.sem_alloc : memref<!tpu.dma_semaphore, #tpu.memory_space<semaphore_mem>>
      %dma_start3A_133 = arith.constant 64 : i32
      %dma_start3A_134 = tpu.memref_slice %arg6[%arg0, %mul3A_131, %dma_start3A_133] : memref<2x10000x128xf32, #tpu.memory_space<hbm>> -> memref<1x625x64xf32, #tpu.memory_space<hbm>>
      %dma_start3A_135 = tpu.memref_squeeze %dma_start3A_134 : memref<1x625x64xf32, #tpu.memory_space<hbm>> -> memref<625x64xf32, #tpu.memory_space<hbm>>
      %dma_start3A_136 = arith.constant 0 : i32
      %dma_start3A_137 = tpu.memref_slice %arg22[%mul3A_129, %dma_start3A_136] : memref<10000x64xf32, #tpu.memory_space<vmem_shared>> -> memref<625x64xf32, #tpu.memory_space<vmem_shared>>
      tpu.enqueue_dma source(%dma_start3A_137 : memref<625x64xf32, #tpu.memory_space<vmem_shared>>) target(%dma_start3A_135 : memref<625x64xf32, #tpu.memory_space<hbm>>) target_semaphore(%run_scoped3A : memref<!tpu.dma_semaphore, #tpu.memory_space<semaphore_mem>>)
      %dma_wait3A_138 = arith.constant 64 : i32
      %dma_wait3A_139 = tpu.memref_slice %arg6[%arg0, %mul3A_131, %dma_wait3A_138] : memref<2x10000x128xf32, #tpu.memory_space<hbm>> -> memref<1x625x64xf32, #tpu.memory_space<hbm>>
      %dma_wait3A_140 = tpu.memref_squeeze %dma_wait3A_139 : memref<1x625x64xf32, #tpu.memory_space<hbm>> -> memref<625x64xf32, #tpu.memory_space<hbm>>
      %dma_wait3A_141 = arith.constant 0 : i32
      %dma_wait3A_142 = tpu.memref_slice %arg22[%mul3A_129, %dma_wait3A_141] : memref<10000x64xf32, #tpu.memory_space<vmem_shared>> -> memref<625x64xf32, #tpu.memory_space<vmem_shared>>
      tpu.wait_dma2 semaphore(%run_scoped3A : memref<!tpu.dma_semaphore, #tpu.memory_space<semaphore_mem>>) src(%dma_wait3A_142 : memref<625x64xf32, #tpu.memory_space<vmem_shared>>) dst(%dma_wait3A_140 : memref<625x64xf32, #tpu.memory_space<hbm>>)
      tpu.yield
    }) : () -> ()
    %barrier3A_132 = arith.constant 0 : index
    tpu.barrier barrier_id(%barrier3A_132)
    return
  }
}

#map = affine_map<(d0, d1) -> (0, 0, 0)>
#map1 = affine_map<(d0, d1) -> (0)>
#map2 = affine_map<(d0, d1) -> (0, 0)>
module attributes {stable_mosaic.version = 14 : i64} {
  func.func @prop_k(%arg0: i32, %arg1: i32, %arg2: memref<1x10000x64xf32, #tpu.memory_space<hbm>>, %arg3: memref<320000xi32, #tpu.memory_space<hbm>>, %arg4: memref<320000xi32, #tpu.memory_space<hbm>>, %arg5: memref<625x64xf32, #tpu.memory_space<hbm>>, %arg6: memref<2x10000x64xf32, #tpu.memory_space<hbm>>, %arg7: memref<400xi32, #tpu.memory_space<vmem>>, %arg8: memref<400xi32, #tpu.memory_space<vmem>>, %arg9: memref<400xi32, #tpu.memory_space<vmem>>, %arg10: memref<400xi32, #tpu.memory_space<vmem>>, %arg11: memref<400xi32, #tpu.memory_space<vmem>>, %arg12: memref<400xi32, #tpu.memory_space<vmem>>, %arg13: memref<400x64xf32, #tpu.memory_space<vmem>>, %arg14: memref<400x64xf32, #tpu.memory_space<vmem>>, %arg15: memref<400x64xf32, #tpu.memory_space<vmem>>, %arg16: memref<!tpu.dma_semaphore, #tpu.memory_space<semaphore_mem>>, %arg17: memref<!tpu.dma_semaphore, #tpu.memory_space<semaphore_mem>>, %arg18: memref<!tpu.dma_semaphore, #tpu.memory_space<semaphore_mem>>, %arg19: memref<!tpu.dma_semaphore, #tpu.memory_space<semaphore_mem>>, %arg20: memref<!tpu.dma_semaphore, #tpu.memory_space<semaphore_mem>>, %arg21: memref<!tpu.dma_semaphore, #tpu.memory_space<semaphore_mem>>, %arg22: memref<10000x64xf32, #tpu.memory_space<vmem_shared>>) attributes {dimension_semantics = [#tpu.dimension_semantics<core_parallel>, #tpu.dimension_semantics<subcore_parallel>], iteration_bounds = array<i64: 2, 16>, scalar_prefetch = 0 : i64, scratch_operands = 16 : i64, tpu.core_type = #tpu.core_type<sc_vector_subcore>, window_params = [{transform_indices = #map}, {transform_indices = #map1}, {transform_indices = #map1}, {transform_indices = #map2}, {transform_indices = #map}]} {
    %mul3A = arith.constant 16 : i32
    %mul3A_0 = arith.muli %arg0, %mul3A : i32
    %add3A = arith.addi %mul3A_0, %arg1 : i32
    %eq3A = arith.constant 0 : i32
    %eq3A_1 = arith.cmpi eq, %arg0, %eq3A : i32
    %convert_element_type3A = arith.extui %eq3A_1 : i1 to i32
    %cond3A = arith.constant 0 : i32
    %cond3A_2 = arith.constant 0 : i32
    %cond3A_3 = arith.cmpi ne, %convert_element_type3A, %cond3A_2 : i32
    scf.if %cond3A_3 {
      %mul3A_63 = arith.constant 625 : i32
      %mul3A_64 = arith.muli %arg1, %mul3A_63 : i32
      %mul3A_65 = arith.constant 625 : i32
      %mul3A_66 = arith.muli %arg1, %mul3A_65 : i32
      "tpu.region"() ({
        %run_scoped3A = tpu.sem_alloc : memref<!tpu.dma_semaphore, #tpu.memory_space<semaphore_mem>>
        %dma_start3A_67 = arith.constant 0 : i32
        %dma_start3A_68 = tpu.memref_slice %arg22[%mul3A_66, %dma_start3A_67] : memref<10000x64xf32, #tpu.memory_space<vmem_shared>> -> memref<625x64xf32, #tpu.memory_space<vmem_shared>>
        %dma_start3A_69 = arith.constant 0 : i32
        %dma_start3A_70 = arith.constant 0 : i32
        %dma_start3A_71 = tpu.memref_slice %arg2[%cond3A, %dma_start3A_69, %dma_start3A_70] : memref<1x10000x64xf32, #tpu.memory_space<hbm>> -> memref<1x10000x64xf32, #tpu.memory_space<hbm>>
        %dma_start3A_72 = tpu.memref_squeeze %dma_start3A_71 : memref<1x10000x64xf32, #tpu.memory_space<hbm>> -> memref<10000x64xf32, #tpu.memory_space<hbm>>
        %dma_start3A_73 = arith.constant 0 : i32
        %dma_start3A_74 = tpu.memref_slice %dma_start3A_72[%mul3A_64, %dma_start3A_73] : memref<10000x64xf32, #tpu.memory_space<hbm>> -> memref<625x64xf32, #tpu.memory_space<hbm>>
        tpu.enqueue_dma source(%dma_start3A_74 : memref<625x64xf32, #tpu.memory_space<hbm>>) target(%dma_start3A_68 : memref<625x64xf32, #tpu.memory_space<vmem_shared>>) target_semaphore(%run_scoped3A : memref<!tpu.dma_semaphore, #tpu.memory_space<semaphore_mem>>)
        %dma_wait3A_75 = arith.constant 0 : i32
        %dma_wait3A_76 = tpu.memref_slice %arg22[%mul3A_66, %dma_wait3A_75] : memref<10000x64xf32, #tpu.memory_space<vmem_shared>> -> memref<625x64xf32, #tpu.memory_space<vmem_shared>>
        %dma_wait3A_77 = arith.constant 0 : i32
        %dma_wait3A_78 = arith.constant 0 : i32
        %dma_wait3A_79 = tpu.memref_slice %arg2[%cond3A, %dma_wait3A_77, %dma_wait3A_78] : memref<1x10000x64xf32, #tpu.memory_space<hbm>> -> memref<1x10000x64xf32, #tpu.memory_space<hbm>>
        %dma_wait3A_80 = tpu.memref_squeeze %dma_wait3A_79 : memref<1x10000x64xf32, #tpu.memory_space<hbm>> -> memref<10000x64xf32, #tpu.memory_space<hbm>>
        %dma_wait3A_81 = arith.constant 0 : i32
        %dma_wait3A_82 = tpu.memref_slice %dma_wait3A_80[%mul3A_64, %dma_wait3A_81] : memref<10000x64xf32, #tpu.memory_space<hbm>> -> memref<625x64xf32, #tpu.memory_space<hbm>>
        tpu.wait_dma2 semaphore(%run_scoped3A : memref<!tpu.dma_semaphore, #tpu.memory_space<semaphore_mem>>) src(%dma_wait3A_82 : memref<625x64xf32, #tpu.memory_space<hbm>>) dst(%dma_wait3A_76 : memref<625x64xf32, #tpu.memory_space<vmem_shared>>)
        tpu.yield
      }) : () -> ()
    } else {
    }
    %ne3A = arith.constant 0 : i32
    %ne3A_4 = arith.cmpi ne, %arg0, %ne3A : i32
    %convert_element_type3A_5 = arith.extui %ne3A_4 : i1 to i32
    %cond3A_6 = arith.constant 0 : i32
    %cond3A_7 = arith.cmpi ne, %convert_element_type3A_5, %cond3A_6 : i32
    scf.if %cond3A_7 {
      %mul3A_63 = arith.constant 625 : i32
      %mul3A_64 = arith.muli %arg1, %mul3A_63 : i32
      "tpu.region"() ({
        %run_scoped3A = tpu.sem_alloc : memref<!tpu.dma_semaphore, #tpu.memory_space<semaphore_mem>>
        %dma_start3A_65 = arith.constant 0 : i32
        %dma_start3A_66 = tpu.memref_slice %arg22[%mul3A_64, %dma_start3A_65] : memref<10000x64xf32, #tpu.memory_space<vmem_shared>> -> memref<625x64xf32, #tpu.memory_space<vmem_shared>>
        tpu.enqueue_dma source(%arg5 : memref<625x64xf32, #tpu.memory_space<hbm>>) target(%dma_start3A_66 : memref<625x64xf32, #tpu.memory_space<vmem_shared>>) target_semaphore(%run_scoped3A : memref<!tpu.dma_semaphore, #tpu.memory_space<semaphore_mem>>)
        %dma_wait3A_67 = arith.constant 0 : i32
        %dma_wait3A_68 = tpu.memref_slice %arg22[%mul3A_64, %dma_wait3A_67] : memref<10000x64xf32, #tpu.memory_space<vmem_shared>> -> memref<625x64xf32, #tpu.memory_space<vmem_shared>>
        tpu.wait_dma2 semaphore(%run_scoped3A : memref<!tpu.dma_semaphore, #tpu.memory_space<semaphore_mem>>) src(%arg5 : memref<625x64xf32, #tpu.memory_space<hbm>>) dst(%dma_wait3A_68 : memref<625x64xf32, #tpu.memory_space<vmem_shared>>)
        tpu.yield
      }) : () -> ()
    } else {
    }
    %barrier3A = arith.constant 0 : index
    tpu.barrier barrier_id(%barrier3A)
    %mul3A_8 = arith.constant 10000 : i32
    %mul3A_9 = arith.muli %add3A, %mul3A_8 : i32
    %add3A_10 = arith.constant 0 : i32
    %add3A_11 = arith.addi %mul3A_9, %add3A_10 : i32
    "tpu.region"() ({
      %run_scoped3A = tpu.sem_alloc : memref<!tpu.dma_semaphore, #tpu.memory_space<semaphore_mem>>
      %dma_start3A_63 = tpu.memref_slice %arg3[%add3A_11] : memref<320000xi32, #tpu.memory_space<hbm>> -> memref<400xi32, #tpu.memory_space<hbm>>
      %dma_start3A_64 = tpu.memref_slice %arg3[%add3A_11] : memref<320000xi32, #tpu.memory_space<hbm>> -> memref<400xi32, #tpu.memory_space<hbm>>
      tpu.enqueue_dma source(%dma_start3A_64 : memref<400xi32, #tpu.memory_space<hbm>>) target(%arg7 : memref<400xi32, #tpu.memory_space<vmem>>) target_semaphore(%run_scoped3A : memref<!tpu.dma_semaphore, #tpu.memory_space<semaphore_mem>>)
      %dma_wait3A_65 = tpu.memref_slice %arg3[%add3A_11] : memref<320000xi32, #tpu.memory_space<hbm>> -> memref<400xi32, #tpu.memory_space<hbm>>
      %dma_wait3A_66 = tpu.memref_slice %arg3[%add3A_11] : memref<320000xi32, #tpu.memory_space<hbm>> -> memref<400xi32, #tpu.memory_space<hbm>>
      tpu.wait_dma2 semaphore(%run_scoped3A : memref<!tpu.dma_semaphore, #tpu.memory_space<semaphore_mem>>) src(%dma_wait3A_66 : memref<400xi32, #tpu.memory_space<hbm>>) dst(%arg7 : memref<400xi32, #tpu.memory_space<vmem>>)
      tpu.yield
    }) : () -> ()
    "tpu.region"() ({
      %run_scoped3A = tpu.sem_alloc : memref<!tpu.dma_semaphore, #tpu.memory_space<semaphore_mem>>
      %dma_start3A_63 = tpu.memref_slice %arg4[%add3A_11] : memref<320000xi32, #tpu.memory_space<hbm>> -> memref<400xi32, #tpu.memory_space<hbm>>
      %dma_start3A_64 = tpu.memref_slice %arg4[%add3A_11] : memref<320000xi32, #tpu.memory_space<hbm>> -> memref<400xi32, #tpu.memory_space<hbm>>
      tpu.enqueue_dma source(%dma_start3A_64 : memref<400xi32, #tpu.memory_space<hbm>>) target(%arg10 : memref<400xi32, #tpu.memory_space<vmem>>) target_semaphore(%run_scoped3A : memref<!tpu.dma_semaphore, #tpu.memory_space<semaphore_mem>>)
      %dma_wait3A_65 = tpu.memref_slice %arg4[%add3A_11] : memref<320000xi32, #tpu.memory_space<hbm>> -> memref<400xi32, #tpu.memory_space<hbm>>
      %dma_wait3A_66 = tpu.memref_slice %arg4[%add3A_11] : memref<320000xi32, #tpu.memory_space<hbm>> -> memref<400xi32, #tpu.memory_space<hbm>>
      tpu.wait_dma2 semaphore(%run_scoped3A : memref<!tpu.dma_semaphore, #tpu.memory_space<semaphore_mem>>) src(%dma_wait3A_66 : memref<400xi32, #tpu.memory_space<hbm>>) dst(%arg10 : memref<400xi32, #tpu.memory_space<vmem>>)
      tpu.yield
    }) : () -> ()
    %dma_start3A = arith.constant 0 : i32
    %dma_start3A_12 = arith.constant 0 : i32
    %dma_start3A_13 = arith.constant 0 : i32
    %dma_start3A_14 = tpu.memref_slice %arg2[%dma_start3A, %dma_start3A_12, %dma_start3A_13] : memref<1x10000x64xf32, #tpu.memory_space<hbm>> -> memref<1x10000x64xf32, #tpu.memory_space<hbm>>
    %dma_start3A_15 = tpu.memref_squeeze %dma_start3A_14 : memref<1x10000x64xf32, #tpu.memory_space<hbm>> -> memref<10000x64xf32, #tpu.memory_space<hbm>>
    %dma_start3A_16 = arith.constant 0 : i32
    %dma_start3A_17 = arith.constant 0 : i32
    %dma_start3A_18 = tpu.memref_slice %dma_start3A_15[%dma_start3A_16, %dma_start3A_17] : memref<10000x64xf32, #tpu.memory_space<hbm>> -> memref<10000x64xf32, #tpu.memory_space<hbm>>
    tpu.enqueue_indirect_dma source(%dma_start3A_18 : memref<10000x64xf32, #tpu.memory_space<hbm>>) target(%arg13 : memref<400x64xf32, #tpu.memory_space<vmem>>) offsets(%arg7 : memref<400xi32, #tpu.memory_space<vmem>>) semaphore(%arg16 : memref<!tpu.dma_semaphore, #tpu.memory_space<semaphore_mem>>)
    %mul3A_19 = arith.constant 10000 : i32
    %mul3A_20 = arith.muli %add3A, %mul3A_19 : i32
    %add3A_21 = arith.constant 400 : i32
    %add3A_22 = arith.addi %mul3A_20, %add3A_21 : i32
    "tpu.region"() ({
      %run_scoped3A = tpu.sem_alloc : memref<!tpu.dma_semaphore, #tpu.memory_space<semaphore_mem>>
      %dma_start3A_63 = tpu.memref_slice %arg3[%add3A_22] : memref<320000xi32, #tpu.memory_space<hbm>> -> memref<400xi32, #tpu.memory_space<hbm>>
      %dma_start3A_64 = tpu.memref_slice %arg3[%add3A_22] : memref<320000xi32, #tpu.memory_space<hbm>> -> memref<400xi32, #tpu.memory_space<hbm>>
      tpu.enqueue_dma source(%dma_start3A_64 : memref<400xi32, #tpu.memory_space<hbm>>) target(%arg8 : memref<400xi32, #tpu.memory_space<vmem>>) target_semaphore(%run_scoped3A : memref<!tpu.dma_semaphore, #tpu.memory_space<semaphore_mem>>)
      %dma_wait3A_65 = tpu.memref_slice %arg3[%add3A_22] : memref<320000xi32, #tpu.memory_space<hbm>> -> memref<400xi32, #tpu.memory_space<hbm>>
      %dma_wait3A_66 = tpu.memref_slice %arg3[%add3A_22] : memref<320000xi32, #tpu.memory_space<hbm>> -> memref<400xi32, #tpu.memory_space<hbm>>
      tpu.wait_dma2 semaphore(%run_scoped3A : memref<!tpu.dma_semaphore, #tpu.memory_space<semaphore_mem>>) src(%dma_wait3A_66 : memref<400xi32, #tpu.memory_space<hbm>>) dst(%arg8 : memref<400xi32, #tpu.memory_space<vmem>>)
      tpu.yield
    }) : () -> ()
    "tpu.region"() ({
      %run_scoped3A = tpu.sem_alloc : memref<!tpu.dma_semaphore, #tpu.memory_space<semaphore_mem>>
      %dma_start3A_63 = tpu.memref_slice %arg4[%add3A_22] : memref<320000xi32, #tpu.memory_space<hbm>> -> memref<400xi32, #tpu.memory_space<hbm>>
      %dma_start3A_64 = tpu.memref_slice %arg4[%add3A_22] : memref<320000xi32, #tpu.memory_space<hbm>> -> memref<400xi32, #tpu.memory_space<hbm>>
      tpu.enqueue_dma source(%dma_start3A_64 : memref<400xi32, #tpu.memory_space<hbm>>) target(%arg11 : memref<400xi32, #tpu.memory_space<vmem>>) target_semaphore(%run_scoped3A : memref<!tpu.dma_semaphore, #tpu.memory_space<semaphore_mem>>)
      %dma_wait3A_65 = tpu.memref_slice %arg4[%add3A_22] : memref<320000xi32, #tpu.memory_space<hbm>> -> memref<400xi32, #tpu.memory_space<hbm>>
      %dma_wait3A_66 = tpu.memref_slice %arg4[%add3A_22] : memref<320000xi32, #tpu.memory_space<hbm>> -> memref<400xi32, #tpu.memory_space<hbm>>
      tpu.wait_dma2 semaphore(%run_scoped3A : memref<!tpu.dma_semaphore, #tpu.memory_space<semaphore_mem>>) src(%dma_wait3A_66 : memref<400xi32, #tpu.memory_space<hbm>>) dst(%arg11 : memref<400xi32, #tpu.memory_space<vmem>>)
      tpu.yield
    }) : () -> ()
    %dma_start3A_23 = arith.constant 0 : i32
    %dma_start3A_24 = arith.constant 0 : i32
    %dma_start3A_25 = arith.constant 0 : i32
    %dma_start3A_26 = tpu.memref_slice %arg2[%dma_start3A_23, %dma_start3A_24, %dma_start3A_25] : memref<1x10000x64xf32, #tpu.memory_space<hbm>> -> memref<1x10000x64xf32, #tpu.memory_space<hbm>>
    %dma_start3A_27 = tpu.memref_squeeze %dma_start3A_26 : memref<1x10000x64xf32, #tpu.memory_space<hbm>> -> memref<10000x64xf32, #tpu.memory_space<hbm>>
    %dma_start3A_28 = arith.constant 0 : i32
    %dma_start3A_29 = arith.constant 0 : i32
    %dma_start3A_30 = tpu.memref_slice %dma_start3A_27[%dma_start3A_28, %dma_start3A_29] : memref<10000x64xf32, #tpu.memory_space<hbm>> -> memref<10000x64xf32, #tpu.memory_space<hbm>>
    tpu.enqueue_indirect_dma source(%dma_start3A_30 : memref<10000x64xf32, #tpu.memory_space<hbm>>) target(%arg14 : memref<400x64xf32, #tpu.memory_space<vmem>>) offsets(%arg8 : memref<400xi32, #tpu.memory_space<vmem>>) semaphore(%arg17 : memref<!tpu.dma_semaphore, #tpu.memory_space<semaphore_mem>>)
    %mul3A_31 = arith.constant 10000 : i32
    %mul3A_32 = arith.muli %add3A, %mul3A_31 : i32
    %add3A_33 = arith.constant 800 : i32
    %add3A_34 = arith.addi %mul3A_32, %add3A_33 : i32
    "tpu.region"() ({
      %run_scoped3A = tpu.sem_alloc : memref<!tpu.dma_semaphore, #tpu.memory_space<semaphore_mem>>
      %dma_start3A_63 = tpu.memref_slice %arg3[%add3A_34] : memref<320000xi32, #tpu.memory_space<hbm>> -> memref<400xi32, #tpu.memory_space<hbm>>
      %dma_start3A_64 = tpu.memref_slice %arg3[%add3A_34] : memref<320000xi32, #tpu.memory_space<hbm>> -> memref<400xi32, #tpu.memory_space<hbm>>
      tpu.enqueue_dma source(%dma_start3A_64 : memref<400xi32, #tpu.memory_space<hbm>>) target(%arg9 : memref<400xi32, #tpu.memory_space<vmem>>) target_semaphore(%run_scoped3A : memref<!tpu.dma_semaphore, #tpu.memory_space<semaphore_mem>>)
      %dma_wait3A_65 = tpu.memref_slice %arg3[%add3A_34] : memref<320000xi32, #tpu.memory_space<hbm>> -> memref<400xi32, #tpu.memory_space<hbm>>
      %dma_wait3A_66 = tpu.memref_slice %arg3[%add3A_34] : memref<320000xi32, #tpu.memory_space<hbm>> -> memref<400xi32, #tpu.memory_space<hbm>>
      tpu.wait_dma2 semaphore(%run_scoped3A : memref<!tpu.dma_semaphore, #tpu.memory_space<semaphore_mem>>) src(%dma_wait3A_66 : memref<400xi32, #tpu.memory_space<hbm>>) dst(%arg9 : memref<400xi32, #tpu.memory_space<vmem>>)
      tpu.yield
    }) : () -> ()
    "tpu.region"() ({
      %run_scoped3A = tpu.sem_alloc : memref<!tpu.dma_semaphore, #tpu.memory_space<semaphore_mem>>
      %dma_start3A_63 = tpu.memref_slice %arg4[%add3A_34] : memref<320000xi32, #tpu.memory_space<hbm>> -> memref<400xi32, #tpu.memory_space<hbm>>
      %dma_start3A_64 = tpu.memref_slice %arg4[%add3A_34] : memref<320000xi32, #tpu.memory_space<hbm>> -> memref<400xi32, #tpu.memory_space<hbm>>
      tpu.enqueue_dma source(%dma_start3A_64 : memref<400xi32, #tpu.memory_space<hbm>>) target(%arg12 : memref<400xi32, #tpu.memory_space<vmem>>) target_semaphore(%run_scoped3A : memref<!tpu.dma_semaphore, #tpu.memory_space<semaphore_mem>>)
      %dma_wait3A_65 = tpu.memref_slice %arg4[%add3A_34] : memref<320000xi32, #tpu.memory_space<hbm>> -> memref<400xi32, #tpu.memory_space<hbm>>
      %dma_wait3A_66 = tpu.memref_slice %arg4[%add3A_34] : memref<320000xi32, #tpu.memory_space<hbm>> -> memref<400xi32, #tpu.memory_space<hbm>>
      tpu.wait_dma2 semaphore(%run_scoped3A : memref<!tpu.dma_semaphore, #tpu.memory_space<semaphore_mem>>) src(%dma_wait3A_66 : memref<400xi32, #tpu.memory_space<hbm>>) dst(%arg12 : memref<400xi32, #tpu.memory_space<vmem>>)
      tpu.yield
    }) : () -> ()
    %dma_start3A_35 = arith.constant 0 : i32
    %dma_start3A_36 = arith.constant 0 : i32
    %dma_start3A_37 = arith.constant 0 : i32
    %dma_start3A_38 = tpu.memref_slice %arg2[%dma_start3A_35, %dma_start3A_36, %dma_start3A_37] : memref<1x10000x64xf32, #tpu.memory_space<hbm>> -> memref<1x10000x64xf32, #tpu.memory_space<hbm>>
    %dma_start3A_39 = tpu.memref_squeeze %dma_start3A_38 : memref<1x10000x64xf32, #tpu.memory_space<hbm>> -> memref<10000x64xf32, #tpu.memory_space<hbm>>
    %dma_start3A_40 = arith.constant 0 : i32
    %dma_start3A_41 = arith.constant 0 : i32
    %dma_start3A_42 = tpu.memref_slice %dma_start3A_39[%dma_start3A_40, %dma_start3A_41] : memref<10000x64xf32, #tpu.memory_space<hbm>> -> memref<10000x64xf32, #tpu.memory_space<hbm>>
    tpu.enqueue_indirect_dma source(%dma_start3A_42 : memref<10000x64xf32, #tpu.memory_space<hbm>>) target(%arg15 : memref<400x64xf32, #tpu.memory_space<vmem>>) offsets(%arg9 : memref<400xi32, #tpu.memory_space<vmem>>) semaphore(%arg18 : memref<!tpu.dma_semaphore, #tpu.memory_space<semaphore_mem>>)
    %scan3A = arith.constant 0 : i32
    %scan3A_43 = arith.constant 0 : i32
    %scan3A_44 = arith.constant 0 : i32
    %scan3A_45 = arith.constant 9 : i32
    %scan3A_46 = arith.addi %scan3A_44, %scan3A_45 : i32
    %scan3A_47 = arith.constant 1 : i32
    scf.for %scan3A_63 = %scan3A_44 to %scan3A_46 step %scan3A_47  : i32 {
      %mul3A_64 = arith.constant 3 : i32
      %mul3A_65 = arith.muli %scan3A_63, %mul3A_64 : i32
      %add3A_66 = arith.constant 0 : i32
      %add3A_67 = arith.addi %mul3A_65, %add3A_66 : i32
      %lt3A = arith.constant 25 : i32
      %lt3A_68 = arith.cmpi slt, %add3A_67, %lt3A : i32
      %convert_element_type3A_69 = arith.extui %lt3A_68 : i1 to i32
      %cond3A_70 = arith.constant 0 : i32
      %cond3A_71 = arith.cmpi ne, %convert_element_type3A_69, %cond3A_70 : i32
      scf.if %cond3A_71 {
        %dma_wait3A_86 = arith.constant 0 : i32
        %dma_wait3A_87 = arith.constant 0 : i32
        %dma_wait3A_88 = tpu.memref_slice %arg2[%scan3A_43, %dma_wait3A_86, %dma_wait3A_87] : memref<1x10000x64xf32, #tpu.memory_space<hbm>> -> memref<1x10000x64xf32, #tpu.memory_space<hbm>>
        %dma_wait3A_89 = tpu.memref_squeeze %dma_wait3A_88 : memref<1x10000x64xf32, #tpu.memory_space<hbm>> -> memref<10000x64xf32, #tpu.memory_space<hbm>>
        %dma_wait3A_90 = arith.constant 0 : i32
        %dma_wait3A_91 = arith.constant 0 : i32
        %dma_wait3A_92 = tpu.memref_slice %dma_wait3A_89[%dma_wait3A_90, %dma_wait3A_91] : memref<10000x64xf32, #tpu.memory_space<hbm>> -> memref<10000x64xf32, #tpu.memory_space<hbm>>
        tpu.wait_indirect_dma semaphore(%arg16 : memref<!tpu.dma_semaphore, #tpu.memory_space<semaphore_mem>>) src(%dma_wait3A_92 : memref<10000x64xf32, #tpu.memory_space<hbm>>) dst(%arg13 : memref<400x64xf32, #tpu.memory_space<vmem>>)
        %dma_start3A_93 = arith.constant 0 : i32
        %dma_start3A_94 = arith.constant 0 : i32
        %dma_start3A_95 = tpu.memref_slice %arg22[%dma_start3A_93, %dma_start3A_94] : memref<10000x64xf32, #tpu.memory_space<vmem_shared>> -> memref<10000x64xf32, #tpu.memory_space<vmem_shared>>
        tpu.enqueue_indirect_dma source(%arg13 : memref<400x64xf32, #tpu.memory_space<vmem>>) target(%dma_start3A_95 : memref<10000x64xf32, #tpu.memory_space<vmem_shared>>) offsets(%arg10 : memref<400xi32, #tpu.memory_space<vmem>>) semaphore(%arg19 : memref<!tpu.dma_semaphore, #tpu.memory_space<semaphore_mem>>) {add = true}
        %add3A_96 = arith.constant 2 : i32
        %add3A_97 = arith.addi %add3A_67, %add3A_96 : i32
        %ge3A = arith.constant 3 : i32
        %ge3A_98 = arith.cmpi sge, %add3A_97, %ge3A : i32
        %add3A_99 = arith.constant 2 : i32
        %add3A_100 = arith.addi %add3A_67, %add3A_99 : i32
        %lt3A_101 = arith.constant 25 : i32
        %lt3A_102 = arith.cmpi slt, %add3A_100, %lt3A_101 : i32
        %and3A = arith.andi %ge3A_98, %lt3A_102 : i1
        %convert_element_type3A_103 = arith.extui %and3A : i1 to i32
        %cond3A_104 = arith.constant 0 : i32
        %cond3A_105 = arith.cmpi ne, %convert_element_type3A_103, %cond3A_104 : i32
        scf.if %cond3A_105 {
          %dma_wait3A_106 = arith.constant 0 : i32
          %dma_wait3A_107 = arith.constant 0 : i32
          %dma_wait3A_108 = tpu.memref_slice %arg22[%dma_wait3A_106, %dma_wait3A_107] : memref<10000x64xf32, #tpu.memory_space<vmem_shared>> -> memref<10000x64xf32, #tpu.memory_space<vmem_shared>>
          tpu.wait_indirect_dma semaphore(%arg21 : memref<!tpu.dma_semaphore, #tpu.memory_space<semaphore_mem>>) src(%arg15 : memref<400x64xf32, #tpu.memory_space<vmem>>) dst(%dma_wait3A_108 : memref<10000x64xf32, #tpu.memory_space<vmem_shared>>)
          %add3A_109 = arith.constant 2 : i32
          %add3A_110 = arith.addi %add3A_67, %add3A_109 : i32
          %mul3A_111 = arith.constant 10000 : i32
          %mul3A_112 = arith.muli %add3A, %mul3A_111 : i32
          %mul3A_113 = arith.constant 400 : i32
          %mul3A_114 = arith.muli %add3A_110, %mul3A_113 : i32
          %add3A_115 = arith.addi %mul3A_112, %mul3A_114 : i32
          "tpu.region"() ({
            %run_scoped3A = tpu.sem_alloc : memref<!tpu.dma_semaphore, #tpu.memory_space<semaphore_mem>>
            %dma_start3A_123 = tpu.memref_slice %arg3[%add3A_115] : memref<320000xi32, #tpu.memory_space<hbm>> -> memref<400xi32, #tpu.memory_space<hbm>>
            %dma_start3A_124 = tpu.memref_slice %arg3[%add3A_115] : memref<320000xi32, #tpu.memory_space<hbm>> -> memref<400xi32, #tpu.memory_space<hbm>>
            tpu.enqueue_dma source(%dma_start3A_124 : memref<400xi32, #tpu.memory_space<hbm>>) target(%arg9 : memref<400xi32, #tpu.memory_space<vmem>>) target_semaphore(%run_scoped3A : memref<!tpu.dma_semaphore, #tpu.memory_space<semaphore_mem>>)
            %dma_wait3A_125 = tpu.memref_slice %arg3[%add3A_115] : memref<320000xi32, #tpu.memory_space<hbm>> -> memref<400xi32, #tpu.memory_space<hbm>>
            %dma_wait3A_126 = tpu.memref_slice %arg3[%add3A_115] : memref<320000xi32, #tpu.memory_space<hbm>> -> memref<400xi32, #tpu.memory_space<hbm>>
            tpu.wait_dma2 semaphore(%run_scoped3A : memref<!tpu.dma_semaphore, #tpu.memory_space<semaphore_mem>>) src(%dma_wait3A_126 : memref<400xi32, #tpu.memory_space<hbm>>) dst(%arg9 : memref<400xi32, #tpu.memory_space<vmem>>)
            tpu.yield
          }) : () -> ()
          "tpu.region"() ({
            %run_scoped3A = tpu.sem_alloc : memref<!tpu.dma_semaphore, #tpu.memory_space<semaphore_mem>>
            %dma_start3A_123 = tpu.memref_slice %arg4[%add3A_115] : memref<320000xi32, #tpu.memory_space<hbm>> -> memref<400xi32, #tpu.memory_space<hbm>>
            %dma_start3A_124 = tpu.memref_slice %arg4[%add3A_115] : memref<320000xi32, #tpu.memory_space<hbm>> -> memref<400xi32, #tpu.memory_space<hbm>>
            tpu.enqueue_dma source(%dma_start3A_124 : memref<400xi32, #tpu.memory_space<hbm>>) target(%arg12 : memref<400xi32, #tpu.memory_space<vmem>>) target_semaphore(%run_scoped3A : memref<!tpu.dma_semaphore, #tpu.memory_space<semaphore_mem>>)
            %dma_wait3A_125 = tpu.memref_slice %arg4[%add3A_115] : memref<320000xi32, #tpu.memory_space<hbm>> -> memref<400xi32, #tpu.memory_space<hbm>>
            %dma_wait3A_126 = tpu.memref_slice %arg4[%add3A_115] : memref<320000xi32, #tpu.memory_space<hbm>> -> memref<400xi32, #tpu.memory_space<hbm>>
            tpu.wait_dma2 semaphore(%run_scoped3A : memref<!tpu.dma_semaphore, #tpu.memory_space<semaphore_mem>>) src(%dma_wait3A_126 : memref<400xi32, #tpu.memory_space<hbm>>) dst(%arg12 : memref<400xi32, #tpu.memory_space<vmem>>)
            tpu.yield
          }) : () -> ()
          %dma_start3A_116 = arith.constant 0 : i32
          %dma_start3A_117 = arith.constant 0 : i32
          %dma_start3A_118 = tpu.memref_slice %arg2[%scan3A_43, %dma_start3A_116, %dma_start3A_117] : memref<1x10000x64xf32, #tpu.memory_space<hbm>> -> memref<1x10000x64xf32, #tpu.memory_space<hbm>>
          %dma_start3A_119 = tpu.memref_squeeze %dma_start3A_118 : memref<1x10000x64xf32, #tpu.memory_space<hbm>> -> memref<10000x64xf32, #tpu.memory_space<hbm>>
          %dma_start3A_120 = arith.constant 0 : i32
          %dma_start3A_121 = arith.constant 0 : i32
          %dma_start3A_122 = tpu.memref_slice %dma_start3A_119[%dma_start3A_120, %dma_start3A_121] : memref<10000x64xf32, #tpu.memory_space<hbm>> -> memref<10000x64xf32, #tpu.memory_space<hbm>>
          tpu.enqueue_indirect_dma source(%dma_start3A_122 : memref<10000x64xf32, #tpu.memory_space<hbm>>) target(%arg15 : memref<400x64xf32, #tpu.memory_space<vmem>>) offsets(%arg9 : memref<400xi32, #tpu.memory_space<vmem>>) semaphore(%arg18 : memref<!tpu.dma_semaphore, #tpu.memory_space<semaphore_mem>>)
        } else {
        }
      } else {
      }
      %add3A_72 = arith.constant 1 : i32
      %add3A_73 = arith.addi %mul3A_65, %add3A_72 : i32
      %lt3A_74 = arith.constant 25 : i32
      %lt3A_75 = arith.cmpi slt, %add3A_73, %lt3A_74 : i32
      %convert_element_type3A_76 = arith.extui %lt3A_75 : i1 to i32
      %cond3A_77 = arith.constant 0 : i32
      %cond3A_78 = arith.cmpi ne, %convert_element_type3A_76, %cond3A_77 : i32
      scf.if %cond3A_78 {
        %dma_wait3A_86 = arith.constant 0 : i32
        %dma_wait3A_87 = arith.constant 0 : i32
        %dma_wait3A_88 = tpu.memref_slice %arg2[%scan3A_43, %dma_wait3A_86, %dma_wait3A_87] : memref<1x10000x64xf32, #tpu.memory_space<hbm>> -> memref<1x10000x64xf32, #tpu.memory_space<hbm>>
        %dma_wait3A_89 = tpu.memref_squeeze %dma_wait3A_88 : memref<1x10000x64xf32, #tpu.memory_space<hbm>> -> memref<10000x64xf32, #tpu.memory_space<hbm>>
        %dma_wait3A_90 = arith.constant 0 : i32
        %dma_wait3A_91 = arith.constant 0 : i32
        %dma_wait3A_92 = tpu.memref_slice %dma_wait3A_89[%dma_wait3A_90, %dma_wait3A_91] : memref<10000x64xf32, #tpu.memory_space<hbm>> -> memref<10000x64xf32, #tpu.memory_space<hbm>>
        tpu.wait_indirect_dma semaphore(%arg17 : memref<!tpu.dma_semaphore, #tpu.memory_space<semaphore_mem>>) src(%dma_wait3A_92 : memref<10000x64xf32, #tpu.memory_space<hbm>>) dst(%arg14 : memref<400x64xf32, #tpu.memory_space<vmem>>)
        %dma_start3A_93 = arith.constant 0 : i32
        %dma_start3A_94 = arith.constant 0 : i32
        %dma_start3A_95 = tpu.memref_slice %arg22[%dma_start3A_93, %dma_start3A_94] : memref<10000x64xf32, #tpu.memory_space<vmem_shared>> -> memref<10000x64xf32, #tpu.memory_space<vmem_shared>>
        tpu.enqueue_indirect_dma source(%arg14 : memref<400x64xf32, #tpu.memory_space<vmem>>) target(%dma_start3A_95 : memref<10000x64xf32, #tpu.memory_space<vmem_shared>>) offsets(%arg11 : memref<400xi32, #tpu.memory_space<vmem>>) semaphore(%arg20 : memref<!tpu.dma_semaphore, #tpu.memory_space<semaphore_mem>>) {add = true}
        %add3A_96 = arith.constant 2 : i32
        %add3A_97 = arith.addi %add3A_73, %add3A_96 : i32
        %ge3A = arith.constant 3 : i32
        %ge3A_98 = arith.cmpi sge, %add3A_97, %ge3A : i32
        %add3A_99 = arith.constant 2 : i32
        %add3A_100 = arith.addi %add3A_73, %add3A_99 : i32
        %lt3A_101 = arith.constant 25 : i32
        %lt3A_102 = arith.cmpi slt, %add3A_100, %lt3A_101 : i32
        %and3A = arith.andi %ge3A_98, %lt3A_102 : i1
        %convert_element_type3A_103 = arith.extui %and3A : i1 to i32
        %cond3A_104 = arith.constant 0 : i32
        %cond3A_105 = arith.cmpi ne, %convert_element_type3A_103, %cond3A_104 : i32
        scf.if %cond3A_105 {
          %dma_wait3A_106 = arith.constant 0 : i32
          %dma_wait3A_107 = arith.constant 0 : i32
          %dma_wait3A_108 = tpu.memref_slice %arg22[%dma_wait3A_106, %dma_wait3A_107] : memref<10000x64xf32, #tpu.memory_space<vmem_shared>> -> memref<10000x64xf32, #tpu.memory_space<vmem_shared>>
          tpu.wait_indirect_dma semaphore(%arg19 : memref<!tpu.dma_semaphore, #tpu.memory_space<semaphore_mem>>) src(%arg13 : memref<400x64xf32, #tpu.memory_space<vmem>>) dst(%dma_wait3A_108 : memref<10000x64xf32, #tpu.memory_space<vmem_shared>>)
          %add3A_109 = arith.constant 2 : i32
          %add3A_110 = arith.addi %add3A_73, %add3A_109 : i32
          %mul3A_111 = arith.constant 10000 : i32
          %mul3A_112 = arith.muli %add3A, %mul3A_111 : i32
          %mul3A_113 = arith.constant 400 : i32
          %mul3A_114 = arith.muli %add3A_110, %mul3A_113 : i32
          %add3A_115 = arith.addi %mul3A_112, %mul3A_114 : i32
          "tpu.region"() ({
            %run_scoped3A = tpu.sem_alloc : memref<!tpu.dma_semaphore, #tpu.memory_space<semaphore_mem>>
            %dma_start3A_123 = tpu.memref_slice %arg3[%add3A_115] : memref<320000xi32, #tpu.memory_space<hbm>> -> memref<400xi32, #tpu.memory_space<hbm>>
            %dma_start3A_124 = tpu.memref_slice %arg3[%add3A_115] : memref<320000xi32, #tpu.memory_space<hbm>> -> memref<400xi32, #tpu.memory_space<hbm>>
            tpu.enqueue_dma source(%dma_start3A_124 : memref<400xi32, #tpu.memory_space<hbm>>) target(%arg7 : memref<400xi32, #tpu.memory_space<vmem>>) target_semaphore(%run_scoped3A : memref<!tpu.dma_semaphore, #tpu.memory_space<semaphore_mem>>)
            %dma_wait3A_125 = tpu.memref_slice %arg3[%add3A_115] : memref<320000xi32, #tpu.memory_space<hbm>> -> memref<400xi32, #tpu.memory_space<hbm>>
            %dma_wait3A_126 = tpu.memref_slice %arg3[%add3A_115] : memref<320000xi32, #tpu.memory_space<hbm>> -> memref<400xi32, #tpu.memory_space<hbm>>
            tpu.wait_dma2 semaphore(%run_scoped3A : memref<!tpu.dma_semaphore, #tpu.memory_space<semaphore_mem>>) src(%dma_wait3A_126 : memref<400xi32, #tpu.memory_space<hbm>>) dst(%arg7 : memref<400xi32, #tpu.memory_space<vmem>>)
            tpu.yield
          }) : () -> ()
          "tpu.region"() ({
            %run_scoped3A = tpu.sem_alloc : memref<!tpu.dma_semaphore, #tpu.memory_space<semaphore_mem>>
            %dma_start3A_123 = tpu.memref_slice %arg4[%add3A_115] : memref<320000xi32, #tpu.memory_space<hbm>> -> memref<400xi32, #tpu.memory_space<hbm>>
            %dma_start3A_124 = tpu.memref_slice %arg4[%add3A_115] : memref<320000xi32, #tpu.memory_space<hbm>> -> memref<400xi32, #tpu.memory_space<hbm>>
            tpu.enqueue_dma source(%dma_start3A_124 : memref<400xi32, #tpu.memory_space<hbm>>) target(%arg10 : memref<400xi32, #tpu.memory_space<vmem>>) target_semaphore(%run_scoped3A : memref<!tpu.dma_semaphore, #tpu.memory_space<semaphore_mem>>)
            %dma_wait3A_125 = tpu.memref_slice %arg4[%add3A_115] : memref<320000xi32, #tpu.memory_space<hbm>> -> memref<400xi32, #tpu.memory_space<hbm>>
            %dma_wait3A_126 = tpu.memref_slice %arg4[%add3A_115] : memref<320000xi32, #tpu.memory_space<hbm>> -> memref<400xi32, #tpu.memory_space<hbm>>
            tpu.wait_dma2 semaphore(%run_scoped3A : memref<!tpu.dma_semaphore, #tpu.memory_space<semaphore_mem>>) src(%dma_wait3A_126 : memref<400xi32, #tpu.memory_space<hbm>>) dst(%arg10 : memref<400xi32, #tpu.memory_space<vmem>>)
            tpu.yield
          }) : () -> ()
          %dma_start3A_116 = arith.constant 0 : i32
          %dma_start3A_117 = arith.constant 0 : i32
          %dma_start3A_118 = tpu.memref_slice %arg2[%scan3A_43, %dma_start3A_116, %dma_start3A_117] : memref<1x10000x64xf32, #tpu.memory_space<hbm>> -> memref<1x10000x64xf32, #tpu.memory_space<hbm>>
          %dma_start3A_119 = tpu.memref_squeeze %dma_start3A_118 : memref<1x10000x64xf32, #tpu.memory_space<hbm>> -> memref<10000x64xf32, #tpu.memory_space<hbm>>
          %dma_start3A_120 = arith.constant 0 : i32
          %dma_start3A_121 = arith.constant 0 : i32
          %dma_start3A_122 = tpu.memref_slice %dma_start3A_119[%dma_start3A_120, %dma_start3A_121] : memref<10000x64xf32, #tpu.memory_space<hbm>> -> memref<10000x64xf32, #tpu.memory_space<hbm>>
          tpu.enqueue_indirect_dma source(%dma_start3A_122 : memref<10000x64xf32, #tpu.memory_space<hbm>>) target(%arg13 : memref<400x64xf32, #tpu.memory_space<vmem>>) offsets(%arg7 : memref<400xi32, #tpu.memory_space<vmem>>) semaphore(%arg16 : memref<!tpu.dma_semaphore, #tpu.memory_space<semaphore_mem>>)
        } else {
        }
      } else {
      }
      %add3A_79 = arith.constant 2 : i32
      %add3A_80 = arith.addi %mul3A_65, %add3A_79 : i32
      %lt3A_81 = arith.constant 25 : i32
      %lt3A_82 = arith.cmpi slt, %add3A_80, %lt3A_81 : i32
      %convert_element_type3A_83 = arith.extui %lt3A_82 : i1 to i32
      %cond3A_84 = arith.constant 0 : i32
      %cond3A_85 = arith.cmpi ne, %convert_element_type3A_83, %cond3A_84 : i32
      scf.if %cond3A_85 {
        %dma_wait3A_86 = arith.constant 0 : i32
        %dma_wait3A_87 = arith.constant 0 : i32
        %dma_wait3A_88 = tpu.memref_slice %arg2[%scan3A_43, %dma_wait3A_86, %dma_wait3A_87] : memref<1x10000x64xf32, #tpu.memory_space<hbm>> -> memref<1x10000x64xf32, #tpu.memory_space<hbm>>
        %dma_wait3A_89 = tpu.memref_squeeze %dma_wait3A_88 : memref<1x10000x64xf32, #tpu.memory_space<hbm>> -> memref<10000x64xf32, #tpu.memory_space<hbm>>
        %dma_wait3A_90 = arith.constant 0 : i32
        %dma_wait3A_91 = arith.constant 0 : i32
        %dma_wait3A_92 = tpu.memref_slice %dma_wait3A_89[%dma_wait3A_90, %dma_wait3A_91] : memref<10000x64xf32, #tpu.memory_space<hbm>> -> memref<10000x64xf32, #tpu.memory_space<hbm>>
        tpu.wait_indirect_dma semaphore(%arg18 : memref<!tpu.dma_semaphore, #tpu.memory_space<semaphore_mem>>) src(%dma_wait3A_92 : memref<10000x64xf32, #tpu.memory_space<hbm>>) dst(%arg15 : memref<400x64xf32, #tpu.memory_space<vmem>>)
        %dma_start3A_93 = arith.constant 0 : i32
        %dma_start3A_94 = arith.constant 0 : i32
        %dma_start3A_95 = tpu.memref_slice %arg22[%dma_start3A_93, %dma_start3A_94] : memref<10000x64xf32, #tpu.memory_space<vmem_shared>> -> memref<10000x64xf32, #tpu.memory_space<vmem_shared>>
        tpu.enqueue_indirect_dma source(%arg15 : memref<400x64xf32, #tpu.memory_space<vmem>>) target(%dma_start3A_95 : memref<10000x64xf32, #tpu.memory_space<vmem_shared>>) offsets(%arg12 : memref<400xi32, #tpu.memory_space<vmem>>) semaphore(%arg21 : memref<!tpu.dma_semaphore, #tpu.memory_space<semaphore_mem>>) {add = true}
        %add3A_96 = arith.constant 2 : i32
        %add3A_97 = arith.addi %add3A_80, %add3A_96 : i32
        %ge3A = arith.constant 3 : i32
        %ge3A_98 = arith.cmpi sge, %add3A_97, %ge3A : i32
        %add3A_99 = arith.constant 2 : i32
        %add3A_100 = arith.addi %add3A_80, %add3A_99 : i32
        %lt3A_101 = arith.constant 25 : i32
        %lt3A_102 = arith.cmpi slt, %add3A_100, %lt3A_101 : i32
        %and3A = arith.andi %ge3A_98, %lt3A_102 : i1
        %convert_element_type3A_103 = arith.extui %and3A : i1 to i32
        %cond3A_104 = arith.constant 0 : i32
        %cond3A_105 = arith.cmpi ne, %convert_element_type3A_103, %cond3A_104 : i32
        scf.if %cond3A_105 {
          %dma_wait3A_106 = arith.constant 0 : i32
          %dma_wait3A_107 = arith.constant 0 : i32
          %dma_wait3A_108 = tpu.memref_slice %arg22[%dma_wait3A_106, %dma_wait3A_107] : memref<10000x64xf32, #tpu.memory_space<vmem_shared>> -> memref<10000x64xf32, #tpu.memory_space<vmem_shared>>
          tpu.wait_indirect_dma semaphore(%arg20 : memref<!tpu.dma_semaphore, #tpu.memory_space<semaphore_mem>>) src(%arg14 : memref<400x64xf32, #tpu.memory_space<vmem>>) dst(%dma_wait3A_108 : memref<10000x64xf32, #tpu.memory_space<vmem_shared>>)
          %add3A_109 = arith.constant 2 : i32
          %add3A_110 = arith.addi %add3A_80, %add3A_109 : i32
          %mul3A_111 = arith.constant 10000 : i32
          %mul3A_112 = arith.muli %add3A, %mul3A_111 : i32
          %mul3A_113 = arith.constant 400 : i32
          %mul3A_114 = arith.muli %add3A_110, %mul3A_113 : i32
          %add3A_115 = arith.addi %mul3A_112, %mul3A_114 : i32
          "tpu.region"() ({
            %run_scoped3A = tpu.sem_alloc : memref<!tpu.dma_semaphore, #tpu.memory_space<semaphore_mem>>
            %dma_start3A_123 = tpu.memref_slice %arg3[%add3A_115] : memref<320000xi32, #tpu.memory_space<hbm>> -> memref<400xi32, #tpu.memory_space<hbm>>
            %dma_start3A_124 = tpu.memref_slice %arg3[%add3A_115] : memref<320000xi32, #tpu.memory_space<hbm>> -> memref<400xi32, #tpu.memory_space<hbm>>
            tpu.enqueue_dma source(%dma_start3A_124 : memref<400xi32, #tpu.memory_space<hbm>>) target(%arg8 : memref<400xi32, #tpu.memory_space<vmem>>) target_semaphore(%run_scoped3A : memref<!tpu.dma_semaphore, #tpu.memory_space<semaphore_mem>>)
            %dma_wait3A_125 = tpu.memref_slice %arg3[%add3A_115] : memref<320000xi32, #tpu.memory_space<hbm>> -> memref<400xi32, #tpu.memory_space<hbm>>
            %dma_wait3A_126 = tpu.memref_slice %arg3[%add3A_115] : memref<320000xi32, #tpu.memory_space<hbm>> -> memref<400xi32, #tpu.memory_space<hbm>>
            tpu.wait_dma2 semaphore(%run_scoped3A : memref<!tpu.dma_semaphore, #tpu.memory_space<semaphore_mem>>) src(%dma_wait3A_126 : memref<400xi32, #tpu.memory_space<hbm>>) dst(%arg8 : memref<400xi32, #tpu.memory_space<vmem>>)
            tpu.yield
          }) : () -> ()
          "tpu.region"() ({
            %run_scoped3A = tpu.sem_alloc : memref<!tpu.dma_semaphore, #tpu.memory_space<semaphore_mem>>
            %dma_start3A_123 = tpu.memref_slice %arg4[%add3A_115] : memref<320000xi32, #tpu.memory_space<hbm>> -> memref<400xi32, #tpu.memory_space<hbm>>
            %dma_start3A_124 = tpu.memref_slice %arg4[%add3A_115] : memref<320000xi32, #tpu.memory_space<hbm>> -> memref<400xi32, #tpu.memory_space<hbm>>
            tpu.enqueue_dma source(%dma_start3A_124 : memref<400xi32, #tpu.memory_space<hbm>>) target(%arg11 : memref<400xi32, #tpu.memory_space<vmem>>) target_semaphore(%run_scoped3A : memref<!tpu.dma_semaphore, #tpu.memory_space<semaphore_mem>>)
            %dma_wait3A_125 = tpu.memref_slice %arg4[%add3A_115] : memref<320000xi32, #tpu.memory_space<hbm>> -> memref<400xi32, #tpu.memory_space<hbm>>
            %dma_wait3A_126 = tpu.memref_slice %arg4[%add3A_115] : memref<320000xi32, #tpu.memory_space<hbm>> -> memref<400xi32, #tpu.memory_space<hbm>>
            tpu.wait_dma2 semaphore(%run_scoped3A : memref<!tpu.dma_semaphore, #tpu.memory_space<semaphore_mem>>) src(%dma_wait3A_126 : memref<400xi32, #tpu.memory_space<hbm>>) dst(%arg11 : memref<400xi32, #tpu.memory_space<vmem>>)
            tpu.yield
          }) : () -> ()
          %dma_start3A_116 = arith.constant 0 : i32
          %dma_start3A_117 = arith.constant 0 : i32
          %dma_start3A_118 = tpu.memref_slice %arg2[%scan3A_43, %dma_start3A_116, %dma_start3A_117] : memref<1x10000x64xf32, #tpu.memory_space<hbm>> -> memref<1x10000x64xf32, #tpu.memory_space<hbm>>
          %dma_start3A_119 = tpu.memref_squeeze %dma_start3A_118 : memref<1x10000x64xf32, #tpu.memory_space<hbm>> -> memref<10000x64xf32, #tpu.memory_space<hbm>>
          %dma_start3A_120 = arith.constant 0 : i32
          %dma_start3A_121 = arith.constant 0 : i32
          %dma_start3A_122 = tpu.memref_slice %dma_start3A_119[%dma_start3A_120, %dma_start3A_121] : memref<10000x64xf32, #tpu.memory_space<hbm>> -> memref<10000x64xf32, #tpu.memory_space<hbm>>
          tpu.enqueue_indirect_dma source(%dma_start3A_122 : memref<10000x64xf32, #tpu.memory_space<hbm>>) target(%arg14 : memref<400x64xf32, #tpu.memory_space<vmem>>) offsets(%arg8 : memref<400xi32, #tpu.memory_space<vmem>>) semaphore(%arg17 : memref<!tpu.dma_semaphore, #tpu.memory_space<semaphore_mem>>)
        } else {
        }
      } else {
      }
    }
    %scan3A_48 = arith.constant 9 : i32
    %dma_wait3A = arith.constant 0 : i32
    %dma_wait3A_49 = arith.constant 0 : i32
    %dma_wait3A_50 = tpu.memref_slice %arg22[%dma_wait3A, %dma_wait3A_49] : memref<10000x64xf32, #tpu.memory_space<vmem_shared>> -> memref<10000x64xf32, #tpu.memory_space<vmem_shared>>
    tpu.wait_indirect_dma semaphore(%arg19 : memref<!tpu.dma_semaphore, #tpu.memory_space<semaphore_mem>>) src(%arg13 : memref<400x64xf32, #tpu.memory_space<vmem>>) dst(%dma_wait3A_50 : memref<10000x64xf32, #tpu.memory_space<vmem_shared>>)
    %dma_wait3A_51 = arith.constant 0 : i32
    %dma_wait3A_52 = arith.constant 0 : i32
    %dma_wait3A_53 = tpu.memref_slice %arg22[%dma_wait3A_51, %dma_wait3A_52] : memref<10000x64xf32, #tpu.memory_space<vmem_shared>> -> memref<10000x64xf32, #tpu.memory_space<vmem_shared>>
    tpu.wait_indirect_dma semaphore(%arg20 : memref<!tpu.dma_semaphore, #tpu.memory_space<semaphore_mem>>) src(%arg14 : memref<400x64xf32, #tpu.memory_space<vmem>>) dst(%dma_wait3A_53 : memref<10000x64xf32, #tpu.memory_space<vmem_shared>>)
    %dma_wait3A_54 = arith.constant 0 : i32
    %dma_wait3A_55 = arith.constant 0 : i32
    %dma_wait3A_56 = tpu.memref_slice %arg22[%dma_wait3A_54, %dma_wait3A_55] : memref<10000x64xf32, #tpu.memory_space<vmem_shared>> -> memref<10000x64xf32, #tpu.memory_space<vmem_shared>>
    tpu.wait_indirect_dma semaphore(%arg21 : memref<!tpu.dma_semaphore, #tpu.memory_space<semaphore_mem>>) src(%arg15 : memref<400x64xf32, #tpu.memory_space<vmem>>) dst(%dma_wait3A_56 : memref<10000x64xf32, #tpu.memory_space<vmem_shared>>)
    %barrier3A_57 = arith.constant 0 : index
    tpu.barrier barrier_id(%barrier3A_57)
    %mul3A_58 = arith.constant 625 : i32
    %mul3A_59 = arith.muli %arg1, %mul3A_58 : i32
    %mul3A_60 = arith.constant 625 : i32
    %mul3A_61 = arith.muli %arg1, %mul3A_60 : i32
    "tpu.region"() ({
      %run_scoped3A = tpu.sem_alloc : memref<!tpu.dma_semaphore, #tpu.memory_space<semaphore_mem>>
      %dma_start3A_63 = arith.constant 0 : i32
      %dma_start3A_64 = tpu.memref_slice %arg6[%arg0, %mul3A_61, %dma_start3A_63] : memref<2x10000x64xf32, #tpu.memory_space<hbm>> -> memref<1x625x64xf32, #tpu.memory_space<hbm>>
      %dma_start3A_65 = tpu.memref_squeeze %dma_start3A_64 : memref<1x625x64xf32, #tpu.memory_space<hbm>> -> memref<625x64xf32, #tpu.memory_space<hbm>>
      %dma_start3A_66 = arith.constant 0 : i32
      %dma_start3A_67 = tpu.memref_slice %arg22[%mul3A_59, %dma_start3A_66] : memref<10000x64xf32, #tpu.memory_space<vmem_shared>> -> memref<625x64xf32, #tpu.memory_space<vmem_shared>>
      tpu.enqueue_dma source(%dma_start3A_67 : memref<625x64xf32, #tpu.memory_space<vmem_shared>>) target(%dma_start3A_65 : memref<625x64xf32, #tpu.memory_space<hbm>>) target_semaphore(%run_scoped3A : memref<!tpu.dma_semaphore, #tpu.memory_space<semaphore_mem>>)
      %dma_wait3A_68 = arith.constant 0 : i32
      %dma_wait3A_69 = tpu.memref_slice %arg6[%arg0, %mul3A_61, %dma_wait3A_68] : memref<2x10000x64xf32, #tpu.memory_space<hbm>> -> memref<1x625x64xf32, #tpu.memory_space<hbm>>
      %dma_wait3A_70 = tpu.memref_squeeze %dma_wait3A_69 : memref<1x625x64xf32, #tpu.memory_space<hbm>> -> memref<625x64xf32, #tpu.memory_space<hbm>>
      %dma_wait3A_71 = arith.constant 0 : i32
      %dma_wait3A_72 = tpu.memref_slice %arg22[%mul3A_59, %dma_wait3A_71] : memref<10000x64xf32, #tpu.memory_space<vmem_shared>> -> memref<625x64xf32, #tpu.memory_space<vmem_shared>>
      tpu.wait_dma2 semaphore(%run_scoped3A : memref<!tpu.dma_semaphore, #tpu.memory_space<semaphore_mem>>) src(%dma_wait3A_72 : memref<625x64xf32, #tpu.memory_space<vmem_shared>>) dst(%dma_wait3A_70 : memref<625x64xf32, #tpu.memory_space<hbm>>)
      tpu.yield
    }) : () -> ()
    %barrier3A_62 = arith.constant 0 : index
    tpu.barrier barrier_id(%barrier3A_62)
    return
  }
}

module attributes {stable_mosaic.version = 14 : i64} {
  func.func @body(%arg0: i32, %arg1: i32, %arg2: memref<2x1000x16xf32, #tpu.memory_space<vmem>>, %arg3: memref<2x1000x128xf32, #tpu.memory_space<vmem>>, %arg4: memref<1x128x64xf32, #tpu.memory_space<vmem>>, %arg5: memref<1x1x64xf32, #tpu.memory_space<vmem>>, %arg6: memref<1x1000x64xf32, #tpu.memory_space<vmem>>) attributes {dimension_semantics = [#tpu.dimension_semantics<arbitrary>, #tpu.dimension_semantics<arbitrary>], iteration_bounds = array<i64: 10, 1>, scalar_prefetch = 0 : i64, scratch_operands = 0 : i64, tpu.core_type = #tpu.core_type<tc>, window_params = [{transform_indices = @transform_0, window_bounds = array<i64: 2, 1000, 16>}, {transform_indices = @transform_1, window_bounds = array<i64: 2, 1000, 128>}, {transform_indices = @transform_2, window_bounds = array<i64: 1, 128, 64>}, {transform_indices = @transform_3, window_bounds = array<i64: 1, 1, 64>}, {transform_indices = @transform_4, window_bounds = array<i64: 1, 1000, 64>}]} {
    %get3A = arith.constant 0 : index
    %get3A_0 = arith.constant 0 : index
    %get3A_1 = arith.constant 0 : index
    %get3A_2 = vector.load %arg2[%get3A, %get3A_0, %get3A_1] : memref<2x1000x16xf32, #tpu.memory_space<vmem>>, vector<1x1000x16xf32>
    %get3A_3 = vector.shape_cast %get3A_2 : vector<1x1000x16xf32> to vector<1000x16xf32>
    %get3A_4 = arith.constant 1 : index
    %get3A_5 = arith.constant 0 : index
    %get3A_6 = arith.constant 0 : index
    %get3A_7 = vector.load %arg2[%get3A_4, %get3A_5, %get3A_6] : memref<2x1000x16xf32, #tpu.memory_space<vmem>>, vector<1x1000x16xf32>
    %get3A_8 = vector.shape_cast %get3A_7 : vector<1x1000x16xf32> to vector<1000x16xf32>
    %add3A = arith.addf %get3A_3, %get3A_8 : vector<1000x16xf32>
    %add3A_9 = arith.constant 1.000000e+00 : f32
    %add3A_10 = vector.broadcast %add3A_9 : f32 to vector<1000x16xf32>
    %add3A_11 = arith.addf %add3A, %add3A_10 : vector<1000x16xf32>
    %rsqrt3A = math.rsqrt %add3A_11 : vector<1000x16xf32>
    %slice3A = vector.extract_strided_slice %rsqrt3A {offsets = [0, 0], sizes = [1000, 1], strides = [1, 1]} : vector<1000x16xf32> to vector<1000x1xf32>
    %get3A_12 = arith.constant 0 : index
    %get3A_13 = arith.constant 0 : index
    %get3A_14 = arith.constant 0 : index
    %get3A_15 = vector.load %arg3[%get3A_12, %get3A_13, %get3A_14] : memref<2x1000x128xf32, #tpu.memory_space<vmem>>, vector<1x1000x128xf32>
    %get3A_16 = vector.shape_cast %get3A_15 : vector<1x1000x128xf32> to vector<1000x128xf32>
    %get3A_17 = arith.constant 1 : index
    %get3A_18 = arith.constant 0 : index
    %get3A_19 = arith.constant 0 : index
    %get3A_20 = vector.load %arg3[%get3A_17, %get3A_18, %get3A_19] : memref<2x1000x128xf32, #tpu.memory_space<vmem>>, vector<1x1000x128xf32>
    %get3A_21 = vector.shape_cast %get3A_20 : vector<1x1000x128xf32> to vector<1000x128xf32>
    %add3A_22 = arith.addf %get3A_16, %get3A_21 : vector<1000x128xf32>
    %mul3A = vector.broadcast %slice3A : vector<1000x1xf32> to vector<1000x128xf32>
    %mul3A_23 = arith.mulf %mul3A, %add3A_22 : vector<1000x128xf32>
    %max3A = arith.constant 0.000000e+00 : f32
    %max3A_24 = vector.broadcast %max3A : f32 to vector<1000x128xf32>
    %max3A_25 = arith.maximumf %mul3A_23, %max3A_24 : vector<1000x128xf32>
    %get3A_26 = arith.constant 0 : index
    %get3A_27 = arith.constant 0 : index
    %get3A_28 = arith.constant 0 : index
    %get3A_29 = vector.load %arg4[%get3A_26, %get3A_27, %get3A_28] : memref<1x128x64xf32, #tpu.memory_space<vmem>>, vector<1x128x64xf32>
    %get3A_30 = vector.shape_cast %get3A_29 : vector<1x128x64xf32> to vector<128x64xf32>
    %dot_general3A = arith.constant dense<0.000000e+00> : vector<1000x64xf32>
    %dot_general3A_31 = tpu.matmul %max3A_25, %get3A_30, %dot_general3A {dimension_numbers = #tpu.dot_dimension_numbers<[1], [0], [0], [1], [0, 0, 1, 1], [], []>, transpose_lhs_hint = false} : vector<1000x128xf32>, vector<128x64xf32>, vector<1000x64xf32> -> vector<1000x64xf32>
    %get3A_32 = arith.constant 0 : index
    %get3A_33 = arith.constant 0 : index
    %get3A_34 = arith.constant 0 : index
    %get3A_35 = vector.load %arg5[%get3A_32, %get3A_33, %get3A_34] : memref<1x1x64xf32, #tpu.memory_space<vmem>>, vector<1x1x64xf32>
    %get3A_36 = vector.shape_cast %get3A_35 : vector<1x1x64xf32> to vector<1x64xf32>
    %add3A_37 = vector.broadcast %get3A_36 : vector<1x64xf32> to vector<1000x64xf32>
    %add3A_38 = arith.addf %dot_general3A_31, %add3A_37 : vector<1000x64xf32>
    %mul3A_39 = vector.broadcast %slice3A : vector<1000x1xf32> to vector<1000x64xf32>
    %mul3A_40 = arith.mulf %mul3A_39, %add3A_38 : vector<1000x64xf32>
    %swap3A = arith.constant 0 : index
    %swap3A_41 = arith.constant 0 : index
    %swap3A_42 = arith.constant 0 : index
    %swap3A_43 = vector.load %arg6[%swap3A, %swap3A_41, %swap3A_42] : memref<1x1000x64xf32, #tpu.memory_space<vmem>>, vector<1x1000x64xf32>
    %swap3A_44 = vector.shape_cast %swap3A_43 : vector<1x1000x64xf32> to vector<1000x64xf32>
    %swap3A_45 = vector.shape_cast %mul3A_40 : vector<1000x64xf32> to vector<1x1000x64xf32>
    tpu.vector_store %arg6[%swap3A, %swap3A_41, %swap3A_42], %swap3A_45 {strides = array<i32>} : memref<1x1000x64xf32, #tpu.memory_space<vmem>>, vector<1x1000x64xf32>,
    return
  }
  func.func @transform_0(%arg0: i32, %arg1: i32) -> (i32, i32, i32) {
    %c0_i32 = arith.constant 0 : i32
    %c0_i32_0 = arith.constant 0 : i32
    %c0_i32_1 = arith.constant 0 : i32
    return %c0_i32, %arg0, %c0_i32_0 : i32, i32, i32
  }
  func.func @transform_1(%arg0: i32, %arg1: i32) -> (i32, i32, i32) {
    %c0_i32 = arith.constant 0 : i32
    %c0_i32_0 = arith.constant 0 : i32
    %c0_i32_1 = arith.constant 0 : i32
    return %c0_i32, %arg0, %c0_i32_0 : i32, i32, i32
  }
  func.func @transform_2(%arg0: i32, %arg1: i32) -> (i32, i32, i32) {
    %c0_i32 = arith.constant 0 : i32
    %c0_i32_0 = arith.constant 0 : i32
    %c0_i32_1 = arith.constant 0 : i32
    return %arg1, %c0_i32, %c0_i32_0 : i32, i32, i32
  }
  func.func @transform_3(%arg0: i32, %arg1: i32) -> (i32, i32, i32) {
    %c0_i32 = arith.constant 0 : i32
    %c0_i32_0 = arith.constant 0 : i32
    %c0_i32_1 = arith.constant 0 : i32
    return %arg1, %c0_i32, %c0_i32_0 : i32, i32, i32
  }
  func.func @transform_4(%arg0: i32, %arg1: i32) -> (i32, i32, i32) {
    %c0_i32 = arith.constant 0 : i32
    %c0_i32_0 = arith.constant 0 : i32
    return %arg1, %arg0, %c0_i32 : i32, i32, i32
  }
}

module attributes {stable_mosaic.version = 14 : i64} {
  func.func @body(%arg0: i32, %arg1: i32, %arg2: memref<2x1000x16xf32, #tpu.memory_space<vmem>>, %arg3: memref<1000x128xf32, #tpu.memory_space<vmem>>, %arg4: memref<1x128x64xf32, #tpu.memory_space<vmem>>, %arg5: memref<1x1x64xf32, #tpu.memory_space<vmem>>, %arg6: memref<1x1000x64xf32, #tpu.memory_space<vmem>>) attributes {dimension_semantics = [#tpu.dimension_semantics<arbitrary>, #tpu.dimension_semantics<arbitrary>], iteration_bounds = array<i64: 10, 2>, scalar_prefetch = 0 : i64, scratch_operands = 0 : i64, tpu.core_type = #tpu.core_type<tc>, window_params = [{transform_indices = @transform_0, window_bounds = array<i64: 2, 1000, 16>}, {transform_indices = @transform_1, window_bounds = array<i64: 1000, 128>}, {transform_indices = @transform_2, window_bounds = array<i64: 1, 128, 64>}, {transform_indices = @transform_3, window_bounds = array<i64: 1, 1, 64>}, {transform_indices = @transform_4, window_bounds = array<i64: 1, 1000, 64>}]} {
    %get3A = arith.constant 0 : index
    %get3A_0 = arith.constant 0 : index
    %get3A_1 = arith.constant 0 : index
    %get3A_2 = vector.load %arg2[%get3A, %get3A_0, %get3A_1] : memref<2x1000x16xf32, #tpu.memory_space<vmem>>, vector<1x1000x16xf32>
    %get3A_3 = vector.shape_cast %get3A_2 : vector<1x1000x16xf32> to vector<1000x16xf32>
    %get3A_4 = arith.constant 1 : index
    %get3A_5 = arith.constant 0 : index
    %get3A_6 = arith.constant 0 : index
    %get3A_7 = vector.load %arg2[%get3A_4, %get3A_5, %get3A_6] : memref<2x1000x16xf32, #tpu.memory_space<vmem>>, vector<1x1000x16xf32>
    %get3A_8 = vector.shape_cast %get3A_7 : vector<1x1000x16xf32> to vector<1000x16xf32>
    %add3A = arith.addf %get3A_3, %get3A_8 : vector<1000x16xf32>
    %add3A_9 = arith.constant 1.000000e+00 : f32
    %add3A_10 = vector.broadcast %add3A_9 : f32 to vector<1000x16xf32>
    %add3A_11 = arith.addf %add3A, %add3A_10 : vector<1000x16xf32>
    %rsqrt3A = math.rsqrt %add3A_11 : vector<1000x16xf32>
    %slice3A = vector.extract_strided_slice %rsqrt3A {offsets = [0, 0], sizes = [1000, 1], strides = [1, 1]} : vector<1000x16xf32> to vector<1000x1xf32>
    %get3A_12 = arith.constant 0 : index
    %get3A_13 = arith.constant 0 : index
    %get3A_14 = vector.load %arg3[%get3A_12, %get3A_13] : memref<1000x128xf32, #tpu.memory_space<vmem>>, vector<1000x128xf32>
    %get3A_15 = arith.constant 0 : index
    %get3A_16 = arith.constant 0 : index
    %get3A_17 = arith.constant 0 : index
    %get3A_18 = vector.load %arg4[%get3A_15, %get3A_16, %get3A_17] : memref<1x128x64xf32, #tpu.memory_space<vmem>>, vector<1x128x64xf32>
    %get3A_19 = vector.shape_cast %get3A_18 : vector<1x128x64xf32> to vector<128x64xf32>
    %dot_general3A = arith.constant dense<0.000000e+00> : vector<1000x64xf32>
    %dot_general3A_20 = tpu.matmul %get3A_14, %get3A_19, %dot_general3A {dimension_numbers = #tpu.dot_dimension_numbers<[1], [0], [0], [1], [0, 0, 1, 1], [], []>, transpose_lhs_hint = false} : vector<1000x128xf32>, vector<128x64xf32>, vector<1000x64xf32> -> vector<1000x64xf32>
    %get3A_21 = arith.constant 0 : index
    %get3A_22 = arith.constant 0 : index
    %get3A_23 = arith.constant 0 : index
    %get3A_24 = vector.load %arg5[%get3A_21, %get3A_22, %get3A_23] : memref<1x1x64xf32, #tpu.memory_space<vmem>>, vector<1x1x64xf32>
    %get3A_25 = vector.shape_cast %get3A_24 : vector<1x1x64xf32> to vector<1x64xf32>
    %add3A_26 = vector.broadcast %get3A_25 : vector<1x64xf32> to vector<1000x64xf32>
    %add3A_27 = arith.addf %dot_general3A_20, %add3A_26 : vector<1000x64xf32>
    %mul3A = vector.broadcast %slice3A : vector<1000x1xf32> to vector<1000x64xf32>
    %mul3A_28 = arith.mulf %mul3A, %add3A_27 : vector<1000x64xf32>
    %swap3A = arith.constant 0 : index
    %swap3A_29 = arith.constant 0 : index
    %swap3A_30 = arith.constant 0 : index
    %swap3A_31 = vector.load %arg6[%swap3A, %swap3A_29, %swap3A_30] : memref<1x1000x64xf32, #tpu.memory_space<vmem>>, vector<1x1000x64xf32>
    %swap3A_32 = vector.shape_cast %swap3A_31 : vector<1x1000x64xf32> to vector<1000x64xf32>
    %swap3A_33 = vector.shape_cast %mul3A_28 : vector<1000x64xf32> to vector<1x1000x64xf32>
    tpu.vector_store %arg6[%swap3A, %swap3A_29, %swap3A_30], %swap3A_33 {strides = array<i32>} : memref<1x1000x64xf32, #tpu.memory_space<vmem>>, vector<1x1000x64xf32>,
    return
  }
  func.func @transform_0(%arg0: i32, %arg1: i32) -> (i32, i32, i32) {
    %c0_i32 = arith.constant 0 : i32
    %c0_i32_0 = arith.constant 0 : i32
    %c0_i32_1 = arith.constant 0 : i32
    return %c0_i32, %arg0, %c0_i32_0 : i32, i32, i32
  }
  func.func @transform_1(%arg0: i32, %arg1: i32) -> (i32, i32) {
    %c0_i32 = arith.constant 0 : i32
    %c0_i32_0 = arith.constant 0 : i32
    return %arg0, %c0_i32 : i32, i32
  }
  func.func @transform_2(%arg0: i32, %arg1: i32) -> (i32, i32, i32) {
    %c0_i32 = arith.constant 0 : i32
    %c0_i32_0 = arith.constant 0 : i32
    %c0_i32_1 = arith.constant 0 : i32
    return %arg1, %c0_i32, %c0_i32_0 : i32, i32, i32
  }
  func.func @transform_3(%arg0: i32, %arg1: i32) -> (i32, i32, i32) {
    %c0_i32 = arith.constant 0 : i32
    %c0_i32_0 = arith.constant 0 : i32
    %c0_i32_1 = arith.constant 0 : i32
    return %arg1, %c0_i32, %c0_i32_0 : i32, i32, i32
  }
  func.func @transform_4(%arg0: i32, %arg1: i32) -> (i32, i32, i32) {
    %c0_i32 = arith.constant 0 : i32
    %c0_i32_0 = arith.constant 0 : i32
    return %arg1, %arg0, %c0_i32 : i32, i32, i32
  }
}

module attributes {stable_mosaic.version = 14 : i64} {
  func.func @body(%arg0: i32, %arg1: memref<2x1000x16xf32, #tpu.memory_space<vmem>>, %arg2: memref<2x1000x64xf32, #tpu.memory_space<vmem>>, %arg3: memref<1000x64xf32, #tpu.memory_space<vmem>>) attributes {dimension_semantics = [#tpu.dimension_semantics<arbitrary>], iteration_bounds = array<i64: 10>, scalar_prefetch = 0 : i64, scratch_operands = 0 : i64, tpu.core_type = #tpu.core_type<tc>, window_params = [{transform_indices = @transform_0, window_bounds = array<i64: 2, 1000, 16>}, {transform_indices = @transform_1, window_bounds = array<i64: 2, 1000, 64>}, {transform_indices = @transform_2, window_bounds = array<i64: 1000, 64>}]} {
    %get3A = arith.constant 0 : index
    %get3A_0 = arith.constant 0 : index
    %get3A_1 = arith.constant 0 : index
    %get3A_2 = vector.load %arg1[%get3A, %get3A_0, %get3A_1] : memref<2x1000x16xf32, #tpu.memory_space<vmem>>, vector<1x1000x16xf32>
    %get3A_3 = vector.shape_cast %get3A_2 : vector<1x1000x16xf32> to vector<1000x16xf32>
    %get3A_4 = arith.constant 1 : index
    %get3A_5 = arith.constant 0 : index
    %get3A_6 = arith.constant 0 : index
    %get3A_7 = vector.load %arg1[%get3A_4, %get3A_5, %get3A_6] : memref<2x1000x16xf32, #tpu.memory_space<vmem>>, vector<1x1000x16xf32>
    %get3A_8 = vector.shape_cast %get3A_7 : vector<1x1000x16xf32> to vector<1000x16xf32>
    %add3A = arith.addf %get3A_3, %get3A_8 : vector<1000x16xf32>
    %add3A_9 = arith.constant 1.000000e+00 : f32
    %add3A_10 = vector.broadcast %add3A_9 : f32 to vector<1000x16xf32>
    %add3A_11 = arith.addf %add3A, %add3A_10 : vector<1000x16xf32>
    %rsqrt3A = math.rsqrt %add3A_11 : vector<1000x16xf32>
    %slice3A = vector.extract_strided_slice %rsqrt3A {offsets = [0, 0], sizes = [1000, 1], strides = [1, 1]} : vector<1000x16xf32> to vector<1000x1xf32>
    %get3A_12 = arith.constant 0 : index
    %get3A_13 = arith.constant 0 : index
    %get3A_14 = arith.constant 0 : index
    %get3A_15 = vector.load %arg2[%get3A_12, %get3A_13, %get3A_14] : memref<2x1000x64xf32, #tpu.memory_space<vmem>>, vector<1x1000x64xf32>
    %get3A_16 = vector.shape_cast %get3A_15 : vector<1x1000x64xf32> to vector<1000x64xf32>
    %get3A_17 = arith.constant 1 : index
    %get3A_18 = arith.constant 0 : index
    %get3A_19 = arith.constant 0 : index
    %get3A_20 = vector.load %arg2[%get3A_17, %get3A_18, %get3A_19] : memref<2x1000x64xf32, #tpu.memory_space<vmem>>, vector<1x1000x64xf32>
    %get3A_21 = vector.shape_cast %get3A_20 : vector<1x1000x64xf32> to vector<1000x64xf32>
    %add3A_22 = arith.addf %get3A_16, %get3A_21 : vector<1000x64xf32>
    %mul3A = vector.broadcast %slice3A : vector<1000x1xf32> to vector<1000x64xf32>
    %mul3A_23 = arith.mulf %mul3A, %add3A_22 : vector<1000x64xf32>
    %swap3A = arith.constant 0 : index
    %swap3A_24 = arith.constant 0 : index
    %swap3A_25 = vector.load %arg3[%swap3A, %swap3A_24] : memref<1000x64xf32, #tpu.memory_space<vmem>>, vector<1000x64xf32>
    tpu.vector_store %arg3[%swap3A, %swap3A_24], %mul3A_23 {strides = array<i32>} : memref<1000x64xf32, #tpu.memory_space<vmem>>, vector<1000x64xf32>,
    return
  }
  func.func @transform_0(%arg0: i32) -> (i32, i32, i32) {
    %c0_i32 = arith.constant 0 : i32
    %c0_i32_0 = arith.constant 0 : i32
    %c0_i32_1 = arith.constant 0 : i32
    return %c0_i32, %arg0, %c0_i32_0 : i32, i32, i32
  }
  func.func @transform_1(%arg0: i32) -> (i32, i32, i32) {
    %c0_i32 = arith.constant 0 : i32
    %c0_i32_0 = arith.constant 0 : i32
    %c0_i32_1 = arith.constant 0 : i32
    return %c0_i32, %arg0, %c0_i32_0 : i32, i32, i32
  }
  func.func @transform_2(%arg0: i32) -> (i32, i32) {
    %c0_i32 = arith.constant 0 : i32
    %c0_i32_0 = arith.constant 0 : i32
    return %arg0, %c0_i32 : i32, i32
  }
}

</mosaic_0001>

<sc_bundles>
// kernel: kernel.11.cloned.1.call-start
scs
__scs_entry_jumppad:
0x0: {  	(pc) =	sbr.rel $0x88, $3  }
0x1: {  	(tag) =	ssettag $0x0;
	lr =	simm.s32 $0x1  }
0x2: {  	[smem:$0x3F9B] =	sst lr;
	_ =	strace $0xD0000000  }
0x3: {  	_ = 	snop  }
0x4: {  	_ = 	snop  }
0x5: {  	_ = 	snop  }
0x6: {  	_ = 	snop  }
0x7: {  	_ = 	snop  }
__scs_overlays_trampoline_lowered:
0x8: {  	[smem:$0x3FAA] =	sst s0  }
0x9: {  	[smem:$0x3FAB] =	sst s1  }
0xa: {  	[smem:$0x3FAC] =	sst s2  }
0xb: {  	[smem:$0x3FAD] =	sst s3  }
0xc: {  	[smem:$0x3FAE] =	sst s4  }
0xd: {  	[smem:$0x3FAF] =	sst s5  }
0xe: {  	[smem:$0x3FB0] =	sst s6  }
0xf: {  	[smem:$0x3FB1] =	sst s7  }
0x10: {  	[smem:$0x3FB2] =	sst s8  }
0x11: {  	[smem:$0x3FB3] =	sst s9;
	s0 =	simm.s32 @!p0 $0x0  }
0x12: {  	s1 =	sld [smem:$0x3F99];
	s0 =	simm.s32 @p0 $0x1  }
0x13: {  	[smem:$0x3FB4] =	sst s0;
	s0 =	simm.s32 @!p1 $0x0  }
0x14: {  	s2 =	sld [smem:$0x3F98];
	s0 =	simm.s32 @p1 $0x1  }
0x15: {  	[smem:$0x3FB5] =	sst s0;
	s0 =	simm.s32 @!p2 $0x0  }
0x16: {  	s3 =	sld [smem:$0x3FDB];
	s0 =	simm.s32 @p2 $0x1  }
0x17: {  	s4 =	simm.s32 $0x1BF5;
	[smem:$0x3FB7] =	sst s0  }
0x18: {  	s0 =	sld [smem:$0x3F9A];
	_ =	swait.ge [sflag:s4], $0x0  }
0x19: {  	s7 =	sld [smem:$0x3F9B]  }
0x1a: {  	s8 =	sadd.s32 $0xFFFFE003, lr  }
0x1b: {  	s9 =	sadd.s32 $0xFFFFFEF7, lr;
	s5 =	simm.s32 $0xFFFFFFFF;
	p2 =	slt.u32 s8, $0xFFFFF086  }
0x1c: {  	p1 =	slt.u32 s9, $0xF7A;
	s5 =	simm.s32 @!p2 $0x0  }
0x1d: {  	s5 =	simm.s32 @p1 $0x1;
	p0 =	seq.s32 s7, s2  }
0x1e: {  	s7 =	smul.u32 @!p0 $0xF7A, s2;
	p2 =	seq.s32 @!p0 s5, $0x0  }
0x1f: {  	s9 =	smul.u32 $0xF7A, s1;
	s8 =	simm.s32 @!p0 $0x1BF5;
	p2 =	por !p2, p0  }
0x20: {  	[sflag:s8] =	ssyncset.s32 @!p0 $0xFFFFF086;
	s6 =	sadd.s32 @!p0 s3, s7;
	s7 =	simm.s32 @!p0 $0x108  }
0x21: {  	s3 =	sadd.s32 s3, s9;
	s6 =	sadd.s32 @!p0 $0x88, s6;
	s7 =	simm.s32 @p2 $0x1082  }
0x22: {  	[simem:s7], [sflag:s8] =	dma.local @!p0 [hbm:s6], $0xF7A  }
0x23: {  	s9 =	sor.u32 $0xD0000000, s2;
	s6 =	simm.s32 $0x108;
	_ =	swait.ge @!p0 [sflag:s8], $0x0  }
0x24: {  	s3 =	sadd.s32 $0x88, s3;
	s6 =	simm.s32 @!p1 $0x1082;
	[sflag:s4] =	ssyncset.s32 $0xFFFFF086  }
0x25: {  	[simem:s6], [sflag:s4] =	dma.local [hbm:s3], $0xF7A  }
0x26: {  	[smem:$0x3F9B] =	sst s1;
	(tag) =	ssettag s2;
	_ =	strace s9  }
0x27: {  	s1 =	sld [smem:$0x3FAB]  }
0x28: {  	s2 =	sld [smem:$0x3FAC]  }
0x29: {  	s4 =	sld [smem:$0x3FAE]  }
0x2a: {  	p0 =	seq.s32 s5, $0x0;
	s5 =	sld [smem:$0x3FAF]  }
0x2b: {  	s6 =	sld [smem:$0x3FB0]  }
0x2c: {  	s7 =	sld [smem:$0x3FB1]  }
0x2d: {  	s3 =	simm.s32 $0x108;
	s8 =	sld [smem:$0x3FB2]  }
0x2e: {  	s3 =	simm.s32 @!p0 $0x1082;
	s9 =	sld [smem:$0x3FB3]  }
0x2f: {  	lr =	sadd.s32 s0, s3;
	s0 =	sld [smem:$0x3FAA]  }
0x30: {  	s3 =	sld [smem:$0x3FAD]  }
0x31: {  	[smem:$0x3FB6] =	sst s10  }
0x32: {  	s10 =	sld [smem:$0x3FB4];
	_ =	sdelay $0x3  }
0x33: {  	p0 =	seq.s32 s10, $0x1;
	s10 =	sld [smem:$0x3FB6];
	_ =	sdelay $0x3  }
0x34: {  	[smem:$0x3FB6] =	sst s10  }
0x35: {  	s10 =	sld [smem:$0x3FB5];
	_ =	sdelay $0x3  }
0x36: {  	p1 =	seq.s32 s10, $0x1;
	s10 =	sld [smem:$0x3FB6];
	_ =	sdelay $0x3  }
0x37: {  	[smem:$0x3FB6] =	sst s10  }
0x38: {  	s10 =	sld [smem:$0x3FB7]  }
0x39: {  	_ = 	snop;
	(pc) =	sbr.ind lr, $3  }
0x3a: {  	_ = 	snop  }
0x3b: {  	_ = 	snop  }
0x3c: {  	p2 =	seq.s32 s10, $0x1;
	s10 =	sld [smem:$0x3FB6]  }
0x3d: {  	_ =	shalt  }
0x3e: {  	_ =	shalt  }
0x3f: {  	_ =	shalt  }
0x40: {  	_ =	shalt  }
0x41: {  	_ =	shalt  }
0x42: {  	_ =	shalt  }
0x43: {  	_ =	shalt  }
0x44: {  	_ =	shalt  }
0x45: {  	_ =	shalt  }
0x46: {  	_ =	shalt  }
0x47: {  	_ =	shalt  }
0x48: {  	_ =	shalt  }
0x49: {  	_ =	shalt  }
0x4a: {  	_ =	shalt  }
0x4b: {  	_ =	shalt  }
0x4c: {  	_ =	shalt  }
0x4d: {  	_ =	shalt  }
0x4e: {  	_ =	shalt  }
0x4f: {  	_ =	shalt  }
0x50: {  	_ =	shalt  }
0x51: {  	_ =	shalt  }
0x52: {  	_ =	shalt  }
0x53: {  	_ =	shalt  }
0x54: {  	_ =	shalt  }
0x55: {  	_ =	shalt  }
0x56: {  	_ =	shalt  }
0x57: {  	_ =	shalt  }
0x58: {  	_ =	shalt  }
0x59: {  	_ =	shalt  }
0x5a: {  	_ =	shalt  }
0x5b: {  	_ =	shalt  }
0x5c: {  	_ =	shalt  }
0x5d: {  	_ =	shalt  }
0x5e: {  	_ =	shalt  }
0x5f: {  	_ =	shalt  }
0x60: {  	_ =	shalt  }
0x61: {  	_ =	shalt  }
0x62: {  	_ =	shalt  }
0x63: {  	_ =	shalt  }
0x64: {  	_ =	shalt  }
0x65: {  	_ =	shalt  }
0x66: {  	_ =	shalt  }
0x67: {  	_ =	shalt  }
0x68: {  	_ =	shalt  }
0x69: {  	_ =	shalt  }
0x6a: {  	_ =	shalt  }
0x6b: {  	_ =	shalt  }
0x6c: {  	_ =	shalt  }
0x6d: {  	_ =	shalt  }
0x6e: {  	_ =	shalt  }
0x6f: {  	_ =	shalt  }
0x70: {  	_ =	shalt  }
0x71: {  	_ =	shalt  }
0x72: {  	_ =	shalt  }
0x73: {  	_ =	shalt  }
0x74: {  	_ =	shalt  }
0x75: {  	_ =	shalt  }
0x76: {  	_ =	shalt  }
0x77: {  	_ =	shalt  }
0x78: {  	_ =	shalt  }
0x79: {  	_ =	shalt  }
0x7a: {  	_ =	shalt  }
0x7b: {  	_ =	shalt  }
0x7c: {  	_ =	shalt  }
0x7d: {  	_ =	shalt  }
0x7e: {  	_ =	shalt  }
0x7f: {  	_ =	shalt  }
0x80: {  	_ =	shalt  }
0x81: {  	_ =	shalt  }
0x82: {  	_ =	shalt  }
0x83: {  	_ =	shalt  }
0x84: {  	_ =	shalt  }
0x85: {  	_ =	shalt  }
0x86: {  	_ =	shalt  }
0x87: {  	_ =	shalt  }
.Lfunc_end0:
.L_simem_size_0:
called_computation.1_lowered:
.L_overlay_start_0:
0x88: {  	s2 =	sld [smem:$0x3FD9]  }
0x89: {  	s3 =	sld [smem:$0x3FFE];
	_ =	sdelay $0x1  }
0x8a: {  	s1 =	srdreg.scid  }
0x8b: {  	s0 =	sand.u32 $0x1, s1  }
0x8c: {  	s16 =	sshll.u32 s0, $0xA;
	s2 =	sadd.s32 s3, s2  }
0x8d: {  	s2 =	sadd.s32 s2, s16  }
0x8e: {  	[smem:$0x3FC2] =	sst s2  }
0x8f: {  	_ = 	snop  }
0x90: {  	(tm) =	ssettm $0x1  }
0x91: {  	s17 =	sld [smem:$0x3FFB];
	_ =	sdelay $0x3  }
0x92: {  	_ =	strace s17  }
0x93: {  	s2 =	sld [smem:$0x3FFC];
	_ =	sdelay $0x3  }
0x94: {  	_ =	strace s2  }
0x95: {  	s2 =	sld [smem:$0x3FFD];
	_ =	sdelay $0x3  }
0x96: {  	_ =	strace s2  }
0x97: {  	_ =	strace $0x8FFFFFFF  }
0x98: {  	s18 =	sld [smem:$0x3FDB];
	_ =	sdelay $0x1  }
0x99: {  	s19 =	simm.s32 $_scs_section_size  }
0x9a: {  	s4 =	simm.s32 $_size__tile_overlayer_lowered;
	s5 =	simm.s32 $_tile_overlayer_lowered  }
0x9b: {  	s22 =	simm.s32 $0x1BFF;
	s21 =	sshll.u32 s5, $0x1;
	s2 =	sadd.s32 s19, s18  }
0x9c: {  	s6 =	simm.s32 $0x0;
	s20 =	sshll.u32 s4, $0x1;
	s4 =	sadd.s32 s21, s2  }
0x9d: {  	[timem:s6], [sflag:s22] =	dma.local [hbm:s4], s20  }
0x9e: {  	_ =	swait.ge [sflag:s22], s20  }
0x9f: {  	s3 =	ssub.s32 $0x0, s20;
	[sflag:s22] =	ssyncset.done $0x0  }
0xa0: {  	[sflag:s22] =	ssyncadd.s32 s3;
	_ =	sdelay $0x1  }
0xa1: {  	s23 =	simm.s32 $0x1B8B  }
0xa2: {  	_ =	swait.ge [sflag:s23], $0x1  }
0xa3: {  	[sflag:s23] =	ssyncset.done $0x0  }
0xa4: {  	s25 =	simm.s32 $0x1B8E;
	s24 =	sld [smem:$0x3FFE];
	[sflag:s23] =	ssyncadd.s32 $0xFFFFFFFF  }
0xa5: {  	s26 =	simm.s32 $execute0_lowered;
	[smem:$0x3FD2] =	sst s25  }
0xa6: {  	s4 =	sshll.u32 s26, $0x1;
	_ =	strace $0x80000049;
	[dreg:$0x1] =	wrdreg $0xFFFFFFFF  }
0xa7: {  	s28 =	simm.s32 $_size_execute0_lowered;
	s2 =	sadd.s32 s2, s4;
	[dreg:$0x0] =	wrdreg $0x0  }
0xa8: {  	s4 =	sshll.u32 s28, $0x1;
	[dreg:$0x2] =	wrdreg s2  }
0xa9: {  	[dreg:$0x3] =	wrdreg s4  }
0xaa: {  	[dreg:$0x4] =	wrdreg $0xC0  }
0xab: {  	_ =	task [dreg:s6], $0x5FFFF  }
0xac: {  	[dreg:$0x1] =	wrdreg $0xFFFFFFFF  }
0xad: {  	[dreg:$0x0] =	wrdreg $0x60  }
0xae: {  	[dreg:$0x2] =	wrdreg s24  }
0xaf: {  	[dreg:$0x3] =	wrdreg $0x135600  }
0xb0: {  	[dreg:$0x4] =	wrdreg $0x9  }
0xb1: {  	_ =	task.clear_ibuf [dreg:s6], $0x5FFFF;
	_ =	strace $0x90000049  }
0xb2: {  	s29 =	simm.s32 $0x9;
	_ =	strace $0x8000004B  }
0xb3: {  	_ =	swait.ge [sflag:s29], $0x1  }
0xb4: {  	[sflag:s29] =	ssyncadd.s32 $0xFFFFFFFF  }
0xb5: {  	_ =	strace $0x9000004B  }
0xb6: {  	_ =	sfence  }
0xb7: {  	s30 =	sld [smem:$0x0];
	_ =	sdelay $0x2  }
0xb8: {  	s31 =	sshll.u32 s1, $0xD;
	s1 =	sshrl.u32 s1, $0x2  }
0xb9: {  	s3 =	sand.u32 $0x4000, s31;
	s1 =	sadd.s32 s1, s30  }
0xba: {  	s0 =	sor.u32 s3, s0;
	s1 =	sshll.u32 s1, $0x11  }
0xbb: {  	s0 =	sor.u32 s1, s0  }
0xbc: {  	s0 =	sadd.s32 $0x8F2B, s0  }
0xbd: {  	[sflag:s0] =	ssyncadd.remote.s32 $0x1  }
0xbe: {  	_ =	sfence.sel $0xFFFF  }
0xbf: {  	[dreg:$0x0] =	wrdreg $0xFFFFFFFF;
	(pc) =	sbr.abs _section_cstart, $3  }
0xc0: {  	[dreg:$0x1] =	wrdreg $0xFFFFFFFF  }
0xc1: {  	_ =	task.clear_ibuf [dreg:s6], $0x2FFFF;
	_ =	strace $0x9FFFFFFF  }
0xc2: {  	(tm) =	ssettm $0x7FFFFFFF  }
0xc3: {  	_ =	shalt  }
tec
execute0_lowered:
.L_overlay_start_1:
0x0: {  	(tag) =	ssettag $0x1  }
0x1: {  	s0 =	rddreg [dreg:$0x0]  }
0x2: {  	s1 =	rddreg [dreg:$0x1]  }
0x3: {  	s2 =	srdreg.scid;
	s3 =	simm.s32 $0x0;
	s14 =	stileid.u32  }
0x4: {  	s29 =	simm.s32 $0x4B0;
	s30 =	simm.s32 $0x190;
	s7 =	smul.u32 $0x13880, s14  }
0x5: {  	s31 =	simm.s32 $0x960;
	s2 =	sand.u32 $0x1, s2;
	s9 =	smul.u32 $0x27100, s14  }
0x6: {  	[smem:$0x7FF] =	sst s3;
	s4 =	sadd.s32 $0x63E00, s0;
	s11 =	smul.u32 $0x9C40, s14  }
0x7: {  	s5 =	sadd.s32 $0x2000, s0;
	s8 =	sadd.s32 $0x8B000, s0;
	s15 =	smul.u32 $0x2710, s14  }
0x8: {  	s28 =	simm.s32 $0x7;
	s6 =	smul.u32 $0x138800, s2;
	_ =	strace $0x8000004A  }
0x9: {  	[dreg:$0x3] =	wrdreg s8;
	s24 =	sshll.u32 s2, $0x4;
	s10 =	ssub.s32 $0x2, s2  }
0xa: {  	s26 =	smul.u32 $0x27100, s2;
	p0 =	sne.s32 s2, $0x0;
	s8 =	sor.u32 s14, s24  }
0xb: {  	s12 =	sshrl.u32 s10, $0x1;
	s9 =	sshrl.u32 s9, $0x2;
	s25 =	sadd.s32 s11, s1  }
0xc: {  	s7 =	sadd.s32 s7, s6;
	s6 =	sadd.s32 $0xBE00, s0;
	s8 =	smul.u32 $0x2710, s8  }
0xd: {  	s10 =	ssub.s32 s10, s12;
	s9 =	sadd.s32 s9, s1;
	[dreg:$0x4] =	wrdreg s25  }
0xe: {  	s12 =	sshrl.u32 s11, $0x3;
	s11 =	sadd.s32 s15, s26;
	s7 =	sshrl.u32 s7, $0x3  }
0xf: {  	s20 =	sadd.s32 $0x640, s11;
	s23 =	smax.u32 s10, $0x1;
	s24 =	sadd.s32 $0x320, s11  }
0x10: {  	s10 =	sadd.s32 $0x4B0, s11;
	[dreg:$0x5] =	wrdreg s12;
	s26 =	sadd.s32 s4, s12  }
0x11: {  	s7 =	sadd.s32 s7, s0;
	s8 =	sshrl.u32 s8, $0x3;
	[dreg:$0xd] =	wrdreg s23  }
0x12: {  	s22 =	sshrl.u32 s20, $0x3;
	s25 =	sshrl.u32 s24, $0x3;
	[dreg:$0xf] =	wrdreg s26  }
0x13: {  	s26 =	simm.s32 $0x5;
	s13 =	sadd.s32 s5, s8;
	s3 =	sadd.s32 $0x32, s8  }
0x14: {  	s16 =	sadd.s32 s6, s8;
	s8 =	sadd.s32 $0x64, s8;
	[dreg:$0x6] =	wrdreg s13  }
0x15: {  	s19 =	sadd.s32 $0x8C400, s7;
	s21 =	sadd.s32 $0x8C408, s7;
	[dreg:$0x7] =	wrdreg s16  }
0x16: {  	s20 =	sadd.s32 s22, s6;
	s23 =	sadd.s32 s25, s6;
	[dreg:$0xb] =	wrdreg s19  }
0x17: {  	s24 =	sadd.s32 s25, s5;
	s17 =	sadd.s32 s5, s3;
	[dreg:$0xc] =	wrdreg s21  }
0x18: {  	s25 =	simm.s32 $0x1;
	s13 =	sadd.s32 s6, s3;
	[dreg:$0x8] =	wrdreg s17  }
0x19: {  	s18 =	sadd.s32 s5, s8;
	s15 =	sadd.s32 s6, s8;
	[dreg:$0x9] =	wrdreg s13  }
0x1a: {  	s21 =	sadd.s32 s22, s5;
	s16 =	simm.s32 $0x640;
	[dreg:$0xa] =	wrdreg s18  }
0x1b: {  	s17 =	sadd.s32 $0x77680, s0;
	s0 =	sshrl.u32 @p0 s9, $0x3;
	s9 =	simm.s32 $0x6  }
0x1c: {  	s18 =	simm.s32 $0x0;
	[dreg:$0xe] =	wrdreg s0;
	s0 =	simm.s32 $0x4  }
.LBB2_1:
0x1d: {  	s7 =	stileid.u32  }
0x1e: {  	s8 =	rddreg [dreg:$0x3];
	s2 =	sshll.u32 @p0 s7, $0x6  }
0x1f: {  	s3 =	rddreg [dreg:$0xe];
	s2 =	sor.u32 @p0 $0x1C07, s2  }
0x20: {  	[spmem:s3], [sflag:s2] =	dma.local @p0 [hbm:s8], $0x1388  }
0x21: {  	s2 =	sshll.u32 @!p0 s7, $0x6;
	s7 =	rddreg [dreg:$0x4]  }
0x22: {  	s2 =	sor.u32 @!p0 $0x1C07, s2;
	s3 =	rddreg [dreg:$0xf];
	s7 =	sshrl.u32 @!p0 s7, $0x3  }
0x23: {  	[spmem:s7], [sflag:s2] =	dma.local @!p0 [hbm:s3], $0x1388  }
0x24: {  	_ =	swait.ge [sflag:s28], $0x1388  }
0x25: {  	[sflag:s28] =	ssyncset.done $0x0  }
0x26: {  	[sflag:s28] =	ssyncadd.s32 $0xFFFFEC78  }
0x27: {  	[bflag:$0x0] =	sbarrier.arrive $0xFFFF  }
0x28: {  	s22 =	simm.s32 $0x0;
	s19 =	rddreg [dreg:$0x6]  }
0x29: {  	[tilespmem:s22], [sflag:$0x7] =	stream.linear.gather [hbm4b:s19+s22], $0x190, $0x38;
	[tilespmem:$0x1D1A0] =	vst v63  }
0x2a: {  	_ =	swait.ge [sflag:s28], $0x190  }
0x2b: {  	[sflag:s28] =	ssyncset.done $0x0  }
0x2c: {  	s7 =	rddreg [dreg:$0x7];
	[sflag:s28] =	ssyncadd.s32 $0xFFFFFE70  }
0x2d: {  	[tilespmem:s29], [sflag:$0x7] =	stream.linear.gather [hbm4b:s7+s22], $0x190, $0x38;
	[tilespmem:$0x1D1A0] =	vst v63  }
0x2e: {  	_ =	swait.ge [sflag:s28], $0x190  }
0x2f: {  	[sflag:s28] =	ssyncset.done $0x0  }
0x30: {  	[sflag:s28] =	ssyncadd.s32 $0xFFFFFE70  }
0x31: {  	[tilespmem:s31], [sflag:$0x1] =	stream.indirect.gather [hbm4b:s4+s30], $0x40, s22, s30, $0xb8;
	[tilespmem:$0x1D1A0] =	vst v63  }
0x32: {  	s8 =	rddreg [dreg:$0x8]  }
0x33: {  	[tilespmem:s30], [sflag:$0x7] =	stream.linear.gather [hbm4b:s8+s22], $0x190, $0x38;
	[tilespmem:$0x1D1A0] =	vst v63  }
0x34: {  	_ =	swait.ge [sflag:s28], $0x190  }
0x35: {  	[sflag:s28] =	ssyncset.done $0x0  }
0x36: {  	s11 =	rddreg [dreg:$0x9];
	[sflag:s28] =	ssyncadd.s32 $0xFFFFFE70  }
0x37: {  	[tilespmem:s16], [sflag:$0x7] =	stream.linear.gather [hbm4b:s11+s22], $0x190, $0x38;
	[tilespmem:$0x1D1A0] =	vst v63  }
0x38: {  	_ =	swait.ge [sflag:s28], $0x190  }
0x39: {  	[sflag:s28] =	ssyncset.done $0x0  }
0x3a: {  	s12 =	simm.s32 $0x6D60;
	[sflag:s28] =	ssyncadd.s32 $0xFFFFFE70  }
0x3b: {  	[tilespmem:s12], [sflag:$0x2] =	stream.indirect.gather [hbm4b:s4+s30], $0x40, s30, s30, $0xb8;
	[tilespmem:$0x1D1A0] =	vst v63  }
0x3c: {  	s14 =	simm.s32 $0x320;
	s13 =	rddreg [dreg:$0xa]  }
0x3d: {  	[tilespmem:s14], [sflag:$0x7] =	stream.linear.gather [hbm4b:s13+s22], $0x190, $0x38;
	[tilespmem:$0x1D1A0] =	vst v63  }
0x3e: {  	_ =	swait.ge [sflag:s28], $0x190  }
0x3f: {  	[sflag:s28] =	ssyncset.done $0x0  }
0x40: {  	s19 =	simm.s32 $0x7D0;
	[sflag:s28] =	ssyncadd.s32 $0xFFFFFE70  }
0x41: {  	[tilespmem:s19], [sflag:$0x7] =	stream.linear.gather [hbm4b:s15+s22], $0x190, $0x38;
	[tilespmem:$0x1D1A0] =	vst v63  }
0x42: {  	s2 =	simm.s32 $0xFFFFFFFF;
	_ =	swait.ge [sflag:s28], $0x190  }
0x43: {  	s7 =	smov.u32 s10;
	s8 =	simm.s32 $0x0;
	[sflag:s28] =	ssyncset.done $0x0  }
0x44: {  	s22 =	simm.s32 $0xD160;
	s19 =	simm.s32 $0x0;
	[sflag:s28] =	ssyncadd.s32 $0xFFFFFE70  }
0x45: {  	[tilespmem:s22], [sflag:$0x3] =	stream.indirect.gather [hbm4b:s4+s30], $0x40, s14, s30, $0xb8;
	[tilespmem:$0x1D1A0] =	vst v63  }
.LBB2_2:
0x46: {  	_ =	swait.ge [sflag:s25], $0x6400  }
0x47: {  	p1 =	sgt.u32 s2, $0x15;
	[sflag:s25] =	ssyncset.done $0x0  }
0x48: {  	s11 =	simm.s32 @!p1 $0x6;
	[sflag:s25] =	ssyncadd.s32 $0xFFFF9C00  }
0x49: {  	[spmem:s1] =	stream.indirect.scatter.add.f32 [tilespmem:s31], [sflag:$0x4], $0x40, s29, s30, $0xb8;
	[tilespmem:$0x1D1A0] =	vst v63  }
0x4a: {  	_ =	swait.ge @!p1 [sflag:s11], $0x6400  }
0x4b: {  	s22 =	simm.s32 @!p1 $0x0;
	[sflag:s11] =	ssyncset.done @!p1 $0x0  }
0x4c: {  	s12 =	simm.s32 @!p1 $0x320;
	[sflag:s11] =	ssyncadd.s32 @!p1 $0xFFFF9C00;
	s11 =	sadd.s32 @!p1 s8, s24  }
0x4d: {  	[tilespmem:s12], [sflag:$0x7] =	stream.linear.gather @!p1 [hbm4b:s11+s22], $0x190, $0x38;
	[tilespmem:$0x1D1A0] =	vst v63  }
0x4e: {  	s11 =	simm.s32 @!p1 $0x7  }
0x4f: {  	_ =	swait.ge @!p1 [sflag:s11], $0x190  }
0x50: {  	[sflag:s11] =	ssyncset.done @!p1 $0x0  }
0x51: {  	s13 =	sadd.s32 @!p1 s8, s23;
	s14 =	simm.s32 @!p1 $0x7D0;
	[sflag:s11] =	ssyncadd.s32 @!p1 $0xFFFFFE70  }
0x52: {  	[tilespmem:s14], [sflag:$0x7] =	stream.linear.gather @!p1 [hbm4b:s13+s22], $0x190, $0x38;
	[tilespmem:$0x1D1A0] =	vst v63  }
0x53: {  	_ =	swait.ge @!p1 [sflag:s11], $0x190  }
0x54: {  	[sflag:s11] =	ssyncset.done @!p1 $0x0  }
0x55: {  	s13 =	simm.s32 @!p1 $0xD160;
	[sflag:s11] =	ssyncadd.s32 @!p1 $0xFFFFFE70;
	s11 =	simm.s32 @!p1 $0x190  }
0x56: {  	[tilespmem:s13], [sflag:$0x3] =	stream.indirect.gather @!p1 [hbm4b:s4+s11], $0x40, s12, s11, $0xb8;
	[tilespmem:$0x1D1A0] =	vst v63  }
0x57: {  	p1 =	seq.s32 s8, $0x4B0  }
0x58: {  	s11 =	simm.s32 @!p1 $0x2  }
0x59: {  	_ =	swait.ge @!p1 [sflag:s11], $0x6400  }
0x5a: {  	s12 =	simm.s32 @!p1 $0x640;
	[sflag:s11] =	ssyncset.done @!p1 $0x0  }
0x5b: {  	s13 =	simm.s32 @!p1 $0x6D60;
	[sflag:s11] =	ssyncadd.s32 @!p1 $0xFFFF9C00;
	s11 =	simm.s32 @!p1 $0x190  }
0x5c: {  	[spmem:s1] =	stream.indirect.scatter.add.f32 @!p1 [tilespmem:s13], [sflag:$0x5], $0x40, s12, s11, $0xb8;
	[tilespmem:$0x1D1A0] =	vst v63  }
0x5d: {  	s12 =	simm.s32 @!p1 $0x4  }
0x5e: {  	_ =	swait.ge @!p1 [sflag:s12], $0x6400  }
0x5f: {  	s13 =	sshrl.u32 @!p1 s7, $0x3;
	[sflag:s12] =	ssyncset.done @!p1 $0x0  }
0x60: {  	s14 =	simm.s32 @!p1 $0x0;
	[sflag:s12] =	ssyncadd.s32 @!p1 $0xFFFF9C00;
	s12 =	sadd.s32 @!p1 s5, s13  }
0x61: {  	[tilespmem:s14], [sflag:$0x7] =	stream.linear.gather @!p1 [hbm4b:s12+s14], $0x190, $0x38;
	[tilespmem:$0x1D1A0] =	vst v63  }
0x62: {  	s12 =	simm.s32 @!p1 $0x7  }
0x63: {  	_ =	swait.ge @!p1 [sflag:s12], $0x190  }
0x64: {  	[sflag:s12] =	ssyncset.done @!p1 $0x0  }
0x65: {  	s22 =	simm.s32 @!p1 $0x4B0;
	s13 =	sadd.s32 @!p1 s6, s13;
	[sflag:s12] =	ssyncadd.s32 @!p1 $0xFFFFFE70  }
0x66: {  	[tilespmem:s22], [sflag:$0x7] =	stream.linear.gather @!p1 [hbm4b:s13+s14], $0x190, $0x38;
	[tilespmem:$0x1D1A0] =	vst v63  }
0x67: {  	_ =	swait.ge @!p1 [sflag:s12], $0x190  }
0x68: {  	[sflag:s12] =	ssyncset.done @!p1 $0x0  }
0x69: {  	[sflag:s12] =	ssyncadd.s32 @!p1 $0xFFFFFE70;
	s12 =	simm.s32 @!p1 $0x960  }
0x6a: {  	[tilespmem:s12], [sflag:$0x1] =	stream.indirect.gather @!p1 [hbm4b:s4+s11], $0x40, s14, s11, $0xb8;
	[tilespmem:$0x1D1A0] =	vst v63  }
0x6b: {  	s12 =	simm.s32 @!p1 $0x3  }
0x6c: {  	p2 =	sgt.u32 @!p1 s19, $0x6;
	_ =	swait.ge @!p1 [sflag:s12], $0x6400  }
0x6d: {  	p2 =	por p2, p1;
	[sflag:s12] =	ssyncset.done @!p1 $0x0  }
0x6e: {  	s13 =	simm.s32 @!p1 $0xD160;
	[sflag:s12] =	ssyncadd.s32 @!p1 $0xFFFF9C00;
	s12 =	simm.s32 @!p1 $0x7D0  }
0x6f: {  	[spmem:s1] =	stream.indirect.scatter.add.f32 @!p1 [tilespmem:s13], [sflag:$0x6], $0x40, s12, s11, $0xb8;
	[tilespmem:$0x1D1A0] =	vst v63  }
0x70: {  	s11 =	simm.s32 @!p2 $0x5  }
0x71: {  	_ =	swait.ge @!p2 [sflag:s11], $0x6400  }
0x72: {  	s12 =	simm.s32 @!p2 $0x0;
	[sflag:s11] =	ssyncset.done @!p2 $0x0  }
0x73: {  	s13 =	simm.s32 @!p2 $0x190;
	[sflag:s11] =	ssyncadd.s32 @!p2 $0xFFFF9C00;
	s11 =	sadd.s32 @!p2 s8, s21  }
0x74: {  	[tilespmem:s13], [sflag:$0x7] =	stream.linear.gather @!p2 [hbm4b:s11+s12], $0x190, $0x38;
	[tilespmem:$0x1D1A0] =	vst v63  }
0x75: {  	s11 =	simm.s32 @!p2 $0x7  }
0x76: {  	_ =	swait.ge @!p2 [sflag:s11], $0x190  }
0x77: {  	[sflag:s11] =	ssyncset.done @!p2 $0x0  }
0x78: {  	s22 =	simm.s32 @!p2 $0x640;
	s14 =	sadd.s32 @!p2 s8, s20;
	[sflag:s11] =	ssyncadd.s32 @!p2 $0xFFFFFE70  }
0x79: {  	[tilespmem:s22], [sflag:$0x7] =	stream.linear.gather @!p2 [hbm4b:s14+s12], $0x190, $0x38;
	[tilespmem:$0x1D1A0] =	vst v63  }
0x7a: {  	_ =	swait.ge @!p2 [sflag:s11], $0x190  }
0x7b: {  	[sflag:s11] =	ssyncset.done @!p2 $0x0  }
0x7c: {  	s8 =	sadd.s32 @!p1 $0x96, s8;
	[sflag:s11] =	ssyncadd.s32 @!p2 $0xFFFFFE70;
	s11 =	simm.s32 @!p2 $0x6D60  }
0x7d: {  	[tilespmem:s11], [sflag:$0x2] =	stream.indirect.gather @!p2 [hbm4b:s4+s13], $0x40, s13, s13, $0xb8;
	[tilespmem:$0x1D1A0] =	vst v63  }
0x7e: {  	p2 =	sne.s32 @!p1 s8, $0x546  }
0x7f: {  	p2 =	por p1, !p2  }
.Ltmp0:
0x80: {  	_ = 	snop;
	(pc) =	sbr.rel @!p2 .LBB2_2-.Ltmp0, $2  }
0x81: {  	_ =	sdelay $0x2  }
0x82: {  	s19 =	sadd.s32 @!p1 $0x1, s19;
	s2 =	sadd.s32 @!p1 $0x3, s2;
	s7 =	sadd.s32 @!p1 $0x4B0, s7  }
0x83: {  	_ =	swait.ge [sflag:s0], $0x6400  }
0x84: {  	[sflag:s0] =	ssyncset.done $0x0  }
0x85: {  	[sflag:s0] =	ssyncadd.s32 $0xFFFF9C00  }
0x86: {  	_ =	swait.ge [sflag:s26], $0x6400  }
0x87: {  	[sflag:s26] =	ssyncset.done $0x0  }
0x88: {  	[sflag:s26] =	ssyncadd.s32 $0xFFFF9C00  }
0x89: {  	_ =	swait.ge [sflag:s9], $0x6400  }
0x8a: {  	[sflag:s9] =	ssyncset.done $0x0  }
0x8b: {  	[sflag:s9] =	ssyncadd.s32 $0xFFFF9C00  }
0x8c: {  	s2 =	stileid.u32;
	s3 =	simm.s32 $0x10;
	[bflag:$0x0] =	sbarrier.arrive $0xFFFF  }
0x8d: {  	s8 =	simm.s32 $0x8;
	s2 =	sshll.u32 s2, $0x6;
	s12 =	rddreg [dreg:$0x4]  }
0x8e: {  	s19 =	sor.u32 $0x1C07, s2;
	s7 =	rddreg [dreg:$0xb];
	s2 =	sshrl.u32 s12, $0x3  }
0x8f: {  	[hbm:s7@s3], [sflag:s19] =	dma.strided [spmem:s2@s8], $0x1388, s25, $0x8   }
0x90: {  	_ =	swait.ge [sflag:s28], $0x1388  }
0x91: {  	[sflag:s28] =	ssyncset.done $0x0  }
0x92: {  	[sflag:s28] =	ssyncadd.s32 $0xFFFFEC78  }
0x93: {  	s7 =	rddreg [dreg:$0x5];
	[bflag:$0x0] =	sbarrier.arrive $0xFFFF  }
0x94: {  	s7 =	sadd.s32 @!p0 s7, s17;
	s8 =	rddreg [dreg:$0x3]  }
0x95: {  	s7 =	smov.u32 @p0 s8  }
0x96: {  	[spmem:s2], [sflag:s19] =	dma.local [hbm:s7], $0x1388  }
0x97: {  	_ =	swait.ge [sflag:s28], $0x1388  }
0x98: {  	[sflag:s28] =	ssyncset.done $0x0  }
0x99: {  	[sflag:s28] =	ssyncadd.s32 $0xFFFFEC78  }
0x9a: {  	[bflag:$0x0] =	sbarrier.arrive $0xFFFF  }
0x9b: {  	s7 =	simm.s32 $0x0;
	s13 =	rddreg [dreg:$0x6]  }
0x9c: {  	[tilespmem:s7], [sflag:$0x7] =	stream.linear.gather [hbm4b:s13+s7], $0x190, $0x38;
	[tilespmem:$0x1D1A0] =	vst v63  }
0x9d: {  	_ =	swait.ge [sflag:s28], $0x190  }
0x9e: {  	[sflag:s28] =	ssyncset.done $0x0  }
0x9f: {  	s14 =	rddreg [dreg:$0x7];
	[sflag:s28] =	ssyncadd.s32 $0xFFFFFE70  }
0xa0: {  	[tilespmem:s29], [sflag:$0x7] =	stream.linear.gather [hbm4b:s14+s7], $0x190, $0x38;
	[tilespmem:$0x1D1A0] =	vst v63  }
0xa1: {  	_ =	swait.ge [sflag:s28], $0x190  }
0xa2: {  	[sflag:s28] =	ssyncset.done $0x0  }
0xa3: {  	[sflag:s28] =	ssyncadd.s32 $0xFFFFFE70  }
0xa4: {  	[tilespmem:s31], [sflag:$0x1] =	stream.indirect.gather [hbm4b:s17+s30], $0x40, s7, s30, $0xb8;
	[tilespmem:$0x1D1A0] =	vst v63  }
0xa5: {  	s22 =	rddreg [dreg:$0x8]  }
0xa6: {  	[tilespmem:s30], [sflag:$0x7] =	stream.linear.gather [hbm4b:s22+s7], $0x190, $0x38;
	[tilespmem:$0x1D1A0] =	vst v63  }
0xa7: {  	_ =	swait.ge [sflag:s28], $0x190  }
0xa8: {  	[sflag:s28] =	ssyncset.done $0x0  }
0xa9: {  	s3 =	rddreg [dreg:$0x9];
	[sflag:s28] =	ssyncadd.s32 $0xFFFFFE70  }
0xaa: {  	[tilespmem:s16], [sflag:$0x7] =	stream.linear.gather [hbm4b:s3+s7], $0x190, $0x38;
	[tilespmem:$0x1D1A0] =	vst v63  }
0xab: {  	_ =	swait.ge [sflag:s28], $0x190  }
0xac: {  	[sflag:s28] =	ssyncset.done $0x0  }
0xad: {  	s11 =	simm.s32 $0x6D60;
	[sflag:s28] =	ssyncadd.s32 $0xFFFFFE70  }
0xae: {  	[tilespmem:s11], [sflag:$0x2] =	stream.indirect.gather [hbm4b:s17+s30], $0x40, s30, s30, $0xb8;
	[tilespmem:$0x1D1A0] =	vst v63  }
0xaf: {  	s13 =	simm.s32 $0x320;
	s12 =	rddreg [dreg:$0xa]  }
0xb0: {  	[tilespmem:s13], [sflag:$0x7] =	stream.linear.gather [hbm4b:s12+s7], $0x190, $0x38;
	[tilespmem:$0x1D1A0] =	vst v63  }
0xb1: {  	_ =	swait.ge [sflag:s28], $0x190  }
0xb2: {  	[sflag:s28] =	ssyncset.done $0x0  }
0xb3: {  	s14 =	simm.s32 $0x7D0;
	[sflag:s28] =	ssyncadd.s32 $0xFFFFFE70  }
0xb4: {  	[tilespmem:s14], [sflag:$0x7] =	stream.linear.gather [hbm4b:s15+s7], $0x190, $0x38;
	[tilespmem:$0x1D1A0] =	vst v63  }
0xb5: {  	_ =	swait.ge [sflag:s28], $0x190  }
0xb6: {  	s8 =	simm.s32 $0xFFFFFFFF;
	[sflag:s28] =	ssyncset.done $0x0  }
0xb7: {  	s22 =	simm.s32 $0xD160;
	s16 =	smov.u32 s15;
	[sflag:s28] =	ssyncadd.s32 $0xFFFFFE70  }
0xb8: {  	[tilespmem:s22], [sflag:$0x3] =	stream.indirect.gather [hbm4b:s17+s30], $0x40, s13, s30, $0xb8;
	[tilespmem:$0x1D1A0] =	vst v63  }
0xb9: {  	s3 =	smov.u32 s10;
	s11 =	simm.s32 $0x0;
	s22 =	smov.u32 s10  }
.LBB2_4:
0xba: {  	_ =	swait.ge [sflag:s25], $0x6400  }
0xbb: {  	p1 =	sgt.u32 s8, $0x15;
	[sflag:s25] =	ssyncset.done $0x0  }
0xbc: {  	s12 =	simm.s32 @!p1 $0x6;
	[sflag:s25] =	ssyncadd.s32 $0xFFFF9C00  }
0xbd: {  	[spmem:s1] =	stream.indirect.scatter.add.f32 [tilespmem:s31], [sflag:$0x4], $0x40, s29, s30, $0xb8;
	[tilespmem:$0x1D1A0] =	vst v63  }
0xbe: {  	_ =	swait.ge @!p1 [sflag:s12], $0x6400  }
0xbf: {  	s13 =	simm.s32 @!p1 $0x0;
	[sflag:s12] =	ssyncset.done @!p1 $0x0  }
0xc0: {  	s14 =	simm.s32 @!p1 $0x320;
	[sflag:s12] =	ssyncadd.s32 @!p1 $0xFFFF9C00;
	s12 =	sadd.s32 @!p1 s7, s24  }
0xc1: {  	[tilespmem:s14], [sflag:$0x7] =	stream.linear.gather @!p1 [hbm4b:s12+s13], $0x190, $0x38;
	[tilespmem:$0x1D1A0] =	vst v63  }
0xc2: {  	s12 =	simm.s32 @!p1 $0x7  }
0xc3: {  	_ =	swait.ge @!p1 [sflag:s12], $0x190  }
0xc4: {  	[sflag:s12] =	ssyncset.done @!p1 $0x0  }
0xc5: {  	s15 =	sadd.s32 @!p1 s7, s23;
	s10 =	simm.s32 @!p1 $0x7D0;
	[sflag:s12] =	ssyncadd.s32 @!p1 $0xFFFFFE70  }
0xc6: {  	[tilespmem:s10], [sflag:$0x7] =	stream.linear.gather @!p1 [hbm4b:s15+s13], $0x190, $0x38;
	[tilespmem:$0x1D1A0] =	vst v63  }
0xc7: {  	_ =	swait.ge @!p1 [sflag:s12], $0x190  }
0xc8: {  	[sflag:s12] =	ssyncset.done @!p1 $0x0  }
0xc9: {  	s10 =	simm.s32 @!p1 $0x190;
	[sflag:s12] =	ssyncadd.s32 @!p1 $0xFFFFFE70;
	s12 =	simm.s32 @!p1 $0xD160  }
0xca: {  	[tilespmem:s12], [sflag:$0x3] =	stream.indirect.gather @!p1 [hbm4b:s17+s10], $0x40, s14, s10, $0xb8;
	[tilespmem:$0x1D1A0] =	vst v63  }
0xcb: {  	p1 =	seq.s32 s7, $0x4B0  }
0xcc: {  	s10 =	simm.s32 @!p1 $0x2  }
0xcd: {  	_ =	swait.ge @!p1 [sflag:s10], $0x6400  }
0xce: {  	s12 =	simm.s32 @!p1 $0x640;
	[sflag:s10] =	ssyncset.done @!p1 $0x0  }
0xcf: {  	s13 =	simm.s32 @!p1 $0x6D60;
	[sflag:s10] =	ssyncadd.s32 @!p1 $0xFFFF9C00;
	s10 =	simm.s32 @!p1 $0x190  }
0xd0: {  	[spmem:s1] =	stream.indirect.scatter.add.f32 @!p1 [tilespmem:s13], [sflag:$0x5], $0x40, s12, s10, $0xb8;
	[tilespmem:$0x1D1A0] =	vst v63  }
0xd1: {  	s12 =	simm.s32 @!p1 $0x4  }
0xd2: {  	_ =	swait.ge @!p1 [sflag:s12], $0x6400  }
0xd3: {  	s13 =	sshrl.u32 @!p1 s22, $0x3;
	[sflag:s12] =	ssyncset.done @!p1 $0x0  }
0xd4: {  	s14 =	simm.s32 @!p1 $0x0;
	[sflag:s12] =	ssyncadd.s32 @!p1 $0xFFFF9C00;
	s12 =	sadd.s32 @!p1 s5, s13  }
0xd5: {  	[tilespmem:s14], [sflag:$0x7] =	stream.linear.gather @!p1 [hbm4b:s12+s14], $0x190, $0x38;
	[tilespmem:$0x1D1A0] =	vst v63  }
0xd6: {  	s12 =	simm.s32 @!p1 $0x7  }
0xd7: {  	_ =	swait.ge @!p1 [sflag:s12], $0x190  }
0xd8: {  	[sflag:s12] =	ssyncset.done @!p1 $0x0  }
0xd9: {  	s15 =	simm.s32 @!p1 $0x4B0;
	s13 =	sadd.s32 @!p1 s6, s13;
	[sflag:s12] =	ssyncadd.s32 @!p1 $0xFFFFFE70  }
0xda: {  	[tilespmem:s15], [sflag:$0x7] =	stream.linear.gather @!p1 [hbm4b:s13+s14], $0x190, $0x38;
	[tilespmem:$0x1D1A0] =	vst v63  }
0xdb: {  	_ =	swait.ge @!p1 [sflag:s12], $0x190  }
0xdc: {  	[sflag:s12] =	ssyncset.done @!p1 $0x0  }
0xdd: {  	[sflag:s12] =	ssyncadd.s32 @!p1 $0xFFFFFE70;
	s12 =	simm.s32 @!p1 $0x960  }
0xde: {  	[tilespmem:s12], [sflag:$0x1] =	stream.indirect.gather @!p1 [hbm4b:s17+s10], $0x40, s14, s10, $0xb8;
	[tilespmem:$0x1D1A0] =	vst v63  }
0xdf: {  	s12 =	simm.s32 @!p1 $0x3  }
0xe0: {  	p2 =	sgt.u32 @!p1 s11, $0x6;
	_ =	swait.ge @!p1 [sflag:s12], $0x6400  }
0xe1: {  	p2 =	por p2, p1;
	[sflag:s12] =	ssyncset.done @!p1 $0x0  }
0xe2: {  	s13 =	simm.s32 @!p1 $0xD160;
	[sflag:s12] =	ssyncadd.s32 @!p1 $0xFFFF9C00;
	s12 =	simm.s32 @!p1 $0x7D0  }
0xe3: {  	[spmem:s1] =	stream.indirect.scatter.add.f32 @!p1 [tilespmem:s13], [sflag:$0x6], $0x40, s12, s10, $0xb8;
	[tilespmem:$0x1D1A0] =	vst v63  }
0xe4: {  	s10 =	simm.s32 @!p2 $0x5  }
0xe5: {  	_ =	swait.ge @!p2 [sflag:s10], $0x6400  }
0xe6: {  	s12 =	simm.s32 @!p2 $0x0;
	[sflag:s10] =	ssyncset.done @!p2 $0x0  }
0xe7: {  	s13 =	simm.s32 @!p2 $0x190;
	[sflag:s10] =	ssyncadd.s32 @!p2 $0xFFFF9C00;
	s10 =	sadd.s32 @!p2 s7, s21  }
0xe8: {  	[tilespmem:s13], [sflag:$0x7] =	stream.linear.gather @!p2 [hbm4b:s10+s12], $0x190, $0x38;
	[tilespmem:$0x1D1A0] =	vst v63  }
0xe9: {  	s10 =	simm.s32 @!p2 $0x7  }
0xea: {  	_ =	swait.ge @!p2 [sflag:s10], $0x190  }
0xeb: {  	[sflag:s10] =	ssyncset.done @!p2 $0x0  }
0xec: {  	s15 =	simm.s32 @!p2 $0x640;
	s14 =	sadd.s32 @!p2 s7, s20;
	[sflag:s10] =	ssyncadd.s32 @!p2 $0xFFFFFE70  }
0xed: {  	[tilespmem:s15], [sflag:$0x7] =	stream.linear.gather @!p2 [hbm4b:s14+s12], $0x190, $0x38;
	[tilespmem:$0x1D1A0] =	vst v63  }
0xee: {  	_ =	swait.ge @!p2 [sflag:s10], $0x190  }
0xef: {  	[sflag:s10] =	ssyncset.done @!p2 $0x0  }
0xf0: {  	s7 =	sadd.s32 @!p1 $0x96, s7;
	[sflag:s10] =	ssyncadd.s32 @!p2 $0xFFFFFE70;
	s10 =	simm.s32 @!p2 $0x6D60  }
0xf1: {  	[tilespmem:s10], [sflag:$0x2] =	stream.indirect.gather @!p2 [hbm4b:s17+s13], $0x40, s13, s13, $0xb8;
	[tilespmem:$0x1D1A0] =	vst v63  }
0xf2: {  	p2 =	sne.s32 @!p1 s7, $0x546  }
0xf3: {  	p2 =	por p1, !p2  }
.Ltmp1:
0xf4: {  	_ = 	snop;
	(pc) =	sbr.rel @!p2 .LBB2_4-.Ltmp1, $2  }
0xf5: {  	_ =	sdelay $0x2  }
0xf6: {  	s11 =	sadd.s32 @!p1 $0x1, s11;
	s8 =	sadd.s32 @!p1 $0x3, s8;
	s22 =	sadd.s32 @!p1 $0x4B0, s22  }
0xf7: {  	_ =	swait.ge [sflag:s0], $0x6400  }
0xf8: {  	[sflag:s0] =	ssyncset.done $0x0  }
0xf9: {  	[sflag:s0] =	ssyncadd.s32 $0xFFFF9C00  }
0xfa: {  	_ =	swait.ge [sflag:s26], $0x6400  }
0xfb: {  	[sflag:s26] =	ssyncset.done $0x0  }
0xfc: {  	[sflag:s26] =	ssyncadd.s32 $0xFFFF9C00  }
0xfd: {  	_ =	swait.ge [sflag:s9], $0x6400  }
0xfe: {  	[sflag:s9] =	ssyncset.done $0x0  }
0xff: {  	[sflag:s9] =	ssyncadd.s32 $0xFFFF9C00  }
0x100: {  	[bflag:$0x0] =	sbarrier.arrive $0xFFFF  }
0x101: {  	s8 =	simm.s32 $0x10;
	s10 =	simm.s32 $0x8;
	s7 =	rddreg [dreg:$0xc]  }
0x102: {  	[hbm:s7@s8], [sflag:s19] =	dma.strided [spmem:s2@s10], $0x1388, s25, $0x8   }
0x103: {  	_ =	swait.ge [sflag:s28], $0x1388  }
0x104: {  	s18 =	sadd.s32 $0x1, s18;
	s22 =	rddreg [dreg:$0xd]  }
0x105: {  	p1 =	sne.s32 s18, s22  }
.Ltmp2:
0x106: {  	_ = 	snop;
	(pc) =	sbr.rel @p1 .LBB2_1-.Ltmp2, $4  }
0x107: {  	[sflag:s28] =	ssyncset.done $0x0  }
0x108: {  	[sflag:s28] =	ssyncadd.s32 $0xFFFFEC78  }
0x109: {  	[bflag:$0x0] =	sbarrier.arrive $0xFFFF  }
0x10a: {  	s15 =	smov.u32 s16;
	s16 =	simm.s32 $0x640;
	s10 =	smov.u32 s3  }
0x10b: {  	_ =	sfence.sel $0x180000  }
0x10c: {  	[bflag:$0x0] =	sbarrier.arrive $0xFFFF  }
0x10d: {  	_ =	strace $0x9000004A  }
0x10e: {  	s0 =	stileid.u32;
	[bflag:$0x2] =	sbarrier.arrive $0xFFFF  }
0x10f: {  	p0 =	sne.s32 s0, $0x0;
	s0 =	rddreg [dreg:$0x2]  }
0x110: {  	s0 =	sadd.s32 @!p0 $0x100000, s0  }
0x111: {  	[sflag:s0] =	ssyncadd.tile.s32 @!p0 $0x1;
	_ =	shalt  }
.Lfunc_end2:
_tile_overlayer_lowered:
.L_overlay_start_2:
0x112: {  	(tag) =	ssettag $0x2  }
0x113: {  	s0 =	rddreg [dreg:$0x0];
	s2 =	stileid.u32  }
0x114: {  	s1 =	rddreg [dreg:$0x1];
	p0 =	sne.s32 s2, $0x0  }
0x115: {  	s3 =	rddreg [dreg:$0x2];
	[bflag:$0x3] =	sbarrier.arrive $0xFFFF;
	s2 =	simm.s32 @!p0 $0x1C07  }
0x116: {  	[timem:s3], [sflag:s2] =	dma.local @!p0 [hbm:s0], s1  }
0x117: {  	s0 =	simm.s32 @!p0 $0x7  }
0x118: {  	_ =	swait.ge @!p0 [sflag:s0], s1  }
0x119: {  	s1 =	ssub.s32 @!p0 $0x0, s1;
	[sflag:s0] =	ssyncset.done @!p0 $0x0  }
0x11a: {  	[sflag:s0] =	ssyncadd.s32 @!p0 s1  }
0x11b: {  	[bflag:$0x3] =	sbarrier.arrive $0xFFFF  }
0x11c: {  	_ =	shalt  }

// kernel: kernel.14.cloned.1.call-start
scs
__scs_entry_jumppad:
0x0: {  	(pc) =	sbr.rel $0x88, $3  }
0x1: {  	(tag) =	ssettag $0x0;
	lr =	simm.s32 $0x1  }
0x2: {  	[smem:$0x3F9B] =	sst lr;
	_ =	strace $0xD0000000  }
0x3: {  	_ = 	snop  }
0x4: {  	_ = 	snop  }
0x5: {  	_ = 	snop  }
0x6: {  	_ = 	snop  }
0x7: {  	_ = 	snop  }
__scs_overlays_trampoline_lowered:
0x8: {  	[smem:$0x3FAA] =	sst s0  }
0x9: {  	[smem:$0x3FAB] =	sst s1  }
0xa: {  	[smem:$0x3FAC] =	sst s2  }
0xb: {  	[smem:$0x3FAD] =	sst s3  }
0xc: {  	[smem:$0x3FAE] =	sst s4  }
0xd: {  	[smem:$0x3FAF] =	sst s5  }
0xe: {  	[smem:$0x3FB0] =	sst s6  }
0xf: {  	[smem:$0x3FB1] =	sst s7  }
0x10: {  	[smem:$0x3FB2] =	sst s8  }
0x11: {  	[smem:$0x3FB3] =	sst s9;
	s0 =	simm.s32 @!p0 $0x0  }
0x12: {  	s1 =	sld [smem:$0x3F99];
	s0 =	simm.s32 @p0 $0x1  }
0x13: {  	[smem:$0x3FB4] =	sst s0;
	s0 =	simm.s32 @!p1 $0x0  }
0x14: {  	s2 =	sld [smem:$0x3F98];
	s0 =	simm.s32 @p1 $0x1  }
0x15: {  	[smem:$0x3FB5] =	sst s0;
	s0 =	simm.s32 @!p2 $0x0  }
0x16: {  	s3 =	sld [smem:$0x3FDB];
	s0 =	simm.s32 @p2 $0x1  }
0x17: {  	s4 =	simm.s32 $0x1BF5;
	[smem:$0x3FB7] =	sst s0  }
0x18: {  	s0 =	sld [smem:$0x3F9A];
	_ =	swait.ge [sflag:s4], $0x0  }
0x19: {  	s7 =	sld [smem:$0x3F9B]  }
0x1a: {  	s8 =	sadd.s32 $0xFFFFE003, lr  }
0x1b: {  	s9 =	sadd.s32 $0xFFFFFEF7, lr;
	s5 =	simm.s32 $0xFFFFFFFF;
	p2 =	slt.u32 s8, $0xFFFFF086  }
0x1c: {  	p1 =	slt.u32 s9, $0xF7A;
	s5 =	simm.s32 @!p2 $0x0  }
0x1d: {  	s5 =	simm.s32 @p1 $0x1;
	p0 =	seq.s32 s7, s2  }
0x1e: {  	s7 =	smul.u32 @!p0 $0xF7A, s2;
	p2 =	seq.s32 @!p0 s5, $0x0  }
0x1f: {  	s9 =	smul.u32 $0xF7A, s1;
	s8 =	simm.s32 @!p0 $0x1BF5;
	p2 =	por !p2, p0  }
0x20: {  	[sflag:s8] =	ssyncset.s32 @!p0 $0xFFFFF086;
	s6 =	sadd.s32 @!p0 s3, s7;
	s7 =	simm.s32 @!p0 $0x108  }
0x21: {  	s3 =	sadd.s32 s3, s9;
	s6 =	sadd.s32 @!p0 $0x88, s6;
	s7 =	simm.s32 @p2 $0x1082  }
0x22: {  	[simem:s7], [sflag:s8] =	dma.local @!p0 [hbm:s6], $0xF7A  }
0x23: {  	s9 =	sor.u32 $0xD0000000, s2;
	s6 =	simm.s32 $0x108;
	_ =	swait.ge @!p0 [sflag:s8], $0x0  }
0x24: {  	s3 =	sadd.s32 $0x88, s3;
	s6 =	simm.s32 @!p1 $0x1082;
	[sflag:s4] =	ssyncset.s32 $0xFFFFF086  }
0x25: {  	[simem:s6], [sflag:s4] =	dma.local [hbm:s3], $0xF7A  }
0x26: {  	[smem:$0x3F9B] =	sst s1;
	(tag) =	ssettag s2;
	_ =	strace s9  }
0x27: {  	s1 =	sld [smem:$0x3FAB]  }
0x28: {  	s2 =	sld [smem:$0x3FAC]  }
0x29: {  	s4 =	sld [smem:$0x3FAE]  }
0x2a: {  	p0 =	seq.s32 s5, $0x0;
	s5 =	sld [smem:$0x3FAF]  }
0x2b: {  	s6 =	sld [smem:$0x3FB0]  }
0x2c: {  	s7 =	sld [smem:$0x3FB1]  }
0x2d: {  	s3 =	simm.s32 $0x108;
	s8 =	sld [smem:$0x3FB2]  }
0x2e: {  	s3 =	simm.s32 @!p0 $0x1082;
	s9 =	sld [smem:$0x3FB3]  }
0x2f: {  	lr =	sadd.s32 s0, s3;
	s0 =	sld [smem:$0x3FAA]  }
0x30: {  	s3 =	sld [smem:$0x3FAD]  }
0x31: {  	[smem:$0x3FB6] =	sst s10  }
0x32: {  	s10 =	sld [smem:$0x3FB4];
	_ =	sdelay $0x3  }
0x33: {  	p0 =	seq.s32 s10, $0x1;
	s10 =	sld [smem:$0x3FB6];
	_ =	sdelay $0x3  }
0x34: {  	[smem:$0x3FB6] =	sst s10  }
0x35: {  	s10 =	sld [smem:$0x3FB5];
	_ =	sdelay $0x3  }
0x36: {  	p1 =	seq.s32 s10, $0x1;
	s10 =	sld [smem:$0x3FB6];
	_ =	sdelay $0x3  }
0x37: {  	[smem:$0x3FB6] =	sst s10  }
0x38: {  	s10 =	sld [smem:$0x3FB7]  }
0x39: {  	_ = 	snop;
	(pc) =	sbr.ind lr, $3  }
0x3a: {  	_ = 	snop  }
0x3b: {  	_ = 	snop  }
0x3c: {  	p2 =	seq.s32 s10, $0x1;
	s10 =	sld [smem:$0x3FB6]  }
0x3d: {  	_ =	shalt  }
0x3e: {  	_ =	shalt  }
0x3f: {  	_ =	shalt  }
0x40: {  	_ =	shalt  }
0x41: {  	_ =	shalt  }
0x42: {  	_ =	shalt  }
0x43: {  	_ =	shalt  }
0x44: {  	_ =	shalt  }
0x45: {  	_ =	shalt  }
0x46: {  	_ =	shalt  }
0x47: {  	_ =	shalt  }
0x48: {  	_ =	shalt  }
0x49: {  	_ =	shalt  }
0x4a: {  	_ =	shalt  }
0x4b: {  	_ =	shalt  }
0x4c: {  	_ =	shalt  }
0x4d: {  	_ =	shalt  }
0x4e: {  	_ =	shalt  }
0x4f: {  	_ =	shalt  }
0x50: {  	_ =	shalt  }
0x51: {  	_ =	shalt  }
0x52: {  	_ =	shalt  }
0x53: {  	_ =	shalt  }
0x54: {  	_ =	shalt  }
0x55: {  	_ =	shalt  }
0x56: {  	_ =	shalt  }
0x57: {  	_ =	shalt  }
0x58: {  	_ =	shalt  }
0x59: {  	_ =	shalt  }
0x5a: {  	_ =	shalt  }
0x5b: {  	_ =	shalt  }
0x5c: {  	_ =	shalt  }
0x5d: {  	_ =	shalt  }
0x5e: {  	_ =	shalt  }
0x5f: {  	_ =	shalt  }
0x60: {  	_ =	shalt  }
0x61: {  	_ =	shalt  }
0x62: {  	_ =	shalt  }
0x63: {  	_ =	shalt  }
0x64: {  	_ =	shalt  }
0x65: {  	_ =	shalt  }
0x66: {  	_ =	shalt  }
0x67: {  	_ =	shalt  }
0x68: {  	_ =	shalt  }
0x69: {  	_ =	shalt  }
0x6a: {  	_ =	shalt  }
0x6b: {  	_ =	shalt  }
0x6c: {  	_ =	shalt  }
0x6d: {  	_ =	shalt  }
0x6e: {  	_ =	shalt  }
0x6f: {  	_ =	shalt  }
0x70: {  	_ =	shalt  }
0x71: {  	_ =	shalt  }
0x72: {  	_ =	shalt  }
0x73: {  	_ =	shalt  }
0x74: {  	_ =	shalt  }
0x75: {  	_ =	shalt  }
0x76: {  	_ =	shalt  }
0x77: {  	_ =	shalt  }
0x78: {  	_ =	shalt  }
0x79: {  	_ =	shalt  }
0x7a: {  	_ =	shalt  }
0x7b: {  	_ =	shalt  }
0x7c: {  	_ =	shalt  }
0x7d: {  	_ =	shalt  }
0x7e: {  	_ =	shalt  }
0x7f: {  	_ =	shalt  }
0x80: {  	_ =	shalt  }
0x81: {  	_ =	shalt  }
0x82: {  	_ =	shalt  }
0x83: {  	_ =	shalt  }
0x84: {  	_ =	shalt  }
0x85: {  	_ =	shalt  }
0x86: {  	_ =	shalt  }
0x87: {  	_ =	shalt  }
.Lfunc_end0:
.L_simem_size_0:
called_computation.2_lowered:
.L_overlay_start_0:
0x88: {  	s2 =	sld [smem:$0x3FD9]  }
0x89: {  	s3 =	sld [smem:$0x3FFE];
	_ =	sdelay $0x1  }
0x8a: {  	s1 =	srdreg.scid  }
0x8b: {  	s0 =	sand.u32 $0x1, s1  }
0x8c: {  	s17 =	sshll.u32 s0, $0xA;
	s2 =	sadd.s32 s3, s2  }
0x8d: {  	s2 =	sadd.s32 s2, s17  }
0x8e: {  	[smem:$0x3FC2] =	sst s2  }
0x8f: {  	_ = 	snop  }
0x90: {  	s2 =	sld [smem:$0x3FD0];
	(tm) =	ssettm $0x1  }
0x91: {  	s18 =	sld [smem:$0x3FFB];
	_ =	sdelay $0x3  }
0x92: {  	_ =	strace s18  }
0x93: {  	s3 =	sld [smem:$0x3FFC];
	_ =	sdelay $0x3  }
0x94: {  	_ =	strace s3  }
0x95: {  	s3 =	sld [smem:$0x3FFD];
	_ =	sdelay $0x3  }
0x96: {  	_ =	strace s3  }
0x97: {  	_ =	strace $0x8FFFFFFF  }
0x98: {  	s19 =	sld [smem:$0x3FDB];
	_ =	sdelay $0x1  }
0x99: {  	s4 =	simm.s32 $_scs_section_size  }
0x9a: {  	s5 =	simm.s32 $_size__tile_overlayer_lowered;
	s6 =	simm.s32 $_tile_overlayer_lowered  }
0x9b: {  	s22 =	simm.s32 $0x1BFF;
	s21 =	sshll.u32 s6, $0x1;
	s3 =	sadd.s32 s4, s19  }
0x9c: {  	s7 =	simm.s32 $0x0;
	s20 =	sshll.u32 s5, $0x1;
	s5 =	sadd.s32 s21, s3  }
0x9d: {  	[timem:s7], [sflag:s22] =	dma.local [hbm:s5], s20  }
0x9e: {  	_ =	swait.ge [sflag:s22], s20  }
0x9f: {  	s4 =	ssub.s32 $0x0, s20;
	[sflag:s22] =	ssyncset.done $0x0  }
0xa0: {  	[sflag:s22] =	ssyncadd.s32 s4;
	_ =	sdelay $0x1  }
0xa1: {  	s23 =	simm.s32 $0x1B8B  }
0xa2: {  	_ =	swait.ge [sflag:s23], $0x1  }
0xa3: {  	[sflag:s23] =	ssyncset.done $0x0  }
0xa4: {  	s25 =	simm.s32 $0x1B8E;
	s24 =	sld [smem:$0x3FFE];
	[sflag:s23] =	ssyncadd.s32 $0xFFFFFFFF  }
0xa5: {  	s26 =	simm.s32 $execute0_lowered;
	[smem:$0x3FD2] =	sst s25  }
0xa6: {  	s5 =	sshll.u32 s26, $0x1;
	_ =	strace $0x8000004C;
	[dreg:$0x1] =	wrdreg $0xFFFFFFFF  }
0xa7: {  	s28 =	simm.s32 $_size_execute0_lowered;
	s3 =	sadd.s32 s3, s5;
	[dreg:$0x0] =	wrdreg $0x0  }
0xa8: {  	s5 =	sshll.u32 s28, $0x1;
	[dreg:$0x2] =	wrdreg s3  }
0xa9: {  	[dreg:$0x3] =	wrdreg s5  }
0xaa: {  	[dreg:$0x4] =	wrdreg $0xC0  }
0xab: {  	_ =	task [dreg:s7], $0x5FFFF  }
0xac: {  	[dreg:$0x1] =	wrdreg $0xFFFFFFFF  }
0xad: {  	[dreg:$0x0] =	wrdreg $0x60  }
0xae: {  	[dreg:$0x2] =	wrdreg s2  }
0xaf: {  	[dreg:$0x3] =	wrdreg s24  }
0xb0: {  	[dreg:$0x4] =	wrdreg $0x135600  }
0xb1: {  	[dreg:$0x5] =	wrdreg $0x9  }
0xb2: {  	_ =	task.clear_ibuf [dreg:s7], $0x6FFFF;
	_ =	strace $0x9000004C  }
0xb3: {  	s29 =	simm.s32 $0x9;
	_ =	strace $0x8000004E  }
0xb4: {  	_ =	swait.ge [sflag:s29], $0x1  }
0xb5: {  	[sflag:s29] =	ssyncadd.s32 $0xFFFFFFFF  }
0xb6: {  	_ =	strace $0x9000004E  }
0xb7: {  	_ =	sfence  }
0xb8: {  	s30 =	sld [smem:$0x0];
	_ =	sdelay $0x2  }
0xb9: {  	s31 =	sshll.u32 s1, $0xD;
	s1 =	sshrl.u32 s1, $0x2  }
0xba: {  	s3 =	sand.u32 $0x4000, s31;
	s1 =	sadd.s32 s1, s30  }
0xbb: {  	s0 =	sor.u32 s3, s0;
	s1 =	sshll.u32 s1, $0x11  }
0xbc: {  	s0 =	sor.u32 s1, s0  }
0xbd: {  	s0 =	sadd.s32 $0x8F2B, s0  }
0xbe: {  	[sflag:s0] =	ssyncadd.remote.s32 $0x1  }
0xbf: {  	_ =	sfence.sel $0xFFFF  }
0xc0: {  	[dreg:$0x0] =	wrdreg $0xFFFFFFFF;
	(pc) =	sbr.abs _section_cstart, $3  }
0xc1: {  	[dreg:$0x1] =	wrdreg $0xFFFFFFFF  }
0xc2: {  	_ =	task.clear_ibuf [dreg:s7], $0x2FFFF;
	_ =	strace $0x9FFFFFFF  }
0xc3: {  	(tm) =	ssettm $0x7FFFFFFF  }
tec
execute0_lowered:
.L_overlay_start_1:
0x0: {  	(tag) =	ssettag $0x1  }
0x1: {  	s1 =	rddreg [dreg:$0x0]  }
0x2: {  	s0 =	rddreg [dreg:$0x1]  }
0x3: {  	s3 =	rddreg [dreg:$0x2]  }
0x4: {  	s5 =	srdreg.scid;
	s2 =	stileid.u32;
	s4 =	simm.s32 $0x0  }
0x5: {  	s28 =	simm.s32 $0x960;
	s31 =	simm.s32 $0x320;
	s30 =	simm.s32 $0x1  }
0x6: {  	s29 =	simm.s32 $0x5;
	s7 =	sand.u32 $0x1, s5;
	s9 =	smul.u32 $0x9C40, s2  }
0x7: {  	[smem:$0x7FF] =	sst s4;
	s5 =	sadd.s32 $0x2000, s0;
	s25 =	smul.u32 $0x27100, s2  }
0x8: {  	s6 =	sadd.s32 $0xBE00, s0;
	s10 =	sadd.s32 $0x8B000, s0;
	s16 =	smul.u32 $0x2710, s2  }
0x9: {  	s8 =	smul.u32 $0x9C400, s7;
	_ =	strace $0x8000004D;
	[dreg:$0x4] =	wrdreg s10  }
0xa: {  	s26 =	ssub.s32 $0x2, s7;
	s11 =	sshll.u32 s7, $0x4;
	s13 =	smul.u32 $0x27100, s7  }
0xb: {  	p0 =	sne.s32 s7, $0x0;
	s7 =	simm.s32 $0x6;
	s12 =	sshrl.u32 s26, $0x1  }
0xc: {  	s11 =	sor.u32 s2, s11;
	s8 =	sadd.s32 s9, s8;
	s12 =	ssub.s32 s26, s12  }
0xd: {  	s11 =	smul.u32 $0x2710, s11;
	s8 =	sshrl.u32 s8, $0x3;
	s23 =	smax.u32 s12, $0x1  }
0xe: {  	s0 =	sadd.s32 s8, s0;
	s8 =	sadd.s32 s9, s3;
	s9 =	sshrl.u32 s9, $0x3  }
0xf: {  	s11 =	sshrl.u32 s11, $0x3;
	[dreg:$0xd] =	wrdreg s23;
	s9 =	sadd.s32 s1, s9  }
0x10: {  	s10 =	sshrl.u32 s25, $0x2;
	s14 =	sadd.s32 s5, s11;
	[dreg:$0x5] =	wrdreg s9  }
0x11: {  	s10 =	sadd.s32 s10, s3;
	s17 =	sadd.s32 s6, s11;
	[dreg:$0x6] =	wrdreg s14  }
0x12: {  	s18 =	sadd.s32 $0x32, s11;
	s0 =	sadd.s32 $0x15C00, s0;
	[dreg:$0x7] =	wrdreg s17  }
0x13: {  	s23 =	sshrl.u32 @p0 s10, $0x3;
	s15 =	sadd.s32 s5, s18;
	[dreg:$0xc] =	wrdreg s0  }
0x14: {  	s9 =	sadd.s32 $0x64, s11;
	s19 =	sadd.s32 s6, s18;
	[dreg:$0x8] =	wrdreg s15  }
0x15: {  	s11 =	sadd.s32 s16, s13;
	[dreg:$0x9] =	wrdreg s19;
	s20 =	sadd.s32 s5, s9  }
0x16: {  	s0 =	simm.s32 $0x4;
	s9 =	sadd.s32 s6, s9;
	[dreg:$0xa] =	wrdreg s20  }
0x17: {  	s21 =	sadd.s32 $0x640, s11;
	s25 =	sadd.s32 $0x4B0, s11;
	[dreg:$0xb] =	wrdreg s9  }
0x18: {  	s24 =	sadd.s32 $0x320, s11;
	s22 =	sshrl.u32 s21, $0x3;
	[dreg:$0xe] =	wrdreg s25  }
0x19: {  	s26 =	sshrl.u32 s24, $0x3;
	s24 =	simm.s32 $0x7;
	s25 =	simm.s32 $0x4B0  }
0x1a: {  	s9 =	simm.s32 $0x0;
	s18 =	sadd.s32 s22, s6;
	s19 =	sadd.s32 s22, s5  }
0x1b: {  	s21 =	sadd.s32 s26, s6;
	s22 =	sadd.s32 s26, s5;
	s26 =	simm.s32 $0x190  }
.LBB2_1:
0x1c: {  	s10 =	sshll.u32 @p0 s2, $0x6  }
0x1d: {  	s11 =	rddreg [dreg:$0x4];
	s10 =	sor.u32 @p0 $0x1C07, s10  }
0x1e: {  	[spmem:s23], [sflag:s10] =	dma.local @p0 [hbm:s11], $0x1388  }
0x1f: {  	s10 =	sshll.u32 @!p0 s2, $0x6  }
0x20: {  	s12 =	sshrl.u32 @!p0 s8, $0x3;
	s10 =	sor.u32 @!p0 $0x1C07, s10;
	s11 =	rddreg [dreg:$0x5]  }
0x21: {  	[spmem:s12], [sflag:s10] =	dma.local @!p0 [hbm:s11], $0x1388  }
0x22: {  	_ =	swait.ge [sflag:s24], $0x1388  }
0x23: {  	[sflag:s24] =	ssyncset.done $0x0  }
0x24: {  	[sflag:s24] =	ssyncadd.s32 $0xFFFFEC78  }
0x25: {  	[bflag:$0x0] =	sbarrier.arrive $0xFFFF  }
0x26: {  	s17 =	rddreg [dreg:$0x6]  }
0x27: {  	[tilespmem:s4], [sflag:$0x7] =	stream.linear.gather [hbm4b:s17+s4], $0x190, $0x38;
	[tilespmem:$0x1D1A0] =	vst v63  }
0x28: {  	_ =	swait.ge [sflag:s24], $0x190  }
0x29: {  	[sflag:s24] =	ssyncset.done $0x0  }
0x2a: {  	s20 =	rddreg [dreg:$0x7];
	[sflag:s24] =	ssyncadd.s32 $0xFFFFFE70  }
0x2b: {  	[tilespmem:s25], [sflag:$0x7] =	stream.linear.gather [hbm4b:s20+s4], $0x190, $0x38;
	[tilespmem:$0x1D1A0] =	vst v63  }
0x2c: {  	_ =	swait.ge [sflag:s24], $0x190  }
0x2d: {  	[sflag:s24] =	ssyncset.done $0x0  }
0x2e: {  	[sflag:s24] =	ssyncadd.s32 $0xFFFFFE70  }
0x2f: {  	[tilespmem:s28], [sflag:$0x1] =	stream.indirect.gather [hbm4b:s1+s26], $0x40, s4, s26, $0xb8;
	[tilespmem:$0x1D1A0] =	vst v63  }
0x30: {  	s11 =	rddreg [dreg:$0x8]  }
0x31: {  	[tilespmem:s26], [sflag:$0x7] =	stream.linear.gather [hbm4b:s11+s4], $0x190, $0x38;
	[tilespmem:$0x1D1A0] =	vst v63  }
0x32: {  	_ =	swait.ge [sflag:s24], $0x190  }
0x33: {  	[sflag:s24] =	ssyncset.done $0x0  }
0x34: {  	s13 =	simm.s32 $0x640;
	s12 =	rddreg [dreg:$0x9];
	[sflag:s24] =	ssyncadd.s32 $0xFFFFFE70  }
0x35: {  	[tilespmem:s13], [sflag:$0x7] =	stream.linear.gather [hbm4b:s12+s4], $0x190, $0x38;
	[tilespmem:$0x1D1A0] =	vst v63  }
0x36: {  	_ =	swait.ge [sflag:s24], $0x190  }
0x37: {  	[sflag:s24] =	ssyncset.done $0x0  }
0x38: {  	s14 =	simm.s32 $0x6D60;
	[sflag:s24] =	ssyncadd.s32 $0xFFFFFE70  }
0x39: {  	[tilespmem:s14], [sflag:$0x2] =	stream.indirect.gather [hbm4b:s1+s26], $0x40, s26, s26, $0xb8;
	[tilespmem:$0x1D1A0] =	vst v63  }
0x3a: {  	s15 =	rddreg [dreg:$0xa]  }
0x3b: {  	[tilespmem:s31], [sflag:$0x7] =	stream.linear.gather [hbm4b:s15+s4], $0x190, $0x38;
	[tilespmem:$0x1D1A0] =	vst v63  }
0x3c: {  	_ =	swait.ge [sflag:s24], $0x190  }
0x3d: {  	[sflag:s24] =	ssyncset.done $0x0  }
0x3e: {  	s17 =	simm.s32 $0x7D0;
	s16 =	rddreg [dreg:$0xb];
	[sflag:s24] =	ssyncadd.s32 $0xFFFFFE70  }
0x3f: {  	[tilespmem:s17], [sflag:$0x7] =	stream.linear.gather [hbm4b:s16+s4], $0x190, $0x38;
	[tilespmem:$0x1D1A0] =	vst v63  }
0x40: {  	_ =	swait.ge [sflag:s24], $0x190  }
0x41: {  	[sflag:s24] =	ssyncset.done $0x0  }
0x42: {  	s10 =	simm.s32 $0xFFFFFFFF;
	s20 =	simm.s32 $0xD160;
	[sflag:s24] =	ssyncadd.s32 $0xFFFFFE70  }
0x43: {  	[tilespmem:s20], [sflag:$0x3] =	stream.indirect.gather [hbm4b:s1+s26], $0x40, s31, s26, $0xb8;
	[tilespmem:$0x1D1A0] =	vst v63  }
0x44: {  	s12 =	simm.s32 $0x0;
	s13 =	simm.s32 $0x0;
	s20 =	rddreg [dreg:$0xe]  }
.LBB2_2:
0x45: {  	_ =	swait.ge [sflag:s30], $0x6400  }
0x46: {  	p1 =	sgt.u32 s10, $0x15;
	[sflag:s30] =	ssyncset.done $0x0  }
0x47: {  	s14 =	simm.s32 @!p1 $0x6;
	[sflag:s30] =	ssyncadd.s32 $0xFFFF9C00  }
0x48: {  	[spmem:s3] =	stream.indirect.scatter.add.f32 [tilespmem:s28], [sflag:$0x4], $0x40, s25, s26, $0xb8;
	[tilespmem:$0x1D1A0] =	vst v63  }
0x49: {  	_ =	swait.ge @!p1 [sflag:s14], $0x6400  }
0x4a: {  	s15 =	simm.s32 @!p1 $0x0;
	[sflag:s14] =	ssyncset.done @!p1 $0x0  }
0x4b: {  	s16 =	simm.s32 @!p1 $0x320;
	[sflag:s14] =	ssyncadd.s32 @!p1 $0xFFFF9C00;
	s14 =	sadd.s32 @!p1 s12, s22  }
0x4c: {  	[tilespmem:s16], [sflag:$0x7] =	stream.linear.gather @!p1 [hbm4b:s14+s15], $0x190, $0x38;
	[tilespmem:$0x1D1A0] =	vst v63  }
0x4d: {  	s14 =	simm.s32 @!p1 $0x7  }
0x4e: {  	_ =	swait.ge @!p1 [sflag:s14], $0x190  }
0x4f: {  	[sflag:s14] =	ssyncset.done @!p1 $0x0  }
0x50: {  	s17 =	sadd.s32 @!p1 s12, s21;
	s11 =	simm.s32 @!p1 $0x7D0;
	[sflag:s14] =	ssyncadd.s32 @!p1 $0xFFFFFE70  }
0x51: {  	[tilespmem:s11], [sflag:$0x7] =	stream.linear.gather @!p1 [hbm4b:s17+s15], $0x190, $0x38;
	[tilespmem:$0x1D1A0] =	vst v63  }
0x52: {  	_ =	swait.ge @!p1 [sflag:s14], $0x190  }
0x53: {  	[sflag:s14] =	ssyncset.done @!p1 $0x0  }
0x54: {  	s11 =	simm.s32 @!p1 $0x190;
	[sflag:s14] =	ssyncadd.s32 @!p1 $0xFFFFFE70;
	s14 =	simm.s32 @!p1 $0xD160  }
0x55: {  	[tilespmem:s14], [sflag:$0x3] =	stream.indirect.gather @!p1 [hbm4b:s1+s11], $0x40, s16, s11, $0xb8;
	[tilespmem:$0x1D1A0] =	vst v63  }
0x56: {  	p1 =	seq.s32 s12, $0x4B0  }
0x57: {  	s11 =	simm.s32 @!p1 $0x2  }
0x58: {  	_ =	swait.ge @!p1 [sflag:s11], $0x6400  }
0x59: {  	s14 =	simm.s32 @!p1 $0x640;
	[sflag:s11] =	ssyncset.done @!p1 $0x0  }
0x5a: {  	s15 =	simm.s32 @!p1 $0x6D60;
	[sflag:s11] =	ssyncadd.s32 @!p1 $0xFFFF9C00;
	s11 =	simm.s32 @!p1 $0x190  }
0x5b: {  	[spmem:s3] =	stream.indirect.scatter.add.f32 @!p1 [tilespmem:s15], [sflag:$0x5], $0x40, s14, s11, $0xb8;
	[tilespmem:$0x1D1A0] =	vst v63  }
0x5c: {  	s14 =	simm.s32 @!p1 $0x4  }
0x5d: {  	_ =	swait.ge @!p1 [sflag:s14], $0x6400  }
0x5e: {  	s15 =	sshrl.u32 @!p1 s20, $0x3;
	[sflag:s14] =	ssyncset.done @!p1 $0x0  }
0x5f: {  	s16 =	simm.s32 @!p1 $0x0;
	[sflag:s14] =	ssyncadd.s32 @!p1 $0xFFFF9C00;
	s14 =	sadd.s32 @!p1 s5, s15  }
0x60: {  	[tilespmem:s16], [sflag:$0x7] =	stream.linear.gather @!p1 [hbm4b:s14+s16], $0x190, $0x38;
	[tilespmem:$0x1D1A0] =	vst v63  }
0x61: {  	s14 =	simm.s32 @!p1 $0x7  }
0x62: {  	_ =	swait.ge @!p1 [sflag:s14], $0x190  }
0x63: {  	[sflag:s14] =	ssyncset.done @!p1 $0x0  }
0x64: {  	s17 =	simm.s32 @!p1 $0x4B0;
	s15 =	sadd.s32 @!p1 s6, s15;
	[sflag:s14] =	ssyncadd.s32 @!p1 $0xFFFFFE70  }
0x65: {  	[tilespmem:s17], [sflag:$0x7] =	stream.linear.gather @!p1 [hbm4b:s15+s16], $0x190, $0x38;
	[tilespmem:$0x1D1A0] =	vst v63  }
0x66: {  	_ =	swait.ge @!p1 [sflag:s14], $0x190  }
0x67: {  	[sflag:s14] =	ssyncset.done @!p1 $0x0  }
0x68: {  	[sflag:s14] =	ssyncadd.s32 @!p1 $0xFFFFFE70;
	s14 =	simm.s32 @!p1 $0x960  }
0x69: {  	[tilespmem:s14], [sflag:$0x1] =	stream.indirect.gather @!p1 [hbm4b:s1+s11], $0x40, s16, s11, $0xb8;
	[tilespmem:$0x1D1A0] =	vst v63  }
0x6a: {  	s14 =	simm.s32 @!p1 $0x3  }
0x6b: {  	p2 =	sgt.u32 @!p1 s13, $0x6;
	_ =	swait.ge @!p1 [sflag:s14], $0x6400  }
0x6c: {  	p2 =	por p2, p1;
	[sflag:s14] =	ssyncset.done @!p1 $0x0  }
0x6d: {  	s15 =	simm.s32 @!p1 $0xD160;
	[sflag:s14] =	ssyncadd.s32 @!p1 $0xFFFF9C00;
	s14 =	simm.s32 @!p1 $0x7D0  }
0x6e: {  	[spmem:s3] =	stream.indirect.scatter.add.f32 @!p1 [tilespmem:s15], [sflag:$0x6], $0x40, s14, s11, $0xb8;
	[tilespmem:$0x1D1A0] =	vst v63  }
0x6f: {  	s11 =	simm.s32 @!p2 $0x5  }
0x70: {  	_ =	swait.ge @!p2 [sflag:s11], $0x6400  }
0x71: {  	s14 =	simm.s32 @!p2 $0x0;
	[sflag:s11] =	ssyncset.done @!p2 $0x0  }
0x72: {  	s15 =	simm.s32 @!p2 $0x190;
	[sflag:s11] =	ssyncadd.s32 @!p2 $0xFFFF9C00;
	s11 =	sadd.s32 @!p2 s12, s19  }
0x73: {  	[tilespmem:s15], [sflag:$0x7] =	stream.linear.gather @!p2 [hbm4b:s11+s14], $0x190, $0x38;
	[tilespmem:$0x1D1A0] =	vst v63  }
0x74: {  	s11 =	simm.s32 @!p2 $0x7  }
0x75: {  	_ =	swait.ge @!p2 [sflag:s11], $0x190  }
0x76: {  	[sflag:s11] =	ssyncset.done @!p2 $0x0  }
0x77: {  	s17 =	simm.s32 @!p2 $0x640;
	s16 =	sadd.s32 @!p2 s12, s18;
	[sflag:s11] =	ssyncadd.s32 @!p2 $0xFFFFFE70  }
0x78: {  	[tilespmem:s17], [sflag:$0x7] =	stream.linear.gather @!p2 [hbm4b:s16+s14], $0x190, $0x38;
	[tilespmem:$0x1D1A0] =	vst v63  }
0x79: {  	_ =	swait.ge @!p2 [sflag:s11], $0x190  }
0x7a: {  	[sflag:s11] =	ssyncset.done @!p2 $0x0  }
0x7b: {  	s12 =	sadd.s32 @!p1 $0x96, s12;
	[sflag:s11] =	ssyncadd.s32 @!p2 $0xFFFFFE70;
	s11 =	simm.s32 @!p2 $0x6D60  }
0x7c: {  	[tilespmem:s11], [sflag:$0x2] =	stream.indirect.gather @!p2 [hbm4b:s1+s15], $0x40, s15, s15, $0xb8;
	[tilespmem:$0x1D1A0] =	vst v63  }
0x7d: {  	p2 =	sne.s32 @!p1 s12, $0x546  }
0x7e: {  	p2 =	por p1, !p2  }
.Ltmp0:
0x7f: {  	_ = 	snop;
	(pc) =	sbr.rel @!p2 .LBB2_2-.Ltmp0, $2  }
0x80: {  	_ =	sdelay $0x2  }
0x81: {  	s13 =	sadd.s32 @!p1 $0x1, s13;
	s10 =	sadd.s32 @!p1 $0x3, s10;
	s20 =	sadd.s32 @!p1 $0x4B0, s20  }
0x82: {  	_ =	swait.ge [sflag:s0], $0x6400  }
0x83: {  	[sflag:s0] =	ssyncset.done $0x0  }
0x84: {  	[sflag:s0] =	ssyncadd.s32 $0xFFFF9C00  }
0x85: {  	_ =	swait.ge [sflag:s29], $0x6400  }
0x86: {  	[sflag:s29] =	ssyncset.done $0x0  }
0x87: {  	[sflag:s29] =	ssyncadd.s32 $0xFFFF9C00  }
0x88: {  	_ =	swait.ge [sflag:s7], $0x6400  }
0x89: {  	[sflag:s7] =	ssyncset.done $0x0  }
0x8a: {  	[sflag:s7] =	ssyncadd.s32 $0xFFFF9C00  }
0x8b: {  	s10 =	sshll.u32 s2, $0x6;
	[bflag:$0x0] =	sbarrier.arrive $0xFFFF  }
0x8c: {  	s11 =	sshrl.u32 s8, $0x3;
	s10 =	sor.u32 $0x1C07, s10;
	s12 =	rddreg [dreg:$0xc]  }
0x8d: {  	[hbm:s12], [sflag:s10] =	dma.local [spmem:s11], $0x1388  }
0x8e: {  	_ =	swait.ge [sflag:s24], $0x1388  }
0x8f: {  	s9 =	sadd.s32 $0x1, s9;
	s20 =	rddreg [dreg:$0xd]  }
0x90: {  	p1 =	sne.s32 s9, s20  }
.Ltmp1:
0x91: {  	_ = 	snop;
	(pc) =	sbr.rel @p1 .LBB2_1-.Ltmp1, $3  }
0x92: {  	[sflag:s24] =	ssyncset.done $0x0  }
0x93: {  	[sflag:s24] =	ssyncadd.s32 $0xFFFFEC78  }
0x94: {  	[bflag:$0x0] =	sbarrier.arrive $0xFFFF;
	_ =	sdelay $0x1  }
0x95: {  	_ =	sfence.sel $0x180000  }
0x96: {  	[bflag:$0x0] =	sbarrier.arrive $0xFFFF  }
0x97: {  	_ =	strace $0x9000004D  }
0x98: {  	[bflag:$0x2] =	sbarrier.arrive $0xFFFF  }
0x99: {  	p0 =	sne.s32 s2, $0x0;
	s0 =	rddreg [dreg:$0x3]  }
0x9a: {  	s0 =	sadd.s32 @!p0 $0x100000, s0  }
0x9b: {  	[sflag:s0] =	ssyncadd.tile.s32 @!p0 $0x1;
	_ =	shalt  }
.Lfunc_end2:
_tile_overlayer_lowered:
.L_overlay_start_2:
0x9c: {  	(tag) =	ssettag $0x2  }
0x9d: {  	s0 =	rddreg [dreg:$0x0];
	s2 =	stileid.u32  }
0x9e: {  	s1 =	rddreg [dreg:$0x1];
	p0 =	sne.s32 s2, $0x0  }
0x9f: {  	s3 =	rddreg [dreg:$0x2];
	[bflag:$0x3] =	sbarrier.arrive $0xFFFF;
	s2 =	simm.s32 @!p0 $0x1C07  }
0xa0: {  	[timem:s3], [sflag:s2] =	dma.local @!p0 [hbm:s0], s1  }
0xa1: {  	s0 =	simm.s32 @!p0 $0x7  }
0xa2: {  	_ =	swait.ge @!p0 [sflag:s0], s1  }
0xa3: {  	s1 =	ssub.s32 @!p0 $0x0, s1;
	[sflag:s0] =	ssyncset.done @!p0 $0x0  }
0xa4: {  	[sflag:s0] =	ssyncadd.s32 @!p0 s1  }
0xa5: {  	[bflag:$0x3] =	sbarrier.arrive $0xFFFF  }
0xa6: {  	_ =	shalt  }

// kernel: kernel.8.cloned.1.call-start
scs
__scs_entry_jumppad:
0x0: {  	(pc) =	sbr.rel $0x88, $3  }
0x1: {  	(tag) =	ssettag $0x0;
	lr =	simm.s32 $0x1  }
0x2: {  	[smem:$0x3F9B] =	sst lr;
	_ =	strace $0xD0000000  }
0x3: {  	_ = 	snop  }
0x4: {  	_ = 	snop  }
0x5: {  	_ = 	snop  }
0x6: {  	_ = 	snop  }
0x7: {  	_ = 	snop  }
__scs_overlays_trampoline_lowered:
0x8: {  	[smem:$0x3FAA] =	sst s0  }
0x9: {  	[smem:$0x3FAB] =	sst s1  }
0xa: {  	[smem:$0x3FAC] =	sst s2  }
0xb: {  	[smem:$0x3FAD] =	sst s3  }
0xc: {  	[smem:$0x3FAE] =	sst s4  }
0xd: {  	[smem:$0x3FAF] =	sst s5  }
0xe: {  	[smem:$0x3FB0] =	sst s6  }
0xf: {  	[smem:$0x3FB1] =	sst s7  }
0x10: {  	[smem:$0x3FB2] =	sst s8  }
0x11: {  	[smem:$0x3FB3] =	sst s9;
	s0 =	simm.s32 @!p0 $0x0  }
0x12: {  	s1 =	sld [smem:$0x3F99];
	s0 =	simm.s32 @p0 $0x1  }
0x13: {  	[smem:$0x3FB4] =	sst s0;
	s0 =	simm.s32 @!p1 $0x0  }
0x14: {  	s2 =	sld [smem:$0x3F98];
	s0 =	simm.s32 @p1 $0x1  }
0x15: {  	[smem:$0x3FB5] =	sst s0;
	s0 =	simm.s32 @!p2 $0x0  }
0x16: {  	s3 =	sld [smem:$0x3FDB];
	s0 =	simm.s32 @p2 $0x1  }
0x17: {  	s4 =	simm.s32 $0x1BF5;
	[smem:$0x3FB7] =	sst s0  }
0x18: {  	s0 =	sld [smem:$0x3F9A];
	_ =	swait.ge [sflag:s4], $0x0  }
0x19: {  	s7 =	sld [smem:$0x3F9B]  }
0x1a: {  	s8 =	sadd.s32 $0xFFFFE003, lr  }
0x1b: {  	s9 =	sadd.s32 $0xFFFFFEF7, lr;
	s5 =	simm.s32 $0xFFFFFFFF;
	p2 =	slt.u32 s8, $0xFFFFF086  }
0x1c: {  	p1 =	slt.u32 s9, $0xF7A;
	s5 =	simm.s32 @!p2 $0x0  }
0x1d: {  	s5 =	simm.s32 @p1 $0x1;
	p0 =	seq.s32 s7, s2  }
0x1e: {  	s7 =	smul.u32 @!p0 $0xF7A, s2;
	p2 =	seq.s32 @!p0 s5, $0x0  }
0x1f: {  	s9 =	smul.u32 $0xF7A, s1;
	s8 =	simm.s32 @!p0 $0x1BF5;
	p2 =	por !p2, p0  }
0x20: {  	[sflag:s8] =	ssyncset.s32 @!p0 $0xFFFFF086;
	s6 =	sadd.s32 @!p0 s3, s7;
	s7 =	simm.s32 @!p0 $0x108  }
0x21: {  	s3 =	sadd.s32 s3, s9;
	s6 =	sadd.s32 @!p0 $0x88, s6;
	s7 =	simm.s32 @p2 $0x1082  }
0x22: {  	[simem:s7], [sflag:s8] =	dma.local @!p0 [hbm:s6], $0xF7A  }
0x23: {  	s9 =	sor.u32 $0xD0000000, s2;
	s6 =	simm.s32 $0x108;
	_ =	swait.ge @!p0 [sflag:s8], $0x0  }
0x24: {  	s3 =	sadd.s32 $0x88, s3;
	s6 =	simm.s32 @!p1 $0x1082;
	[sflag:s4] =	ssyncset.s32 $0xFFFFF086  }
0x25: {  	[simem:s6], [sflag:s4] =	dma.local [hbm:s3], $0xF7A  }
0x26: {  	[smem:$0x3F9B] =	sst s1;
	(tag) =	ssettag s2;
	_ =	strace s9  }
0x27: {  	s1 =	sld [smem:$0x3FAB]  }
0x28: {  	s2 =	sld [smem:$0x3FAC]  }
0x29: {  	s4 =	sld [smem:$0x3FAE]  }
0x2a: {  	p0 =	seq.s32 s5, $0x0;
	s5 =	sld [smem:$0x3FAF]  }
0x2b: {  	s6 =	sld [smem:$0x3FB0]  }
0x2c: {  	s7 =	sld [smem:$0x3FB1]  }
0x2d: {  	s3 =	simm.s32 $0x108;
	s8 =	sld [smem:$0x3FB2]  }
0x2e: {  	s3 =	simm.s32 @!p0 $0x1082;
	s9 =	sld [smem:$0x3FB3]  }
0x2f: {  	lr =	sadd.s32 s0, s3;
	s0 =	sld [smem:$0x3FAA]  }
0x30: {  	s3 =	sld [smem:$0x3FAD]  }
0x31: {  	[smem:$0x3FB6] =	sst s10  }
0x32: {  	s10 =	sld [smem:$0x3FB4];
	_ =	sdelay $0x3  }
0x33: {  	p0 =	seq.s32 s10, $0x1;
	s10 =	sld [smem:$0x3FB6];
	_ =	sdelay $0x3  }
0x34: {  	[smem:$0x3FB6] =	sst s10  }
0x35: {  	s10 =	sld [smem:$0x3FB5];
	_ =	sdelay $0x3  }
0x36: {  	p1 =	seq.s32 s10, $0x1;
	s10 =	sld [smem:$0x3FB6];
	_ =	sdelay $0x3  }
0x37: {  	[smem:$0x3FB6] =	sst s10  }
0x38: {  	s10 =	sld [smem:$0x3FB7]  }
0x39: {  	_ = 	snop;
	(pc) =	sbr.ind lr, $3  }
0x3a: {  	_ = 	snop  }
0x3b: {  	_ = 	snop  }
0x3c: {  	p2 =	seq.s32 s10, $0x1;
	s10 =	sld [smem:$0x3FB6]  }
0x3d: {  	_ =	shalt  }
0x3e: {  	_ =	shalt  }
0x3f: {  	_ =	shalt  }
0x40: {  	_ =	shalt  }
0x41: {  	_ =	shalt  }
0x42: {  	_ =	shalt  }
0x43: {  	_ =	shalt  }
0x44: {  	_ =	shalt  }
0x45: {  	_ =	shalt  }
0x46: {  	_ =	shalt  }
0x47: {  	_ =	shalt  }
0x48: {  	_ =	shalt  }
0x49: {  	_ =	shalt  }
0x4a: {  	_ =	shalt  }
0x4b: {  	_ =	shalt  }
0x4c: {  	_ =	shalt  }
0x4d: {  	_ =	shalt  }
0x4e: {  	_ =	shalt  }
0x4f: {  	_ =	shalt  }
0x50: {  	_ =	shalt  }
0x51: {  	_ =	shalt  }
0x52: {  	_ =	shalt  }
0x53: {  	_ =	shalt  }
0x54: {  	_ =	shalt  }
0x55: {  	_ =	shalt  }
0x56: {  	_ =	shalt  }
0x57: {  	_ =	shalt  }
0x58: {  	_ =	shalt  }
0x59: {  	_ =	shalt  }
0x5a: {  	_ =	shalt  }
0x5b: {  	_ =	shalt  }
0x5c: {  	_ =	shalt  }
0x5d: {  	_ =	shalt  }
0x5e: {  	_ =	shalt  }
0x5f: {  	_ =	shalt  }
0x60: {  	_ =	shalt  }
0x61: {  	_ =	shalt  }
0x62: {  	_ =	shalt  }
0x63: {  	_ =	shalt  }
0x64: {  	_ =	shalt  }
0x65: {  	_ =	shalt  }
0x66: {  	_ =	shalt  }
0x67: {  	_ =	shalt  }
0x68: {  	_ =	shalt  }
0x69: {  	_ =	shalt  }
0x6a: {  	_ =	shalt  }
0x6b: {  	_ =	shalt  }
0x6c: {  	_ =	shalt  }
0x6d: {  	_ =	shalt  }
0x6e: {  	_ =	shalt  }
0x6f: {  	_ =	shalt  }
0x70: {  	_ =	shalt  }
0x71: {  	_ =	shalt  }
0x72: {  	_ =	shalt  }
0x73: {  	_ =	shalt  }
0x74: {  	_ =	shalt  }
0x75: {  	_ =	shalt  }
0x76: {  	_ =	shalt  }
0x77: {  	_ =	shalt  }
0x78: {  	_ =	shalt  }
0x79: {  	_ =	shalt  }
0x7a: {  	_ =	shalt  }
0x7b: {  	_ =	shalt  }
0x7c: {  	_ =	shalt  }
0x7d: {  	_ =	shalt  }
0x7e: {  	_ =	shalt  }
0x7f: {  	_ =	shalt  }
0x80: {  	_ =	shalt  }
0x81: {  	_ =	shalt  }
0x82: {  	_ =	shalt  }
0x83: {  	_ =	shalt  }
0x84: {  	_ =	shalt  }
0x85: {  	_ =	shalt  }
0x86: {  	_ =	shalt  }
0x87: {  	_ =	shalt  }
.Lfunc_end0:
.L_simem_size_0:
called_computation_lowered:
.L_overlay_start_0:
0x88: {  	s2 =	sld [smem:$0x3FD9]  }
0x89: {  	s3 =	sld [smem:$0x3FFE];
	_ =	sdelay $0x1  }
0x8a: {  	s1 =	srdreg.scid  }
0x8b: {  	s0 =	sand.u32 $0x1, s1  }
0x8c: {  	s17 =	sshll.u32 s0, $0xA;
	s2 =	sadd.s32 s3, s2  }
0x8d: {  	s2 =	sadd.s32 s2, s17  }
0x8e: {  	[smem:$0x3FC2] =	sst s2  }
0x8f: {  	_ = 	snop  }
0x90: {  	s2 =	sld [smem:$0x3FD0];
	(tm) =	ssettm $0x1  }
0x91: {  	s18 =	sld [smem:$0x3FFB];
	_ =	sdelay $0x3  }
0x92: {  	_ =	strace s18  }
0x93: {  	s3 =	sld [smem:$0x3FFC];
	_ =	sdelay $0x3  }
0x94: {  	_ =	strace s3  }
0x95: {  	s3 =	sld [smem:$0x3FFD];
	_ =	sdelay $0x3  }
0x96: {  	_ =	strace s3  }
0x97: {  	_ =	strace $0x8FFFFFFF  }
0x98: {  	s19 =	sld [smem:$0x3FDB];
	_ =	sdelay $0x1  }
0x99: {  	s4 =	simm.s32 $_scs_section_size  }
0x9a: {  	s5 =	simm.s32 $_size__tile_overlayer_lowered;
	s6 =	simm.s32 $_tile_overlayer_lowered  }
0x9b: {  	s22 =	simm.s32 $0x1BFF;
	s21 =	sshll.u32 s6, $0x1;
	s3 =	sadd.s32 s4, s19  }
0x9c: {  	s7 =	simm.s32 $0x0;
	s20 =	sshll.u32 s5, $0x1;
	s5 =	sadd.s32 s21, s3  }
0x9d: {  	[timem:s7], [sflag:s22] =	dma.local [hbm:s5], s20  }
0x9e: {  	_ =	swait.ge [sflag:s22], s20  }
0x9f: {  	s4 =	ssub.s32 $0x0, s20;
	[sflag:s22] =	ssyncset.done $0x0  }
0xa0: {  	[sflag:s22] =	ssyncadd.s32 s4;
	_ =	sdelay $0x1  }
0xa1: {  	s23 =	simm.s32 $0x1B8B  }
0xa2: {  	_ =	swait.ge [sflag:s23], $0x1  }
0xa3: {  	[sflag:s23] =	ssyncset.done $0x0  }
0xa4: {  	s25 =	simm.s32 $0x1B8E;
	s24 =	sld [smem:$0x3FFE];
	[sflag:s23] =	ssyncadd.s32 $0xFFFFFFFF  }
0xa5: {  	s26 =	simm.s32 $execute0_lowered;
	[smem:$0x3FD2] =	sst s25  }
0xa6: {  	s5 =	sshll.u32 s26, $0x1;
	_ =	strace $0x80000046;
	[dreg:$0x1] =	wrdreg $0xFFFFFFFF  }
0xa7: {  	s28 =	simm.s32 $_size_execute0_lowered;
	s3 =	sadd.s32 s3, s5;
	[dreg:$0x0] =	wrdreg $0x0  }
0xa8: {  	s5 =	sshll.u32 s28, $0x1;
	[dreg:$0x2] =	wrdreg s3  }
0xa9: {  	[dreg:$0x3] =	wrdreg s5  }
0xaa: {  	[dreg:$0x4] =	wrdreg $0xC0  }
0xab: {  	_ =	task [dreg:s7], $0x5FFFF  }
0xac: {  	[dreg:$0x1] =	wrdreg $0xFFFFFFFF  }
0xad: {  	[dreg:$0x0] =	wrdreg $0x60  }
0xae: {  	[dreg:$0x2] =	wrdreg s24  }
0xaf: {  	[dreg:$0x3] =	wrdreg s2  }
0xb0: {  	[dreg:$0x4] =	wrdreg $0x46500  }
0xb1: {  	[dreg:$0x5] =	wrdreg $0x9  }
0xb2: {  	_ =	task.clear_ibuf [dreg:s7], $0x6FFFF;
	_ =	strace $0x90000046  }
0xb3: {  	s29 =	simm.s32 $0x9;
	_ =	strace $0x80000048  }
0xb4: {  	_ =	swait.ge [sflag:s29], $0x1  }
0xb5: {  	[sflag:s29] =	ssyncadd.s32 $0xFFFFFFFF  }
0xb6: {  	_ =	strace $0x90000048  }
0xb7: {  	_ =	sfence  }
0xb8: {  	s30 =	sld [smem:$0x0];
	_ =	sdelay $0x2  }
0xb9: {  	s31 =	sshll.u32 s1, $0xD;
	s1 =	sshrl.u32 s1, $0x2  }
0xba: {  	s3 =	sand.u32 $0x4000, s31;
	s1 =	sadd.s32 s1, s30  }
0xbb: {  	s0 =	sor.u32 s3, s0;
	s1 =	sshll.u32 s1, $0x11  }
0xbc: {  	s0 =	sor.u32 s1, s0  }
0xbd: {  	s0 =	sadd.s32 $0x8F2B, s0  }
0xbe: {  	[sflag:s0] =	ssyncadd.remote.s32 $0x1  }
0xbf: {  	_ =	sfence.sel $0xFFFF  }
0xc0: {  	[dreg:$0x0] =	wrdreg $0xFFFFFFFF;
	(pc) =	sbr.abs _section_cstart, $3  }
0xc1: {  	[dreg:$0x1] =	wrdreg $0xFFFFFFFF  }
0xc2: {  	_ =	task.clear_ibuf [dreg:s7], $0x2FFFF;
	_ =	strace $0x9FFFFFFF  }
0xc3: {  	(tm) =	ssettm $0x7FFFFFFF  }
tec
execute0_lowered:
.L_overlay_start_1:
0x0: {  	(tag) =	ssettag $0x1  }
0x1: {  	s4 =	rddreg [dreg:$0x0]  }
0x2: {  	s8 =	rddreg [dreg:$0x1]  }
0x3: {  	s1 =	rddreg [dreg:$0x2]  }
0x4: {  	s0 =	rddreg [dreg:$0x3];
	s2 =	simm.s32 $0x0;
	s3 =	srdreg.scid  }
0x5: {  	s20 =	simm.s32 $0x3E8;
	s21 =	simm.s32 $0x1;
	s22 =	simm.s32 $0x7D0  }
0x6: {  	s23 =	simm.s32 $0x2;
	s24 =	simm.s32 $0x3;
	s25 =	simm.s32 $0x4  }
0x7: {  	s26 =	simm.s32 $0x0;
	[smem:$0x7FF] =	sst s2;
	s5 =	sand.u32 $0x1, s3  }
0x8: {  	s17 =	sadd.s32 $0xBE00, s4;
	s3 =	stileid.u32;
	s4 =	sadd.s32 $0x15C00, s4  }
0x9: {  	_ =	strace $0x80000047;
	s6 =	sshll.u32 s5, $0x4;
	s9 =	smul.u32 $0x2710, s3  }
0xa: {  	s7 =	ssub.s32 $0x2, s5;
	s28 =	sshll.u32 s3, $0x6;
	s29 =	smul.u32 $0x27100, s5  }
0xb: {  	s6 =	sor.u32 s3, s6;
	s10 =	sshrl.u32 s7, $0x1;
	s5 =	sor.u32 $0x1C05, s28  }
0xc: {  	s14 =	smul.u32 $0x2710, s6;
	s18 =	sadd.s32 s9, s1;
	s9 =	sadd.s32 s9, s29  }
0xd: {  	s10 =	ssub.s32 s7, s10;
	s9 =	sshrl.u32 s9, $0x3;
	s18 =	sshrl.u32 s18, $0x3  }
0xe: {  	s30 =	sadd.s32 $0x3E8, s14;
	s11 =	sshrl.u32 s14, $0x3;
	s8 =	sadd.s32 s8, s9  }
0xf: {  	s9 =	smax.u32 s10, $0x1;
	s31 =	sadd.s32 $0xBB8, s14;
	s13 =	sadd.s32 $0x1388, s14  }
0x10: {  	s15 =	sadd.s32 $0x1B58, s14;
	s16 =	sadd.s32 $0x2328, s14;
	s12 =	sshrl.u32 s30, $0x3  }
0x11: {  	s6 =	sadd.s32 s17, s11;
	s11 =	sshrl.u32 s31, $0x3;
	s13 =	sshrl.u32 s13, $0x3  }
0x12: {  	s15 =	sshrl.u32 s15, $0x3;
	s19 =	sshrl.u32 s16, $0x3;
	s7 =	sadd.s32 s17, s12  }
0x13: {  	s10 =	sadd.s32 $0xFA, s6;
	s11 =	sadd.s32 s17, s11;
	s12 =	sadd.s32 $0x1F4, s6  }
0x14: {  	s13 =	sadd.s32 s17, s13;
	s14 =	sadd.s32 $0x2EE, s6;
	s15 =	sadd.s32 s17, s15  }
0x15: {  	v0 =	vimm.f32 $1.000000000e+00;
	s16 =	sadd.s32 $0x3E8, s6;
	s17 =	sadd.s32 s17, s19;
	s19 =	simm.s32 $0x5  }
.LBB2_1:
0x16: {  	s28 =	simm.s32 $0x40;
	s29 =	simm.s32 $0x0  }
.LBB2_2:
0x17: {  	p0 =	sne.s32 s28, $0xF9C0;
	[tilespmem:s29+$0x7D0] =	vst v0;
	s29 =	smov.u32 s28;
	s28 =	sadd.s32 $0x40, s28  }
.Ltmp0:
0x18: {  	(pc) =	sbr.rel @p0 .LBB2_2-.Ltmp0, $2  }
0x19: {  	_ =	sdelay $0x2  }
0x1a: {  	s29 =	sshra.s32 s29, $0x2  }
0x1b: {  	[tilespmem:s29+$0x7D0] =	vst v0  }
0x1c: {  	[spmem:s18], [sflag:s5] =	dma.local [hbm:s4], $0x4E2  }
0x1d: {  	_ =	swait.ge [sflag:s19], $0x4E2  }
0x1e: {  	[sflag:s19] =	ssyncset.done $0x0  }
0x1f: {  	[sflag:s19] =	ssyncadd.s32 $0xFFFFFB1E  }
0x20: {  	[bflag:$0x0] =	sbarrier.arrive $0xFFFF  }
0x21: {  	[tilespmem:s2], [sflag:$0x1] =	stream.linear.gather [hbm4b:s6+s2], $0x3E8, $0x38;
	[tilespmem:$0x6D60] =	vst v63  }
0x22: {  	_ = 	snop  }
0x23: {  	[tilespmem:s20], [sflag:$0x2] =	stream.linear.gather [hbm4b:s7+s2], $0x3E8, $0x38;
	[tilespmem:$0x6D60] =	vst v63  }
0x24: {  	_ =	swait.ge [sflag:s21], $0x3E8  }
0x25: {  	[sflag:s21] =	ssyncset.done $0x0  }
0x26: {  	[sflag:s21] =	ssyncadd.s32 $0xFFFFFC18  }
0x27: {  	[spmem:s1] =	stream.indirect.scatter.add.f32 [tilespmem:s22], [sflag:$0x3], $0x10, s2, s20, $0xb8;
	[tilespmem:$0x6D60] =	vst v63  }
0x28: {  	_ =	swait.ge [sflag:s23], $0x3E8  }
0x29: {  	[sflag:s23] =	ssyncset.done $0x0  }
0x2a: {  	[sflag:s23] =	ssyncadd.s32 $0xFFFFFC18  }
0x2b: {  	[spmem:s1] =	stream.indirect.scatter.add.f32 [tilespmem:s22], [sflag:$0x4], $0x10, s20, s20, $0xb8;
	[tilespmem:$0x6D60] =	vst v63  }
0x2c: {  	_ =	swait.ge [sflag:s24], $0x3E80  }
0x2d: {  	[sflag:s24] =	ssyncset.done $0x0  }
0x2e: {  	[sflag:s24] =	ssyncadd.s32 $0xFFFFC180  }
0x2f: {  	[tilespmem:s2], [sflag:$0x1] =	stream.linear.gather [hbm4b:s10+s2], $0x3E8, $0x38;
	[tilespmem:$0x6D60] =	vst v63  }
0x30: {  	_ =	swait.ge [sflag:s21], $0x3E8  }
0x31: {  	[sflag:s21] =	ssyncset.done $0x0  }
0x32: {  	[sflag:s21] =	ssyncadd.s32 $0xFFFFFC18  }
0x33: {  	[spmem:s1] =	stream.indirect.scatter.add.f32 [tilespmem:s22], [sflag:$0x3], $0x10, s2, s20, $0xb8;
	[tilespmem:$0x6D60] =	vst v63  }
0x34: {  	_ =	swait.ge [sflag:s25], $0x3E80  }
0x35: {  	[sflag:s25] =	ssyncset.done $0x0  }
0x36: {  	[sflag:s25] =	ssyncadd.s32 $0xFFFFC180  }
0x37: {  	[tilespmem:s20], [sflag:$0x2] =	stream.linear.gather [hbm4b:s11+s2], $0x3E8, $0x38;
	[tilespmem:$0x6D60] =	vst v63  }
0x38: {  	_ =	swait.ge [sflag:s23], $0x3E8  }
0x39: {  	[sflag:s23] =	ssyncset.done $0x0  }
0x3a: {  	[sflag:s23] =	ssyncadd.s32 $0xFFFFFC18  }
0x3b: {  	[spmem:s1] =	stream.indirect.scatter.add.f32 [tilespmem:s22], [sflag:$0x4], $0x10, s20, s20, $0xb8;
	[tilespmem:$0x6D60] =	vst v63  }
0x3c: {  	_ =	swait.ge [sflag:s24], $0x3E80  }
0x3d: {  	[sflag:s24] =	ssyncset.done $0x0  }
0x3e: {  	[sflag:s24] =	ssyncadd.s32 $0xFFFFC180  }
0x3f: {  	[tilespmem:s2], [sflag:$0x1] =	stream.linear.gather [hbm4b:s12+s2], $0x3E8, $0x38;
	[tilespmem:$0x6D60] =	vst v63  }
0x40: {  	_ =	swait.ge [sflag:s21], $0x3E8  }
0x41: {  	[sflag:s21] =	ssyncset.done $0x0  }
0x42: {  	[sflag:s21] =	ssyncadd.s32 $0xFFFFFC18  }
0x43: {  	[spmem:s1] =	stream.indirect.scatter.add.f32 [tilespmem:s22], [sflag:$0x3], $0x10, s2, s20, $0xb8;
	[tilespmem:$0x6D60] =	vst v63  }
0x44: {  	_ =	swait.ge [sflag:s25], $0x3E80  }
0x45: {  	[sflag:s25] =	ssyncset.done $0x0  }
0x46: {  	[sflag:s25] =	ssyncadd.s32 $0xFFFFC180  }
0x47: {  	[tilespmem:s20], [sflag:$0x2] =	stream.linear.gather [hbm4b:s13+s2], $0x3E8, $0x38;
	[tilespmem:$0x6D60] =	vst v63  }
0x48: {  	_ =	swait.ge [sflag:s23], $0x3E8  }
0x49: {  	[sflag:s23] =	ssyncset.done $0x0  }
0x4a: {  	[sflag:s23] =	ssyncadd.s32 $0xFFFFFC18  }
0x4b: {  	[spmem:s1] =	stream.indirect.scatter.add.f32 [tilespmem:s22], [sflag:$0x4], $0x10, s20, s20, $0xb8;
	[tilespmem:$0x6D60] =	vst v63  }
0x4c: {  	_ =	swait.ge [sflag:s24], $0x3E80  }
0x4d: {  	[sflag:s24] =	ssyncset.done $0x0  }
0x4e: {  	[sflag:s24] =	ssyncadd.s32 $0xFFFFC180  }
0x4f: {  	[tilespmem:s2], [sflag:$0x1] =	stream.linear.gather [hbm4b:s14+s2], $0x3E8, $0x38;
	[tilespmem:$0x6D60] =	vst v63  }
0x50: {  	_ =	swait.ge [sflag:s21], $0x3E8  }
0x51: {  	[sflag:s21] =	ssyncset.done $0x0  }
0x52: {  	[sflag:s21] =	ssyncadd.s32 $0xFFFFFC18  }
0x53: {  	[spmem:s1] =	stream.indirect.scatter.add.f32 [tilespmem:s22], [sflag:$0x3], $0x10, s2, s20, $0xb8;
	[tilespmem:$0x6D60] =	vst v63  }
0x54: {  	_ =	swait.ge [sflag:s25], $0x3E80  }
0x55: {  	[sflag:s25] =	ssyncset.done $0x0  }
0x56: {  	[sflag:s25] =	ssyncadd.s32 $0xFFFFC180  }
0x57: {  	[tilespmem:s20], [sflag:$0x2] =	stream.linear.gather [hbm4b:s15+s2], $0x3E8, $0x38;
	[tilespmem:$0x6D60] =	vst v63  }
0x58: {  	_ =	swait.ge [sflag:s23], $0x3E8  }
0x59: {  	[sflag:s23] =	ssyncset.done $0x0  }
0x5a: {  	[sflag:s23] =	ssyncadd.s32 $0xFFFFFC18  }
0x5b: {  	[spmem:s1] =	stream.indirect.scatter.add.f32 [tilespmem:s22], [sflag:$0x4], $0x10, s20, s20, $0xb8;
	[tilespmem:$0x6D60] =	vst v63  }
0x5c: {  	_ =	swait.ge [sflag:s24], $0x3E80  }
0x5d: {  	[sflag:s24] =	ssyncset.done $0x0  }
0x5e: {  	[sflag:s24] =	ssyncadd.s32 $0xFFFFC180  }
0x5f: {  	[tilespmem:s2], [sflag:$0x1] =	stream.linear.gather [hbm4b:s16+s2], $0x3E8, $0x38;
	[tilespmem:$0x6D60] =	vst v63  }
0x60: {  	_ =	swait.ge [sflag:s21], $0x3E8  }
0x61: {  	[sflag:s21] =	ssyncset.done $0x0  }
0x62: {  	[sflag:s21] =	ssyncadd.s32 $0xFFFFFC18  }
0x63: {  	[spmem:s1] =	stream.indirect.scatter.add.f32 [tilespmem:s22], [sflag:$0x3], $0x10, s2, s20, $0xb8;
	[tilespmem:$0x6D60] =	vst v63  }
0x64: {  	_ =	swait.ge [sflag:s25], $0x3E80  }
0x65: {  	[sflag:s25] =	ssyncset.done $0x0  }
0x66: {  	[sflag:s25] =	ssyncadd.s32 $0xFFFFC180  }
0x67: {  	[tilespmem:s20], [sflag:$0x2] =	stream.linear.gather [hbm4b:s17+s2], $0x3E8, $0x38;
	[tilespmem:$0x6D60] =	vst v63  }
0x68: {  	_ =	swait.ge [sflag:s23], $0x3E8  }
0x69: {  	[sflag:s23] =	ssyncset.done $0x0  }
0x6a: {  	[sflag:s23] =	ssyncadd.s32 $0xFFFFFC18  }
0x6b: {  	[spmem:s1] =	stream.indirect.scatter.add.f32 [tilespmem:s22], [sflag:$0x4], $0x10, s20, s20, $0xb8;
	[tilespmem:$0x6D60] =	vst v63  }
0x6c: {  	_ =	swait.ge [sflag:s24], $0x3E80  }
0x6d: {  	[sflag:s24] =	ssyncset.done $0x0  }
0x6e: {  	[sflag:s24] =	ssyncadd.s32 $0xFFFFC180  }
0x6f: {  	_ =	swait.ge [sflag:s25], $0x3E80  }
0x70: {  	s26 =	sadd.s32 $0x1, s26;
	[sflag:s25] =	ssyncset.done $0x0  }
0x71: {  	p0 =	sne.s32 s26, s9;
	[sflag:s25] =	ssyncadd.s32 $0xFFFFC180  }
.Ltmp1:
0x72: {  	[bflag:$0x0] =	sbarrier.arrive $0xFFFF;
	(pc) =	sbr.rel @p0 .LBB2_1-.Ltmp1, $4  }
0x73: {  	[hbm:s8], [sflag:s5] =	dma.local [spmem:s18], $0x4E2  }
0x74: {  	_ =	swait.ge [sflag:s19], $0x4E2  }
0x75: {  	[sflag:s19] =	ssyncset.done $0x0  }
0x76: {  	[sflag:s19] =	ssyncadd.s32 $0xFFFFFB1E  }
0x77: {  	_ =	sfence.sel $0x180000  }
0x78: {  	[bflag:$0x0] =	sbarrier.arrive $0xFFFF  }
0x79: {  	p0 =	sne.s32 s3, $0x0;
	_ =	strace $0x90000047  }
0x7a: {  	s0 =	sadd.s32 @!p0 $0x100000, s0;
	[bflag:$0x2] =	sbarrier.arrive $0xFFFF  }
0x7b: {  	[sflag:s0] =	ssyncadd.tile.s32 @!p0 $0x1;
	_ =	shalt  }
.Lfunc_end2:
_tile_overlayer_lowered:
.L_overlay_start_2:
0x7c: {  	(tag) =	ssettag $0x2  }
0x7d: {  	s0 =	rddreg [dreg:$0x0];
	s2 =	stileid.u32  }
0x7e: {  	s1 =	rddreg [dreg:$0x1];
	p0 =	sne.s32 s2, $0x0  }
0x7f: {  	s3 =	rddreg [dreg:$0x2];
	[bflag:$0x3] =	sbarrier.arrive $0xFFFF;
	s2 =	simm.s32 @!p0 $0x1C05  }
0x80: {  	[timem:s3], [sflag:s2] =	dma.local @!p0 [hbm:s0], s1  }
0x81: {  	s0 =	simm.s32 @!p0 $0x5  }
0x82: {  	_ =	swait.ge @!p0 [sflag:s0], s1  }
0x83: {  	s1 =	ssub.s32 @!p0 $0x0, s1;
	[sflag:s0] =	ssyncset.done @!p0 $0x0  }
0x84: {  	[sflag:s0] =	ssyncadd.s32 @!p0 s1  }
0x85: {  	[bflag:$0x3] =	sbarrier.arrive $0xFFFF  }
0x86: {  	_ =	shalt  }

</sc_bundles>
